<compile_context>
chip_gen: v7x
topology: tpu7x:2x2x1
jax: 0.10.2.dev20260603
libtpu: 0.0.44.dev20260713+nightly
codegen_flags: <defaults>
</compile_context>

<pallas_src>
import functools
import math

import jax
import jax.numpy as jnp
from jax import lax
from jax.experimental import pallas as pl
from jax.experimental.pallas import tpu as pltpu
from jax.experimental.pallas import tpu_sc as plsc

N = 50000
D = 128
DE = 16
DT = 100
EMB = 128
H = 2
B = 4096
K = 20
KP = 24
DH = 114
P = 128
DQP = H * P

NC = 2
NS = 16
NW = NC * NS
QROWS_W = B // NW
NROWS_W = B * KP // NW
CHUNK = 128
NCH = NROWS_W // CHUNK
NBUF = 6
GA = 4


@functools.lru_cache(maxsize=None)
def _make_sc_gather():
    mesh = plsc.VectorSubcoreMesh(core_axis_name="c", subcore_axis_name="s")
    return functools.partial(
        pl.kernel,
        mesh=mesh,
        out_type=(jax.ShapeDtypeStruct((B, D), jnp.float32),
                  jax.ShapeDtypeStruct((B * KP, D), jnp.float32)),
        scratch_types=[
            pltpu.VMEM((CHUNK + NROWS_W,), jnp.int32),
            pltpu.VMEM((QROWS_W, D), jnp.float32),
            pltpu.VMEM((NBUF, CHUNK, D), jnp.float32),
        ] + [pltpu.SemaphoreType.DMA] * (2 * NBUF + 2),
    )(_sc_gather_body)


def _sc_gather(table, ids):
    return _make_sc_gather()(table, ids)


def _sc_gather_body(t32, idx_hbm, out_q, out_n, idx_all, qbuf, nbuf,
                    *sems):
    semg, semw = sems[:NBUF], sems[NBUF:2 * NBUF]
    qg, qw = sems[2 * NBUF], sems[2 * NBUF + 1]
    wid = lax.axis_index("s") * NC + lax.axis_index("c")
    nbase = wid * NROWS_W
    qslice = pl.ds(wid * QROWS_W, QROWS_W)

    pltpu.sync_copy(idx_hbm.at[qslice], idx_all.at[pl.ds(0, CHUNK)])
    pltpu.sync_copy(idx_hbm.at[pl.ds(B + nbase, NROWS_W)],
                    idx_all.at[pl.ds(CHUNK, NROWS_W)])
    idxq = idx_all.at[pl.ds(0, CHUNK)]

    def idxn(c):
        return idx_all.at[pl.ds((c + 1) * CHUNK, CHUNK)]

    def fire_g(c):
        pltpu.async_copy(t32.at[idxn(c)], nbuf.at[c % NBUF], semg[c % NBUF])

    def wait_g(c):
        pltpu.make_async_copy(t32.at[idxn(c)], nbuf.at[c % NBUF],
                              semg[c % NBUF]).wait()

    def fire_w(c):
        pltpu.async_copy(nbuf.at[c % NBUF],
                         out_n.at[pl.ds(nbase + c * CHUNK, CHUNK)],
                         semw[c % NBUF])

    def wait_w(c):
        pltpu.make_async_copy(nbuf.at[c % NBUF],
                              out_n.at[pl.ds(nbase + c * CHUNK, CHUNK)],
                              semw[c % NBUF]).wait()

    pltpu.async_copy(t32.at[idxq], qbuf, qg)
    for c in range(GA):
        fire_g(c)
    for c in range(NCH):
        nc = c + GA
        if nc < NCH:
            if nc >= NBUF:
                wait_w(nc - NBUF)
            fire_g(nc)
        wait_g(c)
        fire_w(c)
    pltpu.make_async_copy(t32.at[idxq], qbuf, qg).wait()
    pltpu.async_copy(qbuf, out_q.at[qslice], qw)
    for c in range(NCH - NBUF, NCH):
        wait_w(c)
    pltpu.make_async_copy(qbuf, out_q.at[qslice], qw).wait()


BB = 128
GRID = B // BB
_INV_SQRT_DH = 1.0 / math.sqrt(DH)
_TWO_PI = 2.0 * math.pi
_INV_2PI = 1.0 / _TWO_PI
_CC = (9.99999211e-01, -4.99994213e-01, 4.16597776e-02,
       -1.38587892e-03, 2.42029321e-05, -2.19729219e-07)


def _cos_poly(x):
    r = x - _TWO_PI * jnp.floor(x * _INV_2PI + 0.5)
    y = r * r
    acc = jnp.float32(_CC[5])
    for c in (_CC[4], _CC[3], _CC[2], _CC[1], _CC[0]):
        acc = acc * y + c
    return acc


def _tc_body(nt_ref, nbt_ref, xg_ref, ng_ref, ef_ref, tw_ref, tb_ref,
             wqx_ref, wqt_ref, wkvx_ref, wkvet_ref,
             wo_ref, w1a_ref, w1b_ref, b1_ref, w2_ref, b2_ref, out_ref):
    f32 = jnp.float32
    x = xg_ref[...]
    n = ng_ref[...].astype(jnp.bfloat16)
    ef = ef_ref[...]
    dt3 = (nt_ref[...].reshape(BB, 1, 1)
           - nbt_ref[...].reshape(BB, KP, 1))
    tw = tw_ref[...].reshape(1, 1, DT)
    tb = tb_ref[...].reshape(1, 1, DT)
    kt = _cos_poly(dt3 * tw + tb)
    et = jnp.concatenate([ef, kt.reshape(BB * KP, DT)], axis=-1)

    kv = (jnp.dot(n, wkvx_ref[...], preferred_element_type=f32)
          + jnp.dot(et, wkvet_ref[...], preferred_element_type=f32))

    qc = _cos_poly(tb_ref[...])
    q = (jnp.dot(x, wqx_ref[...], preferred_element_type=f32)
         + jnp.dot(qc, wqt_ref[...], preferred_element_type=f32))

    kv3 = kv.reshape(BB, KP, 2 * DQP)
    kmask3 = lax.broadcasted_iota(jnp.int32, (BB, KP, 1), 1) < K

    outs = []
    for h in range(H):
        qh = q[:, h * P:(h + 1) * P]
        kh = kv3[:, :, h * P:(h + 1) * P]
        vh = kv3[:, :, DQP + h * P:DQP + (h + 1) * P]
        s3 = (jnp.sum(kh * qh[:, None, :], axis=-1, keepdims=True)
              * _INV_SQRT_DH)
        s3 = jnp.where(kmask3, s3, -1e30)
        m = jnp.max(s3, axis=1, keepdims=True)
        e3 = jnp.exp(s3 - m)
        a3 = e3 / jnp.sum(e3, axis=1, keepdims=True)
        outs.append(jnp.sum(a3 * vh, axis=1))

    out = jnp.concatenate(outs, axis=-1)
    ao = jnp.dot(out, wo_ref[...], preferred_element_type=f32)
    h1 = jax.nn.relu(jnp.dot(ao, w1a_ref[...], preferred_element_type=f32)
                     + jnp.dot(x, w1b_ref[...], preferred_element_type=f32)
                     + b1_ref[...])
    out_ref[...] = (jnp.dot(h1, w2_ref[...], preferred_element_type=f32)
                    + b2_ref[...])


def _pad_cols(w):
    return jnp.concatenate(
        [jnp.pad(w[:, :DH], ((0, 0), (0, P - DH))),
         jnp.pad(w[:, DH:], ((0, 0), (0, P - DH)))], axis=1)


def kernel(node_feats, node_ids, node_times, nbr_ids, nbr_times, edge_feats,
           time_w, time_b, Wq, Wk, Wv, Wo, W1, b1, W2, b2):
    ids_p = jnp.pad(nbr_ids.astype(jnp.int32), ((0, 0), (0, KP - K)))
    all_ids = jnp.concatenate(
        [node_ids.astype(jnp.int32), ids_p.reshape(-1)])
    ef_p = jnp.pad(edge_feats,
                   ((0, 0), (0, KP - K), (0, 0))).reshape(B * KP, DE)
    nbt_p = jnp.pad(nbr_times, ((0, 0), (0, KP - K))).reshape(B * KP, 1)
    nt2 = node_times.reshape(B, 1)

    wq_p = _pad_cols(Wq)
    wqx, wqt = wq_p[:D], wq_p[D:]
    wkv = jnp.concatenate([_pad_cols(Wk), _pad_cols(Wv)], axis=1)
    wkvx, wkvet = wkv[:D].astype(jnp.bfloat16), wkv[D:]
    wo_p = jnp.concatenate(
        [jnp.pad(Wo[:DH], ((0, P - DH), (0, 0))),
         jnp.pad(Wo[DH:], ((0, P - DH), (0, 0)))], axis=0)
    w1a, w1b = W1[:D + DT], W1[D + DT:]
    b1r = b1.reshape(1, EMB)
    b2r = b2.reshape(1, EMB)
    twr = time_w.reshape(1, DT)
    tbr = time_b.reshape(1, DT)

    xg, ngf = _sc_gather(node_feats, all_ids)

    full = lambda shape: pl.BlockSpec(shape, lambda i, s=shape: tuple(0 for _ in s))
    grid_spec = pl.GridSpec(
        grid=(GRID,),
        in_specs=[
            pl.BlockSpec((BB, 1), lambda i: (i, 0)),
            pl.BlockSpec((BB * KP, 1), lambda i: (i, 0)),
            pl.BlockSpec((BB, D), lambda i: (i, 0)),
            pl.BlockSpec((BB * KP, D), lambda i: (i, 0)),
            pl.BlockSpec((BB * KP, DE), lambda i: (i, 0)),
            full((1, DT)), full((1, DT)),
            full((D, DQP)), full((DT, DQP)),
            full((D, 2 * DQP)), full((DE + DT, 2 * DQP)),
            full((DQP, D + DT)),
            full((D + DT, EMB)), full((D, EMB)), full((1, EMB)),
            full((EMB, EMB)), full((1, EMB)),
        ],
        out_specs=pl.BlockSpec((BB, EMB), lambda i: (i, 0)),
    )
    h = pl.pallas_call(
        _tc_body,
        grid_spec=grid_spec,
        out_shape=jax.ShapeDtypeStruct((B, EMB), jnp.float32),
    )(nt2, nbt_p, xg, ngf, ef_p, twr, tbr,
      wqx, wqt, wkvx, wkvet, wo_p, w1a, w1b, b1r, W2, b2r)
    return h

# --- scband reference (transcript-rebuilt; emitter-appended) ---
"""Pipeline reference for scband-tgat-73976516706839 (READ-ONLY COPY).

The authoritative reference and input builder live on the scoring server;
editing this copy changes nothing except your own understanding.
"""

import jax, jax.numpy as jnp
import numpy as np

N = 50000   # num nodes
D = 128     # node feature dim
DE = 16     # edge feature dim
DT = 100    # time encoding dim
EMB = 128   # embed_dim (MergeLayer hidden/output)
H = 2       # attention heads
B = 4096    # batch of events
K = 20      # sampled temporal neighbors
DQ = D + DT          # query dim (node feat + time enc)
DK = D + DE + DT     # key/value dim (nbr feat + edge feat + time enc)
DH = DQ // H         # per-head dim


def time2vec(t, w, b):
    # Time2Vec / TGAT time encoder: cos(t * w + b)
    return jnp.cos(t[..., None] * w + b)


def setup_inputs(seed: int = 0) -> dict:
    key = jax.random.key(seed)
    ks = jax.random.split(key, 16)
    return {
        "node_feats": jax.random.normal(ks[0], (N, D), jnp.float32),
        "node_ids": jax.random.randint(ks[1], (B,), 0, N),
        "node_times": jax.random.uniform(ks[2], (B,), jnp.float32),
        "nbr_ids": jax.random.randint(ks[3], (B, K), 0, N),
        "nbr_times": jax.random.uniform(ks[4], (B, K), jnp.float32),
        "edge_feats": jax.random.normal(ks[5], (B, K, DE), jnp.float32),
        # learned parameters
        "time_w": jax.random.normal(ks[6], (DT,), jnp.float32),
        "time_b": jax.random.normal(ks[7], (DT,), jnp.float32),
        "Wq": jax.random.normal(ks[8], (DQ, DQ), jnp.float32) / np.sqrt(DQ),
        "Wk": jax.random.normal(ks[9], (DK, DQ), jnp.float32) / np.sqrt(DK),
        "Wv": jax.random.normal(ks[10], (DK, DQ), jnp.float32) / np.sqrt(DK),
        "Wo": jax.random.normal(ks[11], (DQ, DQ), jnp.float32) / np.sqrt(DQ),
        "W1": jax.random.normal(ks[12], (DQ + D, EMB), jnp.float32) / np.sqrt(DQ + D),
        "b1": jnp.zeros((EMB,), jnp.float32),
        "W2": jax.random.normal(ks[13], (EMB, EMB), jnp.float32) / np.sqrt(EMB),
        "b2": jnp.zeros((EMB,), jnp.float32),
    }


def reference(node_feats, node_ids, node_times, nbr_ids, nbr_times, edge_feats,
              time_w, time_b, Wq, Wk, Wv, Wo, W1, b1, W2, b2):
    # --- compute_node_temporal_embeddings, single TGAT layer ---
    # gather raw features of target nodes (layer-0 embeddings)
    x = jnp.take(node_feats, node_ids, axis=0)                      # [B, D]
    # query time encoding: Time2Vec at delta_t = 0 (matches torch.zeros(...) path)
    q_time = time2vec(jnp.zeros_like(node_times), time_w, time_b)   # [B, DT]
    q_in = jnp.concatenate([x, q_time], axis=-1)                    # [B, DQ]
    # neighbor (layer-0) embeddings via gather
    nbr_x = jnp.take(node_feats, nbr_ids.reshape(-1), axis=0).reshape(B, K, D)
    # delta times: node_interact_times[:, None] - neighbor_times
    dt = node_times[:, None] - nbr_times                            # [B, K]
    k_time = time2vec(dt, time_w, time_b)                           # [B, K, DT]
    k_in = jnp.concatenate([nbr_x, edge_feats, k_time], axis=-1)    # [B, K, DK]
    # TemporalAttention (multi-head attention, query attends over K neighbors)
    Q = (q_in @ Wq).reshape(B, H, DH)                               # [B, H, DH]
    Kp = (k_in @ Wk).reshape(B, K, H, DH)                           # [B, K, H, DH]
    V = (k_in @ Wv).reshape(B, K, H, DH)
    scores = jnp.einsum('bhd,bkhd->bhk', Q, Kp) / np.sqrt(DH)       # [B, H, K]
    attn = jax.nn.softmax(scores, axis=-1)
    out = jnp.einsum('bhk,bkhd->bhd', attn, V).reshape(B, DQ)
    out = out @ Wo                                                  # [B, DQ]
    # MergeLayer: fc2(relu(fc1(cat(attn_out, node_raw_feat))))
    merged = jnp.concatenate([out, x], axis=-1)                     # [B, DQ + D]
    h = jax.nn.relu(merged @ W1 + b1) @ W2 + b2                     # [B, EMB]
    return h

if __name__ == "__main__":
    import jax
    _d = setup_inputs()
    print(jax.jit(kernel)(*tuple(_d.values())))

</pallas_src>

<mosaic_0001>
#map = affine_map<(d0, d1) -> (0, 0)>
#map1 = affine_map<(d0, d1) -> (0)>
module attributes {stable_mosaic.version = 14 : i64} {
  func.func @_sc_gather_body(%arg0: i32, %arg1: i32, %arg2: memref<50000x128xf32, #tpu.memory_space<hbm>>, %arg3: memref<102400xi32, #tpu.memory_space<hbm>>, %arg4: memref<4096x128xf32, #tpu.memory_space<hbm>>, %arg5: memref<98304x128xf32, #tpu.memory_space<hbm>>, %arg6: memref<3200xi32, #tpu.memory_space<vmem>>, %arg7: memref<128x128xf32, #tpu.memory_space<vmem>>, %arg8: memref<6x128x128xf32, #tpu.memory_space<vmem>>, %arg9: memref<!tpu.dma_semaphore, #tpu.memory_space<semaphore_mem>>, %arg10: memref<!tpu.dma_semaphore, #tpu.memory_space<semaphore_mem>>, %arg11: memref<!tpu.dma_semaphore, #tpu.memory_space<semaphore_mem>>, %arg12: memref<!tpu.dma_semaphore, #tpu.memory_space<semaphore_mem>>, %arg13: memref<!tpu.dma_semaphore, #tpu.memory_space<semaphore_mem>>, %arg14: memref<!tpu.dma_semaphore, #tpu.memory_space<semaphore_mem>>, %arg15: memref<!tpu.dma_semaphore, #tpu.memory_space<semaphore_mem>>, %arg16: memref<!tpu.dma_semaphore, #tpu.memory_space<semaphore_mem>>, %arg17: memref<!tpu.dma_semaphore, #tpu.memory_space<semaphore_mem>>, %arg18: memref<!tpu.dma_semaphore, #tpu.memory_space<semaphore_mem>>, %arg19: memref<!tpu.dma_semaphore, #tpu.memory_space<semaphore_mem>>, %arg20: memref<!tpu.dma_semaphore, #tpu.memory_space<semaphore_mem>>, %arg21: memref<!tpu.dma_semaphore, #tpu.memory_space<semaphore_mem>>, %arg22: memref<!tpu.dma_semaphore, #tpu.memory_space<semaphore_mem>>) attributes {dimension_semantics = [#tpu.dimension_semantics<core_parallel>, #tpu.dimension_semantics<subcore_parallel>], iteration_bounds = array<i64: 2, 16>, scalar_prefetch = 0 : i64, scratch_operands = 17 : i64, tpu.core_type = #tpu.core_type<sc_vector_subcore>, window_params = [{transform_indices = #map}, {transform_indices = #map1}, {transform_indices = #map}, {transform_indices = #map}]} {
    %mul3A = arith.constant 2 : i32
    %mul3A_0 = arith.muli %arg1, %mul3A : i32
    %add3A = arith.addi %mul3A_0, %arg0 : i32
    %mul3A_1 = arith.constant 3072 : i32
    %mul3A_2 = arith.muli %add3A, %mul3A_1 : i32
    %mul3A_3 = arith.constant 128 : i32
    %mul3A_4 = arith.muli %add3A, %mul3A_3 : i32
    "tpu.region"() ({
      %run_scoped3A = tpu.sem_alloc : memref<!tpu.dma_semaphore, #tpu.memory_space<semaphore_mem>>
      %dma_start3A_1223 = arith.constant 0 : i32
      %dma_start3A_1224 = tpu.memref_slice %arg6[%dma_start3A_1223] : memref<3200xi32, #tpu.memory_space<vmem>> -> memref<128xi32, #tpu.memory_space<vmem>>
      %dma_start3A_1225 = tpu.memref_slice %arg3[%mul3A_4] : memref<102400xi32, #tpu.memory_space<hbm>> -> memref<128xi32, #tpu.memory_space<hbm>>
      %dma_start3A_1226 = arith.constant 0 : i32
      %dma_start3A_1227 = tpu.memref_slice %arg6[%dma_start3A_1226] : memref<3200xi32, #tpu.memory_space<vmem>> -> memref<128xi32, #tpu.memory_space<vmem>>
      %dma_start3A_1228 = tpu.memref_slice %arg3[%mul3A_4] : memref<102400xi32, #tpu.memory_space<hbm>> -> memref<128xi32, #tpu.memory_space<hbm>>
      tpu.enqueue_dma source(%dma_start3A_1228 : memref<128xi32, #tpu.memory_space<hbm>>) target(%dma_start3A_1227 : memref<128xi32, #tpu.memory_space<vmem>>) target_semaphore(%run_scoped3A : memref<!tpu.dma_semaphore, #tpu.memory_space<semaphore_mem>>)
      %dma_wait3A_1229 = arith.constant 0 : i32
      %dma_wait3A_1230 = tpu.memref_slice %arg6[%dma_wait3A_1229] : memref<3200xi32, #tpu.memory_space<vmem>> -> memref<128xi32, #tpu.memory_space<vmem>>
      %dma_wait3A_1231 = tpu.memref_slice %arg3[%mul3A_4] : memref<102400xi32, #tpu.memory_space<hbm>> -> memref<128xi32, #tpu.memory_space<hbm>>
      %dma_wait3A_1232 = arith.constant 0 : i32
      %dma_wait3A_1233 = tpu.memref_slice %arg6[%dma_wait3A_1232] : memref<3200xi32, #tpu.memory_space<vmem>> -> memref<128xi32, #tpu.memory_space<vmem>>
      %dma_wait3A_1234 = tpu.memref_slice %arg3[%mul3A_4] : memref<102400xi32, #tpu.memory_space<hbm>> -> memref<128xi32, #tpu.memory_space<hbm>>
      tpu.wait_dma2 semaphore(%run_scoped3A : memref<!tpu.dma_semaphore, #tpu.memory_space<semaphore_mem>>) src(%dma_wait3A_1234 : memref<128xi32, #tpu.memory_space<hbm>>) dst(%dma_wait3A_1233 : memref<128xi32, #tpu.memory_space<vmem>>)
      tpu.yield
    }) : () -> ()
    %add3A_5 = arith.constant 4096 : i32
    %add3A_6 = arith.addi %add3A_5, %mul3A_2 : i32
    "tpu.region"() ({
      %run_scoped3A = tpu.sem_alloc : memref<!tpu.dma_semaphore, #tpu.memory_space<semaphore_mem>>
      %dma_start3A_1223 = arith.constant 128 : i32
      %dma_start3A_1224 = tpu.memref_slice %arg6[%dma_start3A_1223] : memref<3200xi32, #tpu.memory_space<vmem>> -> memref<3072xi32, #tpu.memory_space<vmem>>
      %dma_start3A_1225 = tpu.memref_slice %arg3[%add3A_6] : memref<102400xi32, #tpu.memory_space<hbm>> -> memref<3072xi32, #tpu.memory_space<hbm>>
      %dma_start3A_1226 = arith.constant 128 : i32
      %dma_start3A_1227 = tpu.memref_slice %arg6[%dma_start3A_1226] : memref<3200xi32, #tpu.memory_space<vmem>> -> memref<3072xi32, #tpu.memory_space<vmem>>
      %dma_start3A_1228 = tpu.memref_slice %arg3[%add3A_6] : memref<102400xi32, #tpu.memory_space<hbm>> -> memref<3072xi32, #tpu.memory_space<hbm>>
      tpu.enqueue_dma source(%dma_start3A_1228 : memref<3072xi32, #tpu.memory_space<hbm>>) target(%dma_start3A_1227 : memref<3072xi32, #tpu.memory_space<vmem>>) target_semaphore(%run_scoped3A : memref<!tpu.dma_semaphore, #tpu.memory_space<semaphore_mem>>)
      %dma_wait3A_1229 = arith.constant 128 : i32
      %dma_wait3A_1230 = tpu.memref_slice %arg6[%dma_wait3A_1229] : memref<3200xi32, #tpu.memory_space<vmem>> -> memref<3072xi32, #tpu.memory_space<vmem>>
      %dma_wait3A_1231 = tpu.memref_slice %arg3[%add3A_6] : memref<102400xi32, #tpu.memory_space<hbm>> -> memref<3072xi32, #tpu.memory_space<hbm>>
      %dma_wait3A_1232 = arith.constant 128 : i32
      %dma_wait3A_1233 = tpu.memref_slice %arg6[%dma_wait3A_1232] : memref<3200xi32, #tpu.memory_space<vmem>> -> memref<3072xi32, #tpu.memory_space<vmem>>
      %dma_wait3A_1234 = tpu.memref_slice %arg3[%add3A_6] : memref<102400xi32, #tpu.memory_space<hbm>> -> memref<3072xi32, #tpu.memory_space<hbm>>
      tpu.wait_dma2 semaphore(%run_scoped3A : memref<!tpu.dma_semaphore, #tpu.memory_space<semaphore_mem>>) src(%dma_wait3A_1234 : memref<3072xi32, #tpu.memory_space<hbm>>) dst(%dma_wait3A_1233 : memref<3072xi32, #tpu.memory_space<vmem>>)
      tpu.yield
    }) : () -> ()
    %dma_start3A = arith.constant 0 : i32
    %dma_start3A_7 = tpu.memref_slice %arg6[%dma_start3A] : memref<3200xi32, #tpu.memory_space<vmem>> -> memref<128xi32, #tpu.memory_space<vmem>>
    %dma_start3A_8 = arith.constant 0 : i32
    %dma_start3A_9 = arith.constant 0 : i32
    %dma_start3A_10 = tpu.memref_slice %arg2[%dma_start3A_8, %dma_start3A_9] : memref<50000x128xf32, #tpu.memory_space<hbm>> -> memref<50000x128xf32, #tpu.memory_space<hbm>>
    tpu.enqueue_indirect_dma source(%dma_start3A_10 : memref<50000x128xf32, #tpu.memory_space<hbm>>) target(%arg7 : memref<128x128xf32, #tpu.memory_space<vmem>>) offsets(%dma_start3A_7 : memref<128xi32, #tpu.memory_space<vmem>>) semaphore(%arg21 : memref<!tpu.dma_semaphore, #tpu.memory_space<semaphore_mem>>)
    %dma_start3A_11 = arith.constant 0 : i32
    %dma_start3A_12 = arith.constant 0 : i32
    %dma_start3A_13 = arith.constant 0 : i32
    %dma_start3A_14 = tpu.memref_slice %arg8[%dma_start3A_11, %dma_start3A_12, %dma_start3A_13] : memref<6x128x128xf32, #tpu.memory_space<vmem>> -> memref<1x128x128xf32, #tpu.memory_space<vmem>>
    %dma_start3A_15 = tpu.memref_squeeze %dma_start3A_14 : memref<1x128x128xf32, #tpu.memory_space<vmem>> -> memref<128x128xf32, #tpu.memory_space<vmem>>
    %dma_start3A_16 = arith.constant 128 : i32
    %dma_start3A_17 = tpu.memref_slice %arg6[%dma_start3A_16] : memref<3200xi32, #tpu.memory_space<vmem>> -> memref<128xi32, #tpu.memory_space<vmem>>
    %dma_start3A_18 = arith.constant 0 : i32
    %dma_start3A_19 = arith.constant 0 : i32
    %dma_start3A_20 = tpu.memref_slice %arg2[%dma_start3A_18, %dma_start3A_19] : memref<50000x128xf32, #tpu.memory_space<hbm>> -> memref<50000x128xf32, #tpu.memory_space<hbm>>
    tpu.enqueue_indirect_dma source(%dma_start3A_20 : memref<50000x128xf32, #tpu.memory_space<hbm>>) target(%dma_start3A_15 : memref<128x128xf32, #tpu.memory_space<vmem>>) offsets(%dma_start3A_17 : memref<128xi32, #tpu.memory_space<vmem>>) semaphore(%arg9 : memref<!tpu.dma_semaphore, #tpu.memory_space<semaphore_mem>>)
    %dma_start3A_21 = arith.constant 1 : i32
    %dma_start3A_22 = arith.constant 0 : i32
    %dma_start3A_23 = arith.constant 0 : i32
    %dma_start3A_24 = tpu.memref_slice %arg8[%dma_start3A_21, %dma_start3A_22, %dma_start3A_23] : memref<6x128x128xf32, #tpu.memory_space<vmem>> -> memref<1x128x128xf32, #tpu.memory_space<vmem>>
    %dma_start3A_25 = tpu.memref_squeeze %dma_start3A_24 : memref<1x128x128xf32, #tpu.memory_space<vmem>> -> memref<128x128xf32, #tpu.memory_space<vmem>>
    %dma_start3A_26 = arith.constant 256 : i32
    %dma_start3A_27 = tpu.memref_slice %arg6[%dma_start3A_26] : memref<3200xi32, #tpu.memory_space<vmem>> -> memref<128xi32, #tpu.memory_space<vmem>>
    %dma_start3A_28 = arith.constant 0 : i32
    %dma_start3A_29 = arith.constant 0 : i32
    %dma_start3A_30 = tpu.memref_slice %arg2[%dma_start3A_28, %dma_start3A_29] : memref<50000x128xf32, #tpu.memory_space<hbm>> -> memref<50000x128xf32, #tpu.memory_space<hbm>>
    tpu.enqueue_indirect_dma source(%dma_start3A_30 : memref<50000x128xf32, #tpu.memory_space<hbm>>) target(%dma_start3A_25 : memref<128x128xf32, #tpu.memory_space<vmem>>) offsets(%dma_start3A_27 : memref<128xi32, #tpu.memory_space<vmem>>) semaphore(%arg10 : memref<!tpu.dma_semaphore, #tpu.memory_space<semaphore_mem>>)
    %dma_start3A_31 = arith.constant 2 : i32
    %dma_start3A_32 = arith.constant 0 : i32
    %dma_start3A_33 = arith.constant 0 : i32
    %dma_start3A_34 = tpu.memref_slice %arg8[%dma_start3A_31, %dma_start3A_32, %dma_start3A_33] : memref<6x128x128xf32, #tpu.memory_space<vmem>> -> memref<1x128x128xf32, #tpu.memory_space<vmem>>
    %dma_start3A_35 = tpu.memref_squeeze %dma_start3A_34 : memref<1x128x128xf32, #tpu.memory_space<vmem>> -> memref<128x128xf32, #tpu.memory_space<vmem>>
    %dma_start3A_36 = arith.constant 384 : i32
    %dma_start3A_37 = tpu.memref_slice %arg6[%dma_start3A_36] : memref<3200xi32, #tpu.memory_space<vmem>> -> memref<128xi32, #tpu.memory_space<vmem>>
    %dma_start3A_38 = arith.constant 0 : i32
    %dma_start3A_39 = arith.constant 0 : i32
    %dma_start3A_40 = tpu.memref_slice %arg2[%dma_start3A_38, %dma_start3A_39] : memref<50000x128xf32, #tpu.memory_space<hbm>> -> memref<50000x128xf32, #tpu.memory_space<hbm>>
    tpu.enqueue_indirect_dma source(%dma_start3A_40 : memref<50000x128xf32, #tpu.memory_space<hbm>>) target(%dma_start3A_35 : memref<128x128xf32, #tpu.memory_space<vmem>>) offsets(%dma_start3A_37 : memref<128xi32, #tpu.memory_space<vmem>>) semaphore(%arg11 : memref<!tpu.dma_semaphore, #tpu.memory_space<semaphore_mem>>)
    %dma_start3A_41 = arith.constant 3 : i32
    %dma_start3A_42 = arith.constant 0 : i32
    %dma_start3A_43 = arith.constant 0 : i32
    %dma_start3A_44 = tpu.memref_slice %arg8[%dma_start3A_41, %dma_start3A_42, %dma_start3A_43] : memref<6x128x128xf32, #tpu.memory_space<vmem>> -> memref<1x128x128xf32, #tpu.memory_space<vmem>>
    %dma_start3A_45 = tpu.memref_squeeze %dma_start3A_44 : memref<1x128x128xf32, #tpu.memory_space<vmem>> -> memref<128x128xf32, #tpu.memory_space<vmem>>
    %dma_start3A_46 = arith.constant 512 : i32
    %dma_start3A_47 = tpu.memref_slice %arg6[%dma_start3A_46] : memref<3200xi32, #tpu.memory_space<vmem>> -> memref<128xi32, #tpu.memory_space<vmem>>
    %dma_start3A_48 = arith.constant 0 : i32
    %dma_start3A_49 = arith.constant 0 : i32
    %dma_start3A_50 = tpu.memref_slice %arg2[%dma_start3A_48, %dma_start3A_49] : memref<50000x128xf32, #tpu.memory_space<hbm>> -> memref<50000x128xf32, #tpu.memory_space<hbm>>
    tpu.enqueue_indirect_dma source(%dma_start3A_50 : memref<50000x128xf32, #tpu.memory_space<hbm>>) target(%dma_start3A_45 : memref<128x128xf32, #tpu.memory_space<vmem>>) offsets(%dma_start3A_47 : memref<128xi32, #tpu.memory_space<vmem>>) semaphore(%arg12 : memref<!tpu.dma_semaphore, #tpu.memory_space<semaphore_mem>>)
    %dma_start3A_51 = arith.constant 4 : i32
    %dma_start3A_52 = arith.constant 0 : i32
    %dma_start3A_53 = arith.constant 0 : i32
    %dma_start3A_54 = tpu.memref_slice %arg8[%dma_start3A_51, %dma_start3A_52, %dma_start3A_53] : memref<6x128x128xf32, #tpu.memory_space<vmem>> -> memref<1x128x128xf32, #tpu.memory_space<vmem>>
    %dma_start3A_55 = tpu.memref_squeeze %dma_start3A_54 : memref<1x128x128xf32, #tpu.memory_space<vmem>> -> memref<128x128xf32, #tpu.memory_space<vmem>>
    %dma_start3A_56 = arith.constant 640 : i32
    %dma_start3A_57 = tpu.memref_slice %arg6[%dma_start3A_56] : memref<3200xi32, #tpu.memory_space<vmem>> -> memref<128xi32, #tpu.memory_space<vmem>>
    %dma_start3A_58 = arith.constant 0 : i32
    %dma_start3A_59 = arith.constant 0 : i32
    %dma_start3A_60 = tpu.memref_slice %arg2[%dma_start3A_58, %dma_start3A_59] : memref<50000x128xf32, #tpu.memory_space<hbm>> -> memref<50000x128xf32, #tpu.memory_space<hbm>>
    tpu.enqueue_indirect_dma source(%dma_start3A_60 : memref<50000x128xf32, #tpu.memory_space<hbm>>) target(%dma_start3A_55 : memref<128x128xf32, #tpu.memory_space<vmem>>) offsets(%dma_start3A_57 : memref<128xi32, #tpu.memory_space<vmem>>) semaphore(%arg13 : memref<!tpu.dma_semaphore, #tpu.memory_space<semaphore_mem>>)
    %dma_wait3A = arith.constant 0 : i32
    %dma_wait3A_61 = arith.constant 0 : i32
    %dma_wait3A_62 = arith.constant 0 : i32
    %dma_wait3A_63 = tpu.memref_slice %arg8[%dma_wait3A, %dma_wait3A_61, %dma_wait3A_62] : memref<6x128x128xf32, #tpu.memory_space<vmem>> -> memref<1x128x128xf32, #tpu.memory_space<vmem>>
    %dma_wait3A_64 = tpu.memref_squeeze %dma_wait3A_63 : memref<1x128x128xf32, #tpu.memory_space<vmem>> -> memref<128x128xf32, #tpu.memory_space<vmem>>
    %dma_wait3A_65 = arith.constant 128 : i32
    %dma_wait3A_66 = tpu.memref_slice %arg6[%dma_wait3A_65] : memref<3200xi32, #tpu.memory_space<vmem>> -> memref<128xi32, #tpu.memory_space<vmem>>
    %dma_wait3A_67 = arith.constant 0 : i32
    %dma_wait3A_68 = arith.constant 0 : i32
    %dma_wait3A_69 = tpu.memref_slice %arg2[%dma_wait3A_67, %dma_wait3A_68] : memref<50000x128xf32, #tpu.memory_space<hbm>> -> memref<50000x128xf32, #tpu.memory_space<hbm>>
    tpu.wait_indirect_dma semaphore(%arg9 : memref<!tpu.dma_semaphore, #tpu.memory_space<semaphore_mem>>) src(%dma_wait3A_69 : memref<50000x128xf32, #tpu.memory_space<hbm>>) dst(%dma_wait3A_64 : memref<128x128xf32, #tpu.memory_space<vmem>>)
    %add3A_70 = arith.constant 0 : i32
    %add3A_71 = arith.addi %mul3A_2, %add3A_70 : i32
    %dma_start3A_72 = arith.constant 0 : i32
    %dma_start3A_73 = arith.constant 0 : i32
    %dma_start3A_74 = arith.constant 0 : i32
    %dma_start3A_75 = tpu.memref_slice %arg8[%dma_start3A_72, %dma_start3A_73, %dma_start3A_74] : memref<6x128x128xf32, #tpu.memory_space<vmem>> -> memref<1x128x128xf32, #tpu.memory_space<vmem>>
    %dma_start3A_76 = tpu.memref_squeeze %dma_start3A_75 : memref<1x128x128xf32, #tpu.memory_space<vmem>> -> memref<128x128xf32, #tpu.memory_space<vmem>>
    %dma_start3A_77 = arith.constant 0 : i32
    %dma_start3A_78 = tpu.memref_slice %arg5[%add3A_71, %dma_start3A_77] : memref<98304x128xf32, #tpu.memory_space<hbm>> -> memref<128x128xf32, #tpu.memory_space<hbm>>
    %dma_start3A_79 = arith.constant 0 : i32
    %dma_start3A_80 = tpu.memref_slice %arg5[%add3A_71, %dma_start3A_79] : memref<98304x128xf32, #tpu.memory_space<hbm>> -> memref<128x128xf32, #tpu.memory_space<hbm>>
    %dma_start3A_81 = arith.constant 0 : i32
    %dma_start3A_82 = arith.constant 0 : i32
    %dma_start3A_83 = tpu.memref_slice %arg8[%dma_start3A_72, %dma_start3A_81, %dma_start3A_82] : memref<6x128x128xf32, #tpu.memory_space<vmem>> -> memref<1x128x128xf32, #tpu.memory_space<vmem>>
    %dma_start3A_84 = tpu.memref_squeeze %dma_start3A_83 : memref<1x128x128xf32, #tpu.memory_space<vmem>> -> memref<128x128xf32, #tpu.memory_space<vmem>>
    tpu.enqueue_dma source(%dma_start3A_84 : memref<128x128xf32, #tpu.memory_space<vmem>>) target(%dma_start3A_80 : memref<128x128xf32, #tpu.memory_space<hbm>>) target_semaphore(%arg15 : memref<!tpu.dma_semaphore, #tpu.memory_space<semaphore_mem>>)
    %dma_start3A_85 = arith.constant 5 : i32
    %dma_start3A_86 = arith.constant 0 : i32
    %dma_start3A_87 = arith.constant 0 : i32
    %dma_start3A_88 = tpu.memref_slice %arg8[%dma_start3A_85, %dma_start3A_86, %dma_start3A_87] : memref<6x128x128xf32, #tpu.memory_space<vmem>> -> memref<1x128x128xf32, #tpu.memory_space<vmem>>
    %dma_start3A_89 = tpu.memref_squeeze %dma_start3A_88 : memref<1x128x128xf32, #tpu.memory_space<vmem>> -> memref<128x128xf32, #tpu.memory_space<vmem>>
    %dma_start3A_90 = arith.constant 768 : i32
    %dma_start3A_91 = tpu.memref_slice %arg6[%dma_start3A_90] : memref<3200xi32, #tpu.memory_space<vmem>> -> memref<128xi32, #tpu.memory_space<vmem>>
    %dma_start3A_92 = arith.constant 0 : i32
    %dma_start3A_93 = arith.constant 0 : i32
    %dma_start3A_94 = tpu.memref_slice %arg2[%dma_start3A_92, %dma_start3A_93] : memref<50000x128xf32, #tpu.memory_space<hbm>> -> memref<50000x128xf32, #tpu.memory_space<hbm>>
    tpu.enqueue_indirect_dma source(%dma_start3A_94 : memref<50000x128xf32, #tpu.memory_space<hbm>>) target(%dma_start3A_89 : memref<128x128xf32, #tpu.memory_space<vmem>>) offsets(%dma_start3A_91 : memref<128xi32, #tpu.memory_space<vmem>>) semaphore(%arg14 : memref<!tpu.dma_semaphore, #tpu.memory_space<semaphore_mem>>)
    %dma_wait3A_95 = arith.constant 1 : i32
    %dma_wait3A_96 = arith.constant 0 : i32
    %dma_wait3A_97 = arith.constant 0 : i32
    %dma_wait3A_98 = tpu.memref_slice %arg8[%dma_wait3A_95, %dma_wait3A_96, %dma_wait3A_97] : memref<6x128x128xf32, #tpu.memory_space<vmem>> -> memref<1x128x128xf32, #tpu.memory_space<vmem>>
    %dma_wait3A_99 = tpu.memref_squeeze %dma_wait3A_98 : memref<1x128x128xf32, #tpu.memory_space<vmem>> -> memref<128x128xf32, #tpu.memory_space<vmem>>
    %dma_wait3A_100 = arith.constant 256 : i32
    %dma_wait3A_101 = tpu.memref_slice %arg6[%dma_wait3A_100] : memref<3200xi32, #tpu.memory_space<vmem>> -> memref<128xi32, #tpu.memory_space<vmem>>
    %dma_wait3A_102 = arith.constant 0 : i32
    %dma_wait3A_103 = arith.constant 0 : i32
    %dma_wait3A_104 = tpu.memref_slice %arg2[%dma_wait3A_102, %dma_wait3A_103] : memref<50000x128xf32, #tpu.memory_space<hbm>> -> memref<50000x128xf32, #tpu.memory_space<hbm>>
    tpu.wait_indirect_dma semaphore(%arg10 : memref<!tpu.dma_semaphore, #tpu.memory_space<semaphore_mem>>) src(%dma_wait3A_104 : memref<50000x128xf32, #tpu.memory_space<hbm>>) dst(%dma_wait3A_99 : memref<128x128xf32, #tpu.memory_space<vmem>>)
    %add3A_105 = arith.constant 128 : i32
    %add3A_106 = arith.addi %mul3A_2, %add3A_105 : i32
    %dma_start3A_107 = arith.constant 1 : i32
    %dma_start3A_108 = arith.constant 0 : i32
    %dma_start3A_109 = arith.constant 0 : i32
    %dma_start3A_110 = tpu.memref_slice %arg8[%dma_start3A_107, %dma_start3A_108, %dma_start3A_109] : memref<6x128x128xf32, #tpu.memory_space<vmem>> -> memref<1x128x128xf32, #tpu.memory_space<vmem>>
    %dma_start3A_111 = tpu.memref_squeeze %dma_start3A_110 : memref<1x128x128xf32, #tpu.memory_space<vmem>> -> memref<128x128xf32, #tpu.memory_space<vmem>>
    %dma_start3A_112 = arith.constant 0 : i32
    %dma_start3A_113 = tpu.memref_slice %arg5[%add3A_106, %dma_start3A_112] : memref<98304x128xf32, #tpu.memory_space<hbm>> -> memref<128x128xf32, #tpu.memory_space<hbm>>
    %dma_start3A_114 = arith.constant 0 : i32
    %dma_start3A_115 = tpu.memref_slice %arg5[%add3A_106, %dma_start3A_114] : memref<98304x128xf32, #tpu.memory_space<hbm>> -> memref<128x128xf32, #tpu.memory_space<hbm>>
    %dma_start3A_116 = arith.constant 0 : i32
    %dma_start3A_117 = arith.constant 0 : i32
    %dma_start3A_118 = tpu.memref_slice %arg8[%dma_start3A_107, %dma_start3A_116, %dma_start3A_117] : memref<6x128x128xf32, #tpu.memory_space<vmem>> -> memref<1x128x128xf32, #tpu.memory_space<vmem>>
    %dma_start3A_119 = tpu.memref_squeeze %dma_start3A_118 : memref<1x128x128xf32, #tpu.memory_space<vmem>> -> memref<128x128xf32, #tpu.memory_space<vmem>>
    tpu.enqueue_dma source(%dma_start3A_119 : memref<128x128xf32, #tpu.memory_space<vmem>>) target(%dma_start3A_115 : memref<128x128xf32, #tpu.memory_space<hbm>>) target_semaphore(%arg16 : memref<!tpu.dma_semaphore, #tpu.memory_space<semaphore_mem>>)
    %add3A_120 = arith.constant 0 : i32
    %add3A_121 = arith.addi %mul3A_2, %add3A_120 : i32
    %dma_wait3A_122 = arith.constant 0 : i32
    %dma_wait3A_123 = arith.constant 0 : i32
    %dma_wait3A_124 = arith.constant 0 : i32
    %dma_wait3A_125 = tpu.memref_slice %arg8[%dma_wait3A_122, %dma_wait3A_123, %dma_wait3A_124] : memref<6x128x128xf32, #tpu.memory_space<vmem>> -> memref<1x128x128xf32, #tpu.memory_space<vmem>>
    %dma_wait3A_126 = tpu.memref_squeeze %dma_wait3A_125 : memref<1x128x128xf32, #tpu.memory_space<vmem>> -> memref<128x128xf32, #tpu.memory_space<vmem>>
    %dma_wait3A_127 = arith.constant 0 : i32
    %dma_wait3A_128 = tpu.memref_slice %arg5[%add3A_121, %dma_wait3A_127] : memref<98304x128xf32, #tpu.memory_space<hbm>> -> memref<128x128xf32, #tpu.memory_space<hbm>>
    %dma_wait3A_129 = arith.constant 0 : i32
    %dma_wait3A_130 = tpu.memref_slice %arg5[%add3A_121, %dma_wait3A_129] : memref<98304x128xf32, #tpu.memory_space<hbm>> -> memref<128x128xf32, #tpu.memory_space<hbm>>
    %dma_wait3A_131 = arith.constant 0 : i32
    %dma_wait3A_132 = arith.constant 0 : i32
    %dma_wait3A_133 = tpu.memref_slice %arg8[%dma_wait3A_122, %dma_wait3A_131, %dma_wait3A_132] : memref<6x128x128xf32, #tpu.memory_space<vmem>> -> memref<1x128x128xf32, #tpu.memory_space<vmem>>
    %dma_wait3A_134 = tpu.memref_squeeze %dma_wait3A_133 : memref<1x128x128xf32, #tpu.memory_space<vmem>> -> memref<128x128xf32, #tpu.memory_space<vmem>>
    tpu.wait_dma2 semaphore(%arg15 : memref<!tpu.dma_semaphore, #tpu.memory_space<semaphore_mem>>) src(%dma_wait3A_134 : memref<128x128xf32, #tpu.memory_space<vmem>>) dst(%dma_wait3A_130 : memref<128x128xf32, #tpu.memory_space<hbm>>)
    %dma_start3A_135 = arith.constant 0 : i32
    %dma_start3A_136 = arith.constant 0 : i32
    %dma_start3A_137 = arith.constant 0 : i32
    %dma_start3A_138 = tpu.memref_slice %arg8[%dma_start3A_135, %dma_start3A_136, %dma_start3A_137] : memref<6x128x128xf32, #tpu.memory_space<vmem>> -> memref<1x128x128xf32, #tpu.memory_space<vmem>>
    %dma_start3A_139 = tpu.memref_squeeze %dma_start3A_138 : memref<1x128x128xf32, #tpu.memory_space<vmem>> -> memref<128x128xf32, #tpu.memory_space<vmem>>
    %dma_start3A_140 = arith.constant 896 : i32
    %dma_start3A_141 = tpu.memref_slice %arg6[%dma_start3A_140] : memref<3200xi32, #tpu.memory_space<vmem>> -> memref<128xi32, #tpu.memory_space<vmem>>
    %dma_start3A_142 = arith.constant 0 : i32
    %dma_start3A_143 = arith.constant 0 : i32
    %dma_start3A_144 = tpu.memref_slice %arg2[%dma_start3A_142, %dma_start3A_143] : memref<50000x128xf32, #tpu.memory_space<hbm>> -> memref<50000x128xf32, #tpu.memory_space<hbm>>
    tpu.enqueue_indirect_dma source(%dma_start3A_144 : memref<50000x128xf32, #tpu.memory_space<hbm>>) target(%dma_start3A_139 : memref<128x128xf32, #tpu.memory_space<vmem>>) offsets(%dma_start3A_141 : memref<128xi32, #tpu.memory_space<vmem>>) semaphore(%arg9 : memref<!tpu.dma_semaphore, #tpu.memory_space<semaphore_mem>>)
    %dma_wait3A_145 = arith.constant 2 : i32
    %dma_wait3A_146 = arith.constant 0 : i32
    %dma_wait3A_147 = arith.constant 0 : i32
    %dma_wait3A_148 = tpu.memref_slice %arg8[%dma_wait3A_145, %dma_wait3A_146, %dma_wait3A_147] : memref<6x128x128xf32, #tpu.memory_space<vmem>> -> memref<1x128x128xf32, #tpu.memory_space<vmem>>
    %dma_wait3A_149 = tpu.memref_squeeze %dma_wait3A_148 : memref<1x128x128xf32, #tpu.memory_space<vmem>> -> memref<128x128xf32, #tpu.memory_space<vmem>>
    %dma_wait3A_150 = arith.constant 384 : i32
    %dma_wait3A_151 = tpu.memref_slice %arg6[%dma_wait3A_150] : memref<3200xi32, #tpu.memory_space<vmem>> -> memref<128xi32, #tpu.memory_space<vmem>>
    %dma_wait3A_152 = arith.constant 0 : i32
    %dma_wait3A_153 = arith.constant 0 : i32
    %dma_wait3A_154 = tpu.memref_slice %arg2[%dma_wait3A_152, %dma_wait3A_153] : memref<50000x128xf32, #tpu.memory_space<hbm>> -> memref<50000x128xf32, #tpu.memory_space<hbm>>
    tpu.wait_indirect_dma semaphore(%arg11 : memref<!tpu.dma_semaphore, #tpu.memory_space<semaphore_mem>>) src(%dma_wait3A_154 : memref<50000x128xf32, #tpu.memory_space<hbm>>) dst(%dma_wait3A_149 : memref<128x128xf32, #tpu.memory_space<vmem>>)
    %add3A_155 = arith.constant 256 : i32
    %add3A_156 = arith.addi %mul3A_2, %add3A_155 : i32
    %dma_start3A_157 = arith.constant 2 : i32
    %dma_start3A_158 = arith.constant 0 : i32
    %dma_start3A_159 = arith.constant 0 : i32
    %dma_start3A_160 = tpu.memref_slice %arg8[%dma_start3A_157, %dma_start3A_158, %dma_start3A_159] : memref<6x128x128xf32, #tpu.memory_space<vmem>> -> memref<1x128x128xf32, #tpu.memory_space<vmem>>
    %dma_start3A_161 = tpu.memref_squeeze %dma_start3A_160 : memref<1x128x128xf32, #tpu.memory_space<vmem>> -> memref<128x128xf32, #tpu.memory_space<vmem>>
    %dma_start3A_162 = arith.constant 0 : i32
    %dma_start3A_163 = tpu.memref_slice %arg5[%add3A_156, %dma_start3A_162] : memref<98304x128xf32, #tpu.memory_space<hbm>> -> memref<128x128xf32, #tpu.memory_space<hbm>>
    %dma_start3A_164 = arith.constant 0 : i32
    %dma_start3A_165 = tpu.memref_slice %arg5[%add3A_156, %dma_start3A_164] : memref<98304x128xf32, #tpu.memory_space<hbm>> -> memref<128x128xf32, #tpu.memory_space<hbm>>
    %dma_start3A_166 = arith.constant 0 : i32
    %dma_start3A_167 = arith.constant 0 : i32
    %dma_start3A_168 = tpu.memref_slice %arg8[%dma_start3A_157, %dma_start3A_166, %dma_start3A_167] : memref<6x128x128xf32, #tpu.memory_space<vmem>> -> memref<1x128x128xf32, #tpu.memory_space<vmem>>
    %dma_start3A_169 = tpu.memref_squeeze %dma_start3A_168 : memref<1x128x128xf32, #tpu.memory_space<vmem>> -> memref<128x128xf32, #tpu.memory_space<vmem>>
    tpu.enqueue_dma source(%dma_start3A_169 : memref<128x128xf32, #tpu.memory_space<vmem>>) target(%dma_start3A_165 : memref<128x128xf32, #tpu.memory_space<hbm>>) target_semaphore(%arg17 : memref<!tpu.dma_semaphore, #tpu.memory_space<semaphore_mem>>)
    %add3A_170 = arith.constant 128 : i32
    %add3A_171 = arith.addi %mul3A_2, %add3A_170 : i32
    %dma_wait3A_172 = arith.constant 1 : i32
    %dma_wait3A_173 = arith.constant 0 : i32
    %dma_wait3A_174 = arith.constant 0 : i32
    %dma_wait3A_175 = tpu.memref_slice %arg8[%dma_wait3A_172, %dma_wait3A_173, %dma_wait3A_174] : memref<6x128x128xf32, #tpu.memory_space<vmem>> -> memref<1x128x128xf32, #tpu.memory_space<vmem>>
    %dma_wait3A_176 = tpu.memref_squeeze %dma_wait3A_175 : memref<1x128x128xf32, #tpu.memory_space<vmem>> -> memref<128x128xf32, #tpu.memory_space<vmem>>
    %dma_wait3A_177 = arith.constant 0 : i32
    %dma_wait3A_178 = tpu.memref_slice %arg5[%add3A_171, %dma_wait3A_177] : memref<98304x128xf32, #tpu.memory_space<hbm>> -> memref<128x128xf32, #tpu.memory_space<hbm>>
    %dma_wait3A_179 = arith.constant 0 : i32
    %dma_wait3A_180 = tpu.memref_slice %arg5[%add3A_171, %dma_wait3A_179] : memref<98304x128xf32, #tpu.memory_space<hbm>> -> memref<128x128xf32, #tpu.memory_space<hbm>>
    %dma_wait3A_181 = arith.constant 0 : i32
    %dma_wait3A_182 = arith.constant 0 : i32
    %dma_wait3A_183 = tpu.memref_slice %arg8[%dma_wait3A_172, %dma_wait3A_181, %dma_wait3A_182] : memref<6x128x128xf32, #tpu.memory_space<vmem>> -> memref<1x128x128xf32, #tpu.memory_space<vmem>>
    %dma_wait3A_184 = tpu.memref_squeeze %dma_wait3A_183 : memref<1x128x128xf32, #tpu.memory_space<vmem>> -> memref<128x128xf32, #tpu.memory_space<vmem>>
    tpu.wait_dma2 semaphore(%arg16 : memref<!tpu.dma_semaphore, #tpu.memory_space<semaphore_mem>>) src(%dma_wait3A_184 : memref<128x128xf32, #tpu.memory_space<vmem>>) dst(%dma_wait3A_180 : memref<128x128xf32, #tpu.memory_space<hbm>>)
    %dma_start3A_185 = arith.constant 1 : i32
    %dma_start3A_186 = arith.constant 0 : i32
    %dma_start3A_187 = arith.constant 0 : i32
    %dma_start3A_188 = tpu.memref_slice %arg8[%dma_start3A_185, %dma_start3A_186, %dma_start3A_187] : memref<6x128x128xf32, #tpu.memory_space<vmem>> -> memref<1x128x128xf32, #tpu.memory_space<vmem>>
    %dma_start3A_189 = tpu.memref_squeeze %dma_start3A_188 : memref<1x128x128xf32, #tpu.memory_space<vmem>> -> memref<128x128xf32, #tpu.memory_space<vmem>>
    %dma_start3A_190 = arith.constant 1024 : i32
    %dma_start3A_191 = tpu.memref_slice %arg6[%dma_start3A_190] : memref<3200xi32, #tpu.memory_space<vmem>> -> memref<128xi32, #tpu.memory_space<vmem>>
    %dma_start3A_192 = arith.constant 0 : i32
    %dma_start3A_193 = arith.constant 0 : i32
    %dma_start3A_194 = tpu.memref_slice %arg2[%dma_start3A_192, %dma_start3A_193] : memref<50000x128xf32, #tpu.memory_space<hbm>> -> memref<50000x128xf32, #tpu.memory_space<hbm>>
    tpu.enqueue_indirect_dma source(%dma_start3A_194 : memref<50000x128xf32, #tpu.memory_space<hbm>>) target(%dma_start3A_189 : memref<128x128xf32, #tpu.memory_space<vmem>>) offsets(%dma_start3A_191 : memref<128xi32, #tpu.memory_space<vmem>>) semaphore(%arg10 : memref<!tpu.dma_semaphore, #tpu.memory_space<semaphore_mem>>)
    %dma_wait3A_195 = arith.constant 3 : i32
    %dma_wait3A_196 = arith.constant 0 : i32
    %dma_wait3A_197 = arith.constant 0 : i32
    %dma_wait3A_198 = tpu.memref_slice %arg8[%dma_wait3A_195, %dma_wait3A_196, %dma_wait3A_197] : memref<6x128x128xf32, #tpu.memory_space<vmem>> -> memref<1x128x128xf32, #tpu.memory_space<vmem>>
    %dma_wait3A_199 = tpu.memref_squeeze %dma_wait3A_198 : memref<1x128x128xf32, #tpu.memory_space<vmem>> -> memref<128x128xf32, #tpu.memory_space<vmem>>
    %dma_wait3A_200 = arith.constant 512 : i32
    %dma_wait3A_201 = tpu.memref_slice %arg6[%dma_wait3A_200] : memref<3200xi32, #tpu.memory_space<vmem>> -> memref<128xi32, #tpu.memory_space<vmem>>
    %dma_wait3A_202 = arith.constant 0 : i32
    %dma_wait3A_203 = arith.constant 0 : i32
    %dma_wait3A_204 = tpu.memref_slice %arg2[%dma_wait3A_202, %dma_wait3A_203] : memref<50000x128xf32, #tpu.memory_space<hbm>> -> memref<50000x128xf32, #tpu.memory_space<hbm>>
    tpu.wait_indirect_dma semaphore(%arg12 : memref<!tpu.dma_semaphore, #tpu.memory_space<semaphore_mem>>) src(%dma_wait3A_204 : memref<50000x128xf32, #tpu.memory_space<hbm>>) dst(%dma_wait3A_199 : memref<128x128xf32, #tpu.memory_space<vmem>>)
    %add3A_205 = arith.constant 384 : i32
    %add3A_206 = arith.addi %mul3A_2, %add3A_205 : i32
    %dma_start3A_207 = arith.constant 3 : i32
    %dma_start3A_208 = arith.constant 0 : i32
    %dma_start3A_209 = arith.constant 0 : i32
    %dma_start3A_210 = tpu.memref_slice %arg8[%dma_start3A_207, %dma_start3A_208, %dma_start3A_209] : memref<6x128x128xf32, #tpu.memory_space<vmem>> -> memref<1x128x128xf32, #tpu.memory_space<vmem>>
    %dma_start3A_211 = tpu.memref_squeeze %dma_start3A_210 : memref<1x128x128xf32, #tpu.memory_space<vmem>> -> memref<128x128xf32, #tpu.memory_space<vmem>>
    %dma_start3A_212 = arith.constant 0 : i32
    %dma_start3A_213 = tpu.memref_slice %arg5[%add3A_206, %dma_start3A_212] : memref<98304x128xf32, #tpu.memory_space<hbm>> -> memref<128x128xf32, #tpu.memory_space<hbm>>
    %dma_start3A_214 = arith.constant 0 : i32
    %dma_start3A_215 = tpu.memref_slice %arg5[%add3A_206, %dma_start3A_214] : memref<98304x128xf32, #tpu.memory_space<hbm>> -> memref<128x128xf32, #tpu.memory_space<hbm>>
    %dma_start3A_216 = arith.constant 0 : i32
    %dma_start3A_217 = arith.constant 0 : i32
    %dma_start3A_218 = tpu.memref_slice %arg8[%dma_start3A_207, %dma_start3A_216, %dma_start3A_217] : memref<6x128x128xf32, #tpu.memory_space<vmem>> -> memref<1x128x128xf32, #tpu.memory_space<vmem>>
    %dma_start3A_219 = tpu.memref_squeeze %dma_start3A_218 : memref<1x128x128xf32, #tpu.memory_space<vmem>> -> memref<128x128xf32, #tpu.memory_space<vmem>>
    tpu.enqueue_dma source(%dma_start3A_219 : memref<128x128xf32, #tpu.memory_space<vmem>>) target(%dma_start3A_215 : memref<128x128xf32, #tpu.memory_space<hbm>>) target_semaphore(%arg18 : memref<!tpu.dma_semaphore, #tpu.memory_space<semaphore_mem>>)
    %add3A_220 = arith.constant 256 : i32
    %add3A_221 = arith.addi %mul3A_2, %add3A_220 : i32
    %dma_wait3A_222 = arith.constant 2 : i32
    %dma_wait3A_223 = arith.constant 0 : i32
    %dma_wait3A_224 = arith.constant 0 : i32
    %dma_wait3A_225 = tpu.memref_slice %arg8[%dma_wait3A_222, %dma_wait3A_223, %dma_wait3A_224] : memref<6x128x128xf32, #tpu.memory_space<vmem>> -> memref<1x128x128xf32, #tpu.memory_space<vmem>>
    %dma_wait3A_226 = tpu.memref_squeeze %dma_wait3A_225 : memref<1x128x128xf32, #tpu.memory_space<vmem>> -> memref<128x128xf32, #tpu.memory_space<vmem>>
    %dma_wait3A_227 = arith.constant 0 : i32
    %dma_wait3A_228 = tpu.memref_slice %arg5[%add3A_221, %dma_wait3A_227] : memref<98304x128xf32, #tpu.memory_space<hbm>> -> memref<128x128xf32, #tpu.memory_space<hbm>>
    %dma_wait3A_229 = arith.constant 0 : i32
    %dma_wait3A_230 = tpu.memref_slice %arg5[%add3A_221, %dma_wait3A_229] : memref<98304x128xf32, #tpu.memory_space<hbm>> -> memref<128x128xf32, #tpu.memory_space<hbm>>
    %dma_wait3A_231 = arith.constant 0 : i32
    %dma_wait3A_232 = arith.constant 0 : i32
    %dma_wait3A_233 = tpu.memref_slice %arg8[%dma_wait3A_222, %dma_wait3A_231, %dma_wait3A_232] : memref<6x128x128xf32, #tpu.memory_space<vmem>> -> memref<1x128x128xf32, #tpu.memory_space<vmem>>
    %dma_wait3A_234 = tpu.memref_squeeze %dma_wait3A_233 : memref<1x128x128xf32, #tpu.memory_space<vmem>> -> memref<128x128xf32, #tpu.memory_space<vmem>>
    tpu.wait_dma2 semaphore(%arg17 : memref<!tpu.dma_semaphore, #tpu.memory_space<semaphore_mem>>) src(%dma_wait3A_234 : memref<128x128xf32, #tpu.memory_space<vmem>>) dst(%dma_wait3A_230 : memref<128x128xf32, #tpu.memory_space<hbm>>)
    %dma_start3A_235 = arith.constant 2 : i32
    %dma_start3A_236 = arith.constant 0 : i32
    %dma_start3A_237 = arith.constant 0 : i32
    %dma_start3A_238 = tpu.memref_slice %arg8[%dma_start3A_235, %dma_start3A_236, %dma_start3A_237] : memref<6x128x128xf32, #tpu.memory_space<vmem>> -> memref<1x128x128xf32, #tpu.memory_space<vmem>>
    %dma_start3A_239 = tpu.memref_squeeze %dma_start3A_238 : memref<1x128x128xf32, #tpu.memory_space<vmem>> -> memref<128x128xf32, #tpu.memory_space<vmem>>
    %dma_start3A_240 = arith.constant 1152 : i32
    %dma_start3A_241 = tpu.memref_slice %arg6[%dma_start3A_240] : memref<3200xi32, #tpu.memory_space<vmem>> -> memref<128xi32, #tpu.memory_space<vmem>>
    %dma_start3A_242 = arith.constant 0 : i32
    %dma_start3A_243 = arith.constant 0 : i32
    %dma_start3A_244 = tpu.memref_slice %arg2[%dma_start3A_242, %dma_start3A_243] : memref<50000x128xf32, #tpu.memory_space<hbm>> -> memref<50000x128xf32, #tpu.memory_space<hbm>>
    tpu.enqueue_indirect_dma source(%dma_start3A_244 : memref<50000x128xf32, #tpu.memory_space<hbm>>) target(%dma_start3A_239 : memref<128x128xf32, #tpu.memory_space<vmem>>) offsets(%dma_start3A_241 : memref<128xi32, #tpu.memory_space<vmem>>) semaphore(%arg11 : memref<!tpu.dma_semaphore, #tpu.memory_space<semaphore_mem>>)
    %dma_wait3A_245 = arith.constant 4 : i32
    %dma_wait3A_246 = arith.constant 0 : i32
    %dma_wait3A_247 = arith.constant 0 : i32
    %dma_wait3A_248 = tpu.memref_slice %arg8[%dma_wait3A_245, %dma_wait3A_246, %dma_wait3A_247] : memref<6x128x128xf32, #tpu.memory_space<vmem>> -> memref<1x128x128xf32, #tpu.memory_space<vmem>>
    %dma_wait3A_249 = tpu.memref_squeeze %dma_wait3A_248 : memref<1x128x128xf32, #tpu.memory_space<vmem>> -> memref<128x128xf32, #tpu.memory_space<vmem>>
    %dma_wait3A_250 = arith.constant 640 : i32
    %dma_wait3A_251 = tpu.memref_slice %arg6[%dma_wait3A_250] : memref<3200xi32, #tpu.memory_space<vmem>> -> memref<128xi32, #tpu.memory_space<vmem>>
    %dma_wait3A_252 = arith.constant 0 : i32
    %dma_wait3A_253 = arith.constant 0 : i32
    %dma_wait3A_254 = tpu.memref_slice %arg2[%dma_wait3A_252, %dma_wait3A_253] : memref<50000x128xf32, #tpu.memory_space<hbm>> -> memref<50000x128xf32, #tpu.memory_space<hbm>>
    tpu.wait_indirect_dma semaphore(%arg13 : memref<!tpu.dma_semaphore, #tpu.memory_space<semaphore_mem>>) src(%dma_wait3A_254 : memref<50000x128xf32, #tpu.memory_space<hbm>>) dst(%dma_wait3A_249 : memref<128x128xf32, #tpu.memory_space<vmem>>)
    %add3A_255 = arith.constant 512 : i32
    %add3A_256 = arith.addi %mul3A_2, %add3A_255 : i32
    %dma_start3A_257 = arith.constant 4 : i32
    %dma_start3A_258 = arith.constant 0 : i32
    %dma_start3A_259 = arith.constant 0 : i32
    %dma_start3A_260 = tpu.memref_slice %arg8[%dma_start3A_257, %dma_start3A_258, %dma_start3A_259] : memref<6x128x128xf32, #tpu.memory_space<vmem>> -> memref<1x128x128xf32, #tpu.memory_space<vmem>>
    %dma_start3A_261 = tpu.memref_squeeze %dma_start3A_260 : memref<1x128x128xf32, #tpu.memory_space<vmem>> -> memref<128x128xf32, #tpu.memory_space<vmem>>
    %dma_start3A_262 = arith.constant 0 : i32
    %dma_start3A_263 = tpu.memref_slice %arg5[%add3A_256, %dma_start3A_262] : memref<98304x128xf32, #tpu.memory_space<hbm>> -> memref<128x128xf32, #tpu.memory_space<hbm>>
    %dma_start3A_264 = arith.constant 0 : i32
    %dma_start3A_265 = tpu.memref_slice %arg5[%add3A_256, %dma_start3A_264] : memref<98304x128xf32, #tpu.memory_space<hbm>> -> memref<128x128xf32, #tpu.memory_space<hbm>>
    %dma_start3A_266 = arith.constant 0 : i32
    %dma_start3A_267 = arith.constant 0 : i32
    %dma_start3A_268 = tpu.memref_slice %arg8[%dma_start3A_257, %dma_start3A_266, %dma_start3A_267] : memref<6x128x128xf32, #tpu.memory_space<vmem>> -> memref<1x128x128xf32, #tpu.memory_space<vmem>>
    %dma_start3A_269 = tpu.memref_squeeze %dma_start3A_268 : memref<1x128x128xf32, #tpu.memory_space<vmem>> -> memref<128x128xf32, #tpu.memory_space<vmem>>
    tpu.enqueue_dma source(%dma_start3A_269 : memref<128x128xf32, #tpu.memory_space<vmem>>) target(%dma_start3A_265 : memref<128x128xf32, #tpu.memory_space<hbm>>) target_semaphore(%arg19 : memref<!tpu.dma_semaphore, #tpu.memory_space<semaphore_mem>>)
    %add3A_270 = arith.constant 384 : i32
    %add3A_271 = arith.addi %mul3A_2, %add3A_270 : i32
    %dma_wait3A_272 = arith.constant 3 : i32
    %dma_wait3A_273 = arith.constant 0 : i32
    %dma_wait3A_274 = arith.constant 0 : i32
    %dma_wait3A_275 = tpu.memref_slice %arg8[%dma_wait3A_272, %dma_wait3A_273, %dma_wait3A_274] : memref<6x128x128xf32, #tpu.memory_space<vmem>> -> memref<1x128x128xf32, #tpu.memory_space<vmem>>
    %dma_wait3A_276 = tpu.memref_squeeze %dma_wait3A_275 : memref<1x128x128xf32, #tpu.memory_space<vmem>> -> memref<128x128xf32, #tpu.memory_space<vmem>>
    %dma_wait3A_277 = arith.constant 0 : i32
    %dma_wait3A_278 = tpu.memref_slice %arg5[%add3A_271, %dma_wait3A_277] : memref<98304x128xf32, #tpu.memory_space<hbm>> -> memref<128x128xf32, #tpu.memory_space<hbm>>
    %dma_wait3A_279 = arith.constant 0 : i32
    %dma_wait3A_280 = tpu.memref_slice %arg5[%add3A_271, %dma_wait3A_279] : memref<98304x128xf32, #tpu.memory_space<hbm>> -> memref<128x128xf32, #tpu.memory_space<hbm>>
    %dma_wait3A_281 = arith.constant 0 : i32
    %dma_wait3A_282 = arith.constant 0 : i32
    %dma_wait3A_283 = tpu.memref_slice %arg8[%dma_wait3A_272, %dma_wait3A_281, %dma_wait3A_282] : memref<6x128x128xf32, #tpu.memory_space<vmem>> -> memref<1x128x128xf32, #tpu.memory_space<vmem>>
    %dma_wait3A_284 = tpu.memref_squeeze %dma_wait3A_283 : memref<1x128x128xf32, #tpu.memory_space<vmem>> -> memref<128x128xf32, #tpu.memory_space<vmem>>
    tpu.wait_dma2 semaphore(%arg18 : memref<!tpu.dma_semaphore, #tpu.memory_space<semaphore_mem>>) src(%dma_wait3A_284 : memref<128x128xf32, #tpu.memory_space<vmem>>) dst(%dma_wait3A_280 : memref<128x128xf32, #tpu.memory_space<hbm>>)
    %dma_start3A_285 = arith.constant 3 : i32
    %dma_start3A_286 = arith.constant 0 : i32
    %dma_start3A_287 = arith.constant 0 : i32
    %dma_start3A_288 = tpu.memref_slice %arg8[%dma_start3A_285, %dma_start3A_286, %dma_start3A_287] : memref<6x128x128xf32, #tpu.memory_space<vmem>> -> memref<1x128x128xf32, #tpu.memory_space<vmem>>
    %dma_start3A_289 = tpu.memref_squeeze %dma_start3A_288 : memref<1x128x128xf32, #tpu.memory_space<vmem>> -> memref<128x128xf32, #tpu.memory_space<vmem>>
    %dma_start3A_290 = arith.constant 1280 : i32
    %dma_start3A_291 = tpu.memref_slice %arg6[%dma_start3A_290] : memref<3200xi32, #tpu.memory_space<vmem>> -> memref<128xi32, #tpu.memory_space<vmem>>
    %dma_start3A_292 = arith.constant 0 : i32
    %dma_start3A_293 = arith.constant 0 : i32
    %dma_start3A_294 = tpu.memref_slice %arg2[%dma_start3A_292, %dma_start3A_293] : memref<50000x128xf32, #tpu.memory_space<hbm>> -> memref<50000x128xf32, #tpu.memory_space<hbm>>
    tpu.enqueue_indirect_dma source(%dma_start3A_294 : memref<50000x128xf32, #tpu.memory_space<hbm>>) target(%dma_start3A_289 : memref<128x128xf32, #tpu.memory_space<vmem>>) offsets(%dma_start3A_291 : memref<128xi32, #tpu.memory_space<vmem>>) semaphore(%arg12 : memref<!tpu.dma_semaphore, #tpu.memory_space<semaphore_mem>>)
    %dma_wait3A_295 = arith.constant 5 : i32
    %dma_wait3A_296 = arith.constant 0 : i32
    %dma_wait3A_297 = arith.constant 0 : i32
    %dma_wait3A_298 = tpu.memref_slice %arg8[%dma_wait3A_295, %dma_wait3A_296, %dma_wait3A_297] : memref<6x128x128xf32, #tpu.memory_space<vmem>> -> memref<1x128x128xf32, #tpu.memory_space<vmem>>
    %dma_wait3A_299 = tpu.memref_squeeze %dma_wait3A_298 : memref<1x128x128xf32, #tpu.memory_space<vmem>> -> memref<128x128xf32, #tpu.memory_space<vmem>>
    %dma_wait3A_300 = arith.constant 768 : i32
    %dma_wait3A_301 = tpu.memref_slice %arg6[%dma_wait3A_300] : memref<3200xi32, #tpu.memory_space<vmem>> -> memref<128xi32, #tpu.memory_space<vmem>>
    %dma_wait3A_302 = arith.constant 0 : i32
    %dma_wait3A_303 = arith.constant 0 : i32
    %dma_wait3A_304 = tpu.memref_slice %arg2[%dma_wait3A_302, %dma_wait3A_303] : memref<50000x128xf32, #tpu.memory_space<hbm>> -> memref<50000x128xf32, #tpu.memory_space<hbm>>
    tpu.wait_indirect_dma semaphore(%arg14 : memref<!tpu.dma_semaphore, #tpu.memory_space<semaphore_mem>>) src(%dma_wait3A_304 : memref<50000x128xf32, #tpu.memory_space<hbm>>) dst(%dma_wait3A_299 : memref<128x128xf32, #tpu.memory_space<vmem>>)
    %add3A_305 = arith.constant 640 : i32
    %add3A_306 = arith.addi %mul3A_2, %add3A_305 : i32
    %dma_start3A_307 = arith.constant 5 : i32
    %dma_start3A_308 = arith.constant 0 : i32
    %dma_start3A_309 = arith.constant 0 : i32
    %dma_start3A_310 = tpu.memref_slice %arg8[%dma_start3A_307, %dma_start3A_308, %dma_start3A_309] : memref<6x128x128xf32, #tpu.memory_space<vmem>> -> memref<1x128x128xf32, #tpu.memory_space<vmem>>
    %dma_start3A_311 = tpu.memref_squeeze %dma_start3A_310 : memref<1x128x128xf32, #tpu.memory_space<vmem>> -> memref<128x128xf32, #tpu.memory_space<vmem>>
    %dma_start3A_312 = arith.constant 0 : i32
    %dma_start3A_313 = tpu.memref_slice %arg5[%add3A_306, %dma_start3A_312] : memref<98304x128xf32, #tpu.memory_space<hbm>> -> memref<128x128xf32, #tpu.memory_space<hbm>>
    %dma_start3A_314 = arith.constant 0 : i32
    %dma_start3A_315 = tpu.memref_slice %arg5[%add3A_306, %dma_start3A_314] : memref<98304x128xf32, #tpu.memory_space<hbm>> -> memref<128x128xf32, #tpu.memory_space<hbm>>
    %dma_start3A_316 = arith.constant 0 : i32
    %dma_start3A_317 = arith.constant 0 : i32
    %dma_start3A_318 = tpu.memref_slice %arg8[%dma_start3A_307, %dma_start3A_316, %dma_start3A_317] : memref<6x128x128xf32, #tpu.memory_space<vmem>> -> memref<1x128x128xf32, #tpu.memory_space<vmem>>
    %dma_start3A_319 = tpu.memref_squeeze %dma_start3A_318 : memref<1x128x128xf32, #tpu.memory_space<vmem>> -> memref<128x128xf32, #tpu.memory_space<vmem>>
    tpu.enqueue_dma source(%dma_start3A_319 : memref<128x128xf32, #tpu.memory_space<vmem>>) target(%dma_start3A_315 : memref<128x128xf32, #tpu.memory_space<hbm>>) target_semaphore(%arg20 : memref<!tpu.dma_semaphore, #tpu.memory_space<semaphore_mem>>)
    %add3A_320 = arith.constant 512 : i32
    %add3A_321 = arith.addi %mul3A_2, %add3A_320 : i32
    %dma_wait3A_322 = arith.constant 4 : i32
    %dma_wait3A_323 = arith.constant 0 : i32
    %dma_wait3A_324 = arith.constant 0 : i32
    %dma_wait3A_325 = tpu.memref_slice %arg8[%dma_wait3A_322, %dma_wait3A_323, %dma_wait3A_324] : memref<6x128x128xf32, #tpu.memory_space<vmem>> -> memref<1x128x128xf32, #tpu.memory_space<vmem>>
    %dma_wait3A_326 = tpu.memref_squeeze %dma_wait3A_325 : memref<1x128x128xf32, #tpu.memory_space<vmem>> -> memref<128x128xf32, #tpu.memory_space<vmem>>
    %dma_wait3A_327 = arith.constant 0 : i32
    %dma_wait3A_328 = tpu.memref_slice %arg5[%add3A_321, %dma_wait3A_327] : memref<98304x128xf32, #tpu.memory_space<hbm>> -> memref<128x128xf32, #tpu.memory_space<hbm>>
    %dma_wait3A_329 = arith.constant 0 : i32
    %dma_wait3A_330 = tpu.memref_slice %arg5[%add3A_321, %dma_wait3A_329] : memref<98304x128xf32, #tpu.memory_space<hbm>> -> memref<128x128xf32, #tpu.memory_space<hbm>>
    %dma_wait3A_331 = arith.constant 0 : i32
    %dma_wait3A_332 = arith.constant 0 : i32
    %dma_wait3A_333 = tpu.memref_slice %arg8[%dma_wait3A_322, %dma_wait3A_331, %dma_wait3A_332] : memref<6x128x128xf32, #tpu.memory_space<vmem>> -> memref<1x128x128xf32, #tpu.memory_space<vmem>>
    %dma_wait3A_334 = tpu.memref_squeeze %dma_wait3A_333 : memref<1x128x128xf32, #tpu.memory_space<vmem>> -> memref<128x128xf32, #tpu.memory_space<vmem>>
    tpu.wait_dma2 semaphore(%arg19 : memref<!tpu.dma_semaphore, #tpu.memory_space<semaphore_mem>>) src(%dma_wait3A_334 : memref<128x128xf32, #tpu.memory_space<vmem>>) dst(%dma_wait3A_330 : memref<128x128xf32, #tpu.memory_space<hbm>>)
    %dma_start3A_335 = arith.constant 4 : i32
    %dma_start3A_336 = arith.constant 0 : i32
    %dma_start3A_337 = arith.constant 0 : i32
    %dma_start3A_338 = tpu.memref_slice %arg8[%dma_start3A_335, %dma_start3A_336, %dma_start3A_337] : memref<6x128x128xf32, #tpu.memory_space<vmem>> -> memref<1x128x128xf32, #tpu.memory_space<vmem>>
    %dma_start3A_339 = tpu.memref_squeeze %dma_start3A_338 : memref<1x128x128xf32, #tpu.memory_space<vmem>> -> memref<128x128xf32, #tpu.memory_space<vmem>>
    %dma_start3A_340 = arith.constant 1408 : i32
    %dma_start3A_341 = tpu.memref_slice %arg6[%dma_start3A_340] : memref<3200xi32, #tpu.memory_space<vmem>> -> memref<128xi32, #tpu.memory_space<vmem>>
    %dma_start3A_342 = arith.constant 0 : i32
    %dma_start3A_343 = arith.constant 0 : i32
    %dma_start3A_344 = tpu.memref_slice %arg2[%dma_start3A_342, %dma_start3A_343] : memref<50000x128xf32, #tpu.memory_space<hbm>> -> memref<50000x128xf32, #tpu.memory_space<hbm>>
    tpu.enqueue_indirect_dma source(%dma_start3A_344 : memref<50000x128xf32, #tpu.memory_space<hbm>>) target(%dma_start3A_339 : memref<128x128xf32, #tpu.memory_space<vmem>>) offsets(%dma_start3A_341 : memref<128xi32, #tpu.memory_space<vmem>>) semaphore(%arg13 : memref<!tpu.dma_semaphore, #tpu.memory_space<semaphore_mem>>)
    %dma_wait3A_345 = arith.constant 0 : i32
    %dma_wait3A_346 = arith.constant 0 : i32
    %dma_wait3A_347 = arith.constant 0 : i32
    %dma_wait3A_348 = tpu.memref_slice %arg8[%dma_wait3A_345, %dma_wait3A_346, %dma_wait3A_347] : memref<6x128x128xf32, #tpu.memory_space<vmem>> -> memref<1x128x128xf32, #tpu.memory_space<vmem>>
    %dma_wait3A_349 = tpu.memref_squeeze %dma_wait3A_348 : memref<1x128x128xf32, #tpu.memory_space<vmem>> -> memref<128x128xf32, #tpu.memory_space<vmem>>
    %dma_wait3A_350 = arith.constant 896 : i32
    %dma_wait3A_351 = tpu.memref_slice %arg6[%dma_wait3A_350] : memref<3200xi32, #tpu.memory_space<vmem>> -> memref<128xi32, #tpu.memory_space<vmem>>
    %dma_wait3A_352 = arith.constant 0 : i32
    %dma_wait3A_353 = arith.constant 0 : i32
    %dma_wait3A_354 = tpu.memref_slice %arg2[%dma_wait3A_352, %dma_wait3A_353] : memref<50000x128xf32, #tpu.memory_space<hbm>> -> memref<50000x128xf32, #tpu.memory_space<hbm>>
    tpu.wait_indirect_dma semaphore(%arg9 : memref<!tpu.dma_semaphore, #tpu.memory_space<semaphore_mem>>) src(%dma_wait3A_354 : memref<50000x128xf32, #tpu.memory_space<hbm>>) dst(%dma_wait3A_349 : memref<128x128xf32, #tpu.memory_space<vmem>>)
    %add3A_355 = arith.constant 768 : i32
    %add3A_356 = arith.addi %mul3A_2, %add3A_355 : i32
    %dma_start3A_357 = arith.constant 0 : i32
    %dma_start3A_358 = arith.constant 0 : i32
    %dma_start3A_359 = arith.constant 0 : i32
    %dma_start3A_360 = tpu.memref_slice %arg8[%dma_start3A_357, %dma_start3A_358, %dma_start3A_359] : memref<6x128x128xf32, #tpu.memory_space<vmem>> -> memref<1x128x128xf32, #tpu.memory_space<vmem>>
    %dma_start3A_361 = tpu.memref_squeeze %dma_start3A_360 : memref<1x128x128xf32, #tpu.memory_space<vmem>> -> memref<128x128xf32, #tpu.memory_space<vmem>>
    %dma_start3A_362 = arith.constant 0 : i32
    %dma_start3A_363 = tpu.memref_slice %arg5[%add3A_356, %dma_start3A_362] : memref<98304x128xf32, #tpu.memory_space<hbm>> -> memref<128x128xf32, #tpu.memory_space<hbm>>
    %dma_start3A_364 = arith.constant 0 : i32
    %dma_start3A_365 = tpu.memref_slice %arg5[%add3A_356, %dma_start3A_364] : memref<98304x128xf32, #tpu.memory_space<hbm>> -> memref<128x128xf32, #tpu.memory_space<hbm>>
    %dma_start3A_366 = arith.constant 0 : i32
    %dma_start3A_367 = arith.constant 0 : i32
    %dma_start3A_368 = tpu.memref_slice %arg8[%dma_start3A_357, %dma_start3A_366, %dma_start3A_367] : memref<6x128x128xf32, #tpu.memory_space<vmem>> -> memref<1x128x128xf32, #tpu.memory_space<vmem>>
    %dma_start3A_369 = tpu.memref_squeeze %dma_start3A_368 : memref<1x128x128xf32, #tpu.memory_space<vmem>> -> memref<128x128xf32, #tpu.memory_space<vmem>>
    tpu.enqueue_dma source(%dma_start3A_369 : memref<128x128xf32, #tpu.memory_space<vmem>>) target(%dma_start3A_365 : memref<128x128xf32, #tpu.memory_space<hbm>>) target_semaphore(%arg15 : memref<!tpu.dma_semaphore, #tpu.memory_space<semaphore_mem>>)
    %add3A_370 = arith.constant 640 : i32
    %add3A_371 = arith.addi %mul3A_2, %add3A_370 : i32
    %dma_wait3A_372 = arith.constant 5 : i32
    %dma_wait3A_373 = arith.constant 0 : i32
    %dma_wait3A_374 = arith.constant 0 : i32
    %dma_wait3A_375 = tpu.memref_slice %arg8[%dma_wait3A_372, %dma_wait3A_373, %dma_wait3A_374] : memref<6x128x128xf32, #tpu.memory_space<vmem>> -> memref<1x128x128xf32, #tpu.memory_space<vmem>>
    %dma_wait3A_376 = tpu.memref_squeeze %dma_wait3A_375 : memref<1x128x128xf32, #tpu.memory_space<vmem>> -> memref<128x128xf32, #tpu.memory_space<vmem>>
    %dma_wait3A_377 = arith.constant 0 : i32
    %dma_wait3A_378 = tpu.memref_slice %arg5[%add3A_371, %dma_wait3A_377] : memref<98304x128xf32, #tpu.memory_space<hbm>> -> memref<128x128xf32, #tpu.memory_space<hbm>>
    %dma_wait3A_379 = arith.constant 0 : i32
    %dma_wait3A_380 = tpu.memref_slice %arg5[%add3A_371, %dma_wait3A_379] : memref<98304x128xf32, #tpu.memory_space<hbm>> -> memref<128x128xf32, #tpu.memory_space<hbm>>
    %dma_wait3A_381 = arith.constant 0 : i32
    %dma_wait3A_382 = arith.constant 0 : i32
    %dma_wait3A_383 = tpu.memref_slice %arg8[%dma_wait3A_372, %dma_wait3A_381, %dma_wait3A_382] : memref<6x128x128xf32, #tpu.memory_space<vmem>> -> memref<1x128x128xf32, #tpu.memory_space<vmem>>
    %dma_wait3A_384 = tpu.memref_squeeze %dma_wait3A_383 : memref<1x128x128xf32, #tpu.memory_space<vmem>> -> memref<128x128xf32, #tpu.memory_space<vmem>>
    tpu.wait_dma2 semaphore(%arg20 : memref<!tpu.dma_semaphore, #tpu.memory_space<semaphore_mem>>) src(%dma_wait3A_384 : memref<128x128xf32, #tpu.memory_space<vmem>>) dst(%dma_wait3A_380 : memref<128x128xf32, #tpu.memory_space<hbm>>)
    %dma_start3A_385 = arith.constant 5 : i32
    %dma_start3A_386 = arith.constant 0 : i32
    %dma_start3A_387 = arith.constant 0 : i32
    %dma_start3A_388 = tpu.memref_slice %arg8[%dma_start3A_385, %dma_start3A_386, %dma_start3A_387] : memref<6x128x128xf32, #tpu.memory_space<vmem>> -> memref<1x128x128xf32, #tpu.memory_space<vmem>>
    %dma_start3A_389 = tpu.memref_squeeze %dma_start3A_388 : memref<1x128x128xf32, #tpu.memory_space<vmem>> -> memref<128x128xf32, #tpu.memory_space<vmem>>
    %dma_start3A_390 = arith.constant 1536 : i32
    %dma_start3A_391 = tpu.memref_slice %arg6[%dma_start3A_390] : memref<3200xi32, #tpu.memory_space<vmem>> -> memref<128xi32, #tpu.memory_space<vmem>>
    %dma_start3A_392 = arith.constant 0 : i32
    %dma_start3A_393 = arith.constant 0 : i32
    %dma_start3A_394 = tpu.memref_slice %arg2[%dma_start3A_392, %dma_start3A_393] : memref<50000x128xf32, #tpu.memory_space<hbm>> -> memref<50000x128xf32, #tpu.memory_space<hbm>>
    tpu.enqueue_indirect_dma source(%dma_start3A_394 : memref<50000x128xf32, #tpu.memory_space<hbm>>) target(%dma_start3A_389 : memref<128x128xf32, #tpu.memory_space<vmem>>) offsets(%dma_start3A_391 : memref<128xi32, #tpu.memory_space<vmem>>) semaphore(%arg14 : memref<!tpu.dma_semaphore, #tpu.memory_space<semaphore_mem>>)
    %dma_wait3A_395 = arith.constant 1 : i32
    %dma_wait3A_396 = arith.constant 0 : i32
    %dma_wait3A_397 = arith.constant 0 : i32
    %dma_wait3A_398 = tpu.memref_slice %arg8[%dma_wait3A_395, %dma_wait3A_396, %dma_wait3A_397] : memref<6x128x128xf32, #tpu.memory_space<vmem>> -> memref<1x128x128xf32, #tpu.memory_space<vmem>>
    %dma_wait3A_399 = tpu.memref_squeeze %dma_wait3A_398 : memref<1x128x128xf32, #tpu.memory_space<vmem>> -> memref<128x128xf32, #tpu.memory_space<vmem>>
    %dma_wait3A_400 = arith.constant 1024 : i32
    %dma_wait3A_401 = tpu.memref_slice %arg6[%dma_wait3A_400] : memref<3200xi32, #tpu.memory_space<vmem>> -> memref<128xi32, #tpu.memory_space<vmem>>
    %dma_wait3A_402 = arith.constant 0 : i32
    %dma_wait3A_403 = arith.constant 0 : i32
    %dma_wait3A_404 = tpu.memref_slice %arg2[%dma_wait3A_402, %dma_wait3A_403] : memref<50000x128xf32, #tpu.memory_space<hbm>> -> memref<50000x128xf32, #tpu.memory_space<hbm>>
    tpu.wait_indirect_dma semaphore(%arg10 : memref<!tpu.dma_semaphore, #tpu.memory_space<semaphore_mem>>) src(%dma_wait3A_404 : memref<50000x128xf32, #tpu.memory_space<hbm>>) dst(%dma_wait3A_399 : memref<128x128xf32, #tpu.memory_space<vmem>>)
    %add3A_405 = arith.constant 896 : i32
    %add3A_406 = arith.addi %mul3A_2, %add3A_405 : i32
    %dma_start3A_407 = arith.constant 1 : i32
    %dma_start3A_408 = arith.constant 0 : i32
    %dma_start3A_409 = arith.constant 0 : i32
    %dma_start3A_410 = tpu.memref_slice %arg8[%dma_start3A_407, %dma_start3A_408, %dma_start3A_409] : memref<6x128x128xf32, #tpu.memory_space<vmem>> -> memref<1x128x128xf32, #tpu.memory_space<vmem>>
    %dma_start3A_411 = tpu.memref_squeeze %dma_start3A_410 : memref<1x128x128xf32, #tpu.memory_space<vmem>> -> memref<128x128xf32, #tpu.memory_space<vmem>>
    %dma_start3A_412 = arith.constant 0 : i32
    %dma_start3A_413 = tpu.memref_slice %arg5[%add3A_406, %dma_start3A_412] : memref<98304x128xf32, #tpu.memory_space<hbm>> -> memref<128x128xf32, #tpu.memory_space<hbm>>
    %dma_start3A_414 = arith.constant 0 : i32
    %dma_start3A_415 = tpu.memref_slice %arg5[%add3A_406, %dma_start3A_414] : memref<98304x128xf32, #tpu.memory_space<hbm>> -> memref<128x128xf32, #tpu.memory_space<hbm>>
    %dma_start3A_416 = arith.constant 0 : i32
    %dma_start3A_417 = arith.constant 0 : i32
    %dma_start3A_418 = tpu.memref_slice %arg8[%dma_start3A_407, %dma_start3A_416, %dma_start3A_417] : memref<6x128x128xf32, #tpu.memory_space<vmem>> -> memref<1x128x128xf32, #tpu.memory_space<vmem>>
    %dma_start3A_419 = tpu.memref_squeeze %dma_start3A_418 : memref<1x128x128xf32, #tpu.memory_space<vmem>> -> memref<128x128xf32, #tpu.memory_space<vmem>>
    tpu.enqueue_dma source(%dma_start3A_419 : memref<128x128xf32, #tpu.memory_space<vmem>>) target(%dma_start3A_415 : memref<128x128xf32, #tpu.memory_space<hbm>>) target_semaphore(%arg16 : memref<!tpu.dma_semaphore, #tpu.memory_space<semaphore_mem>>)
    %add3A_420 = arith.constant 768 : i32
    %add3A_421 = arith.addi %mul3A_2, %add3A_420 : i32
    %dma_wait3A_422 = arith.constant 0 : i32
    %dma_wait3A_423 = arith.constant 0 : i32
    %dma_wait3A_424 = arith.constant 0 : i32
    %dma_wait3A_425 = tpu.memref_slice %arg8[%dma_wait3A_422, %dma_wait3A_423, %dma_wait3A_424] : memref<6x128x128xf32, #tpu.memory_space<vmem>> -> memref<1x128x128xf32, #tpu.memory_space<vmem>>
    %dma_wait3A_426 = tpu.memref_squeeze %dma_wait3A_425 : memref<1x128x128xf32, #tpu.memory_space<vmem>> -> memref<128x128xf32, #tpu.memory_space<vmem>>
    %dma_wait3A_427 = arith.constant 0 : i32
    %dma_wait3A_428 = tpu.memref_slice %arg5[%add3A_421, %dma_wait3A_427] : memref<98304x128xf32, #tpu.memory_space<hbm>> -> memref<128x128xf32, #tpu.memory_space<hbm>>
    %dma_wait3A_429 = arith.constant 0 : i32
    %dma_wait3A_430 = tpu.memref_slice %arg5[%add3A_421, %dma_wait3A_429] : memref<98304x128xf32, #tpu.memory_space<hbm>> -> memref<128x128xf32, #tpu.memory_space<hbm>>
    %dma_wait3A_431 = arith.constant 0 : i32
    %dma_wait3A_432 = arith.constant 0 : i32
    %dma_wait3A_433 = tpu.memref_slice %arg8[%dma_wait3A_422, %dma_wait3A_431, %dma_wait3A_432] : memref<6x128x128xf32, #tpu.memory_space<vmem>> -> memref<1x128x128xf32, #tpu.memory_space<vmem>>
    %dma_wait3A_434 = tpu.memref_squeeze %dma_wait3A_433 : memref<1x128x128xf32, #tpu.memory_space<vmem>> -> memref<128x128xf32, #tpu.memory_space<vmem>>
    tpu.wait_dma2 semaphore(%arg15 : memref<!tpu.dma_semaphore, #tpu.memory_space<semaphore_mem>>) src(%dma_wait3A_434 : memref<128x128xf32, #tpu.memory_space<vmem>>) dst(%dma_wait3A_430 : memref<128x128xf32, #tpu.memory_space<hbm>>)
    %dma_start3A_435 = arith.constant 0 : i32
    %dma_start3A_436 = arith.constant 0 : i32
    %dma_start3A_437 = arith.constant 0 : i32
    %dma_start3A_438 = tpu.memref_slice %arg8[%dma_start3A_435, %dma_start3A_436, %dma_start3A_437] : memref<6x128x128xf32, #tpu.memory_space<vmem>> -> memref<1x128x128xf32, #tpu.memory_space<vmem>>
    %dma_start3A_439 = tpu.memref_squeeze %dma_start3A_438 : memref<1x128x128xf32, #tpu.memory_space<vmem>> -> memref<128x128xf32, #tpu.memory_space<vmem>>
    %dma_start3A_440 = arith.constant 1664 : i32
    %dma_start3A_441 = tpu.memref_slice %arg6[%dma_start3A_440] : memref<3200xi32, #tpu.memory_space<vmem>> -> memref<128xi32, #tpu.memory_space<vmem>>
    %dma_start3A_442 = arith.constant 0 : i32
    %dma_start3A_443 = arith.constant 0 : i32
    %dma_start3A_444 = tpu.memref_slice %arg2[%dma_start3A_442, %dma_start3A_443] : memref<50000x128xf32, #tpu.memory_space<hbm>> -> memref<50000x128xf32, #tpu.memory_space<hbm>>
    tpu.enqueue_indirect_dma source(%dma_start3A_444 : memref<50000x128xf32, #tpu.memory_space<hbm>>) target(%dma_start3A_439 : memref<128x128xf32, #tpu.memory_space<vmem>>) offsets(%dma_start3A_441 : memref<128xi32, #tpu.memory_space<vmem>>) semaphore(%arg9 : memref<!tpu.dma_semaphore, #tpu.memory_space<semaphore_mem>>)
    %dma_wait3A_445 = arith.constant 2 : i32
    %dma_wait3A_446 = arith.constant 0 : i32
    %dma_wait3A_447 = arith.constant 0 : i32
    %dma_wait3A_448 = tpu.memref_slice %arg8[%dma_wait3A_445, %dma_wait3A_446, %dma_wait3A_447] : memref<6x128x128xf32, #tpu.memory_space<vmem>> -> memref<1x128x128xf32, #tpu.memory_space<vmem>>
    %dma_wait3A_449 = tpu.memref_squeeze %dma_wait3A_448 : memref<1x128x128xf32, #tpu.memory_space<vmem>> -> memref<128x128xf32, #tpu.memory_space<vmem>>
    %dma_wait3A_450 = arith.constant 1152 : i32
    %dma_wait3A_451 = tpu.memref_slice %arg6[%dma_wait3A_450] : memref<3200xi32, #tpu.memory_space<vmem>> -> memref<128xi32, #tpu.memory_space<vmem>>
    %dma_wait3A_452 = arith.constant 0 : i32
    %dma_wait3A_453 = arith.constant 0 : i32
    %dma_wait3A_454 = tpu.memref_slice %arg2[%dma_wait3A_452, %dma_wait3A_453] : memref<50000x128xf32, #tpu.memory_space<hbm>> -> memref<50000x128xf32, #tpu.memory_space<hbm>>
    tpu.wait_indirect_dma semaphore(%arg11 : memref<!tpu.dma_semaphore, #tpu.memory_space<semaphore_mem>>) src(%dma_wait3A_454 : memref<50000x128xf32, #tpu.memory_space<hbm>>) dst(%dma_wait3A_449 : memref<128x128xf32, #tpu.memory_space<vmem>>)
    %add3A_455 = arith.constant 1024 : i32
    %add3A_456 = arith.addi %mul3A_2, %add3A_455 : i32
    %dma_start3A_457 = arith.constant 2 : i32
    %dma_start3A_458 = arith.constant 0 : i32
    %dma_start3A_459 = arith.constant 0 : i32
    %dma_start3A_460 = tpu.memref_slice %arg8[%dma_start3A_457, %dma_start3A_458, %dma_start3A_459] : memref<6x128x128xf32, #tpu.memory_space<vmem>> -> memref<1x128x128xf32, #tpu.memory_space<vmem>>
    %dma_start3A_461 = tpu.memref_squeeze %dma_start3A_460 : memref<1x128x128xf32, #tpu.memory_space<vmem>> -> memref<128x128xf32, #tpu.memory_space<vmem>>
    %dma_start3A_462 = arith.constant 0 : i32
    %dma_start3A_463 = tpu.memref_slice %arg5[%add3A_456, %dma_start3A_462] : memref<98304x128xf32, #tpu.memory_space<hbm>> -> memref<128x128xf32, #tpu.memory_space<hbm>>
    %dma_start3A_464 = arith.constant 0 : i32
    %dma_start3A_465 = tpu.memref_slice %arg5[%add3A_456, %dma_start3A_464] : memref<98304x128xf32, #tpu.memory_space<hbm>> -> memref<128x128xf32, #tpu.memory_space<hbm>>
    %dma_start3A_466 = arith.constant 0 : i32
    %dma_start3A_467 = arith.constant 0 : i32
    %dma_start3A_468 = tpu.memref_slice %arg8[%dma_start3A_457, %dma_start3A_466, %dma_start3A_467] : memref<6x128x128xf32, #tpu.memory_space<vmem>> -> memref<1x128x128xf32, #tpu.memory_space<vmem>>
    %dma_start3A_469 = tpu.memref_squeeze %dma_start3A_468 : memref<1x128x128xf32, #tpu.memory_space<vmem>> -> memref<128x128xf32, #tpu.memory_space<vmem>>
    tpu.enqueue_dma source(%dma_start3A_469 : memref<128x128xf32, #tpu.memory_space<vmem>>) target(%dma_start3A_465 : memref<128x128xf32, #tpu.memory_space<hbm>>) target_semaphore(%arg17 : memref<!tpu.dma_semaphore, #tpu.memory_space<semaphore_mem>>)
    %add3A_470 = arith.constant 896 : i32
    %add3A_471 = arith.addi %mul3A_2, %add3A_470 : i32
    %dma_wait3A_472 = arith.constant 1 : i32
    %dma_wait3A_473 = arith.constant 0 : i32
    %dma_wait3A_474 = arith.constant 0 : i32
    %dma_wait3A_475 = tpu.memref_slice %arg8[%dma_wait3A_472, %dma_wait3A_473, %dma_wait3A_474] : memref<6x128x128xf32, #tpu.memory_space<vmem>> -> memref<1x128x128xf32, #tpu.memory_space<vmem>>
    %dma_wait3A_476 = tpu.memref_squeeze %dma_wait3A_475 : memref<1x128x128xf32, #tpu.memory_space<vmem>> -> memref<128x128xf32, #tpu.memory_space<vmem>>
    %dma_wait3A_477 = arith.constant 0 : i32
    %dma_wait3A_478 = tpu.memref_slice %arg5[%add3A_471, %dma_wait3A_477] : memref<98304x128xf32, #tpu.memory_space<hbm>> -> memref<128x128xf32, #tpu.memory_space<hbm>>
    %dma_wait3A_479 = arith.constant 0 : i32
    %dma_wait3A_480 = tpu.memref_slice %arg5[%add3A_471, %dma_wait3A_479] : memref<98304x128xf32, #tpu.memory_space<hbm>> -> memref<128x128xf32, #tpu.memory_space<hbm>>
    %dma_wait3A_481 = arith.constant 0 : i32
    %dma_wait3A_482 = arith.constant 0 : i32
    %dma_wait3A_483 = tpu.memref_slice %arg8[%dma_wait3A_472, %dma_wait3A_481, %dma_wait3A_482] : memref<6x128x128xf32, #tpu.memory_space<vmem>> -> memref<1x128x128xf32, #tpu.memory_space<vmem>>
    %dma_wait3A_484 = tpu.memref_squeeze %dma_wait3A_483 : memref<1x128x128xf32, #tpu.memory_space<vmem>> -> memref<128x128xf32, #tpu.memory_space<vmem>>
    tpu.wait_dma2 semaphore(%arg16 : memref<!tpu.dma_semaphore, #tpu.memory_space<semaphore_mem>>) src(%dma_wait3A_484 : memref<128x128xf32, #tpu.memory_space<vmem>>) dst(%dma_wait3A_480 : memref<128x128xf32, #tpu.memory_space<hbm>>)
    %dma_start3A_485 = arith.constant 1 : i32
    %dma_start3A_486 = arith.constant 0 : i32
    %dma_start3A_487 = arith.constant 0 : i32
    %dma_start3A_488 = tpu.memref_slice %arg8[%dma_start3A_485, %dma_start3A_486, %dma_start3A_487] : memref<6x128x128xf32, #tpu.memory_space<vmem>> -> memref<1x128x128xf32, #tpu.memory_space<vmem>>
    %dma_start3A_489 = tpu.memref_squeeze %dma_start3A_488 : memref<1x128x128xf32, #tpu.memory_space<vmem>> -> memref<128x128xf32, #tpu.memory_space<vmem>>
    %dma_start3A_490 = arith.constant 1792 : i32
    %dma_start3A_491 = tpu.memref_slice %arg6[%dma_start3A_490] : memref<3200xi32, #tpu.memory_space<vmem>> -> memref<128xi32, #tpu.memory_space<vmem>>
    %dma_start3A_492 = arith.constant 0 : i32
    %dma_start3A_493 = arith.constant 0 : i32
    %dma_start3A_494 = tpu.memref_slice %arg2[%dma_start3A_492, %dma_start3A_493] : memref<50000x128xf32, #tpu.memory_space<hbm>> -> memref<50000x128xf32, #tpu.memory_space<hbm>>
    tpu.enqueue_indirect_dma source(%dma_start3A_494 : memref<50000x128xf32, #tpu.memory_space<hbm>>) target(%dma_start3A_489 : memref<128x128xf32, #tpu.memory_space<vmem>>) offsets(%dma_start3A_491 : memref<128xi32, #tpu.memory_space<vmem>>) semaphore(%arg10 : memref<!tpu.dma_semaphore, #tpu.memory_space<semaphore_mem>>)
    %dma_wait3A_495 = arith.constant 3 : i32
    %dma_wait3A_496 = arith.constant 0 : i32
    %dma_wait3A_497 = arith.constant 0 : i32
    %dma_wait3A_498 = tpu.memref_slice %arg8[%dma_wait3A_495, %dma_wait3A_496, %dma_wait3A_497] : memref<6x128x128xf32, #tpu.memory_space<vmem>> -> memref<1x128x128xf32, #tpu.memory_space<vmem>>
    %dma_wait3A_499 = tpu.memref_squeeze %dma_wait3A_498 : memref<1x128x128xf32, #tpu.memory_space<vmem>> -> memref<128x128xf32, #tpu.memory_space<vmem>>
    %dma_wait3A_500 = arith.constant 1280 : i32
    %dma_wait3A_501 = tpu.memref_slice %arg6[%dma_wait3A_500] : memref<3200xi32, #tpu.memory_space<vmem>> -> memref<128xi32, #tpu.memory_space<vmem>>
    %dma_wait3A_502 = arith.constant 0 : i32
    %dma_wait3A_503 = arith.constant 0 : i32
    %dma_wait3A_504 = tpu.memref_slice %arg2[%dma_wait3A_502, %dma_wait3A_503] : memref<50000x128xf32, #tpu.memory_space<hbm>> -> memref<50000x128xf32, #tpu.memory_space<hbm>>
    tpu.wait_indirect_dma semaphore(%arg12 : memref<!tpu.dma_semaphore, #tpu.memory_space<semaphore_mem>>) src(%dma_wait3A_504 : memref<50000x128xf32, #tpu.memory_space<hbm>>) dst(%dma_wait3A_499 : memref<128x128xf32, #tpu.memory_space<vmem>>)
    %add3A_505 = arith.constant 1152 : i32
    %add3A_506 = arith.addi %mul3A_2, %add3A_505 : i32
    %dma_start3A_507 = arith.constant 3 : i32
    %dma_start3A_508 = arith.constant 0 : i32
    %dma_start3A_509 = arith.constant 0 : i32
    %dma_start3A_510 = tpu.memref_slice %arg8[%dma_start3A_507, %dma_start3A_508, %dma_start3A_509] : memref<6x128x128xf32, #tpu.memory_space<vmem>> -> memref<1x128x128xf32, #tpu.memory_space<vmem>>
    %dma_start3A_511 = tpu.memref_squeeze %dma_start3A_510 : memref<1x128x128xf32, #tpu.memory_space<vmem>> -> memref<128x128xf32, #tpu.memory_space<vmem>>
    %dma_start3A_512 = arith.constant 0 : i32
    %dma_start3A_513 = tpu.memref_slice %arg5[%add3A_506, %dma_start3A_512] : memref<98304x128xf32, #tpu.memory_space<hbm>> -> memref<128x128xf32, #tpu.memory_space<hbm>>
    %dma_start3A_514 = arith.constant 0 : i32
    %dma_start3A_515 = tpu.memref_slice %arg5[%add3A_506, %dma_start3A_514] : memref<98304x128xf32, #tpu.memory_space<hbm>> -> memref<128x128xf32, #tpu.memory_space<hbm>>
    %dma_start3A_516 = arith.constant 0 : i32
    %dma_start3A_517 = arith.constant 0 : i32
    %dma_start3A_518 = tpu.memref_slice %arg8[%dma_start3A_507, %dma_start3A_516, %dma_start3A_517] : memref<6x128x128xf32, #tpu.memory_space<vmem>> -> memref<1x128x128xf32, #tpu.memory_space<vmem>>
    %dma_start3A_519 = tpu.memref_squeeze %dma_start3A_518 : memref<1x128x128xf32, #tpu.memory_space<vmem>> -> memref<128x128xf32, #tpu.memory_space<vmem>>
    tpu.enqueue_dma source(%dma_start3A_519 : memref<128x128xf32, #tpu.memory_space<vmem>>) target(%dma_start3A_515 : memref<128x128xf32, #tpu.memory_space<hbm>>) target_semaphore(%arg18 : memref<!tpu.dma_semaphore, #tpu.memory_space<semaphore_mem>>)
    %add3A_520 = arith.constant 1024 : i32
    %add3A_521 = arith.addi %mul3A_2, %add3A_520 : i32
    %dma_wait3A_522 = arith.constant 2 : i32
    %dma_wait3A_523 = arith.constant 0 : i32
    %dma_wait3A_524 = arith.constant 0 : i32
    %dma_wait3A_525 = tpu.memref_slice %arg8[%dma_wait3A_522, %dma_wait3A_523, %dma_wait3A_524] : memref<6x128x128xf32, #tpu.memory_space<vmem>> -> memref<1x128x128xf32, #tpu.memory_space<vmem>>
    %dma_wait3A_526 = tpu.memref_squeeze %dma_wait3A_525 : memref<1x128x128xf32, #tpu.memory_space<vmem>> -> memref<128x128xf32, #tpu.memory_space<vmem>>
    %dma_wait3A_527 = arith.constant 0 : i32
    %dma_wait3A_528 = tpu.memref_slice %arg5[%add3A_521, %dma_wait3A_527] : memref<98304x128xf32, #tpu.memory_space<hbm>> -> memref<128x128xf32, #tpu.memory_space<hbm>>
    %dma_wait3A_529 = arith.constant 0 : i32
    %dma_wait3A_530 = tpu.memref_slice %arg5[%add3A_521, %dma_wait3A_529] : memref<98304x128xf32, #tpu.memory_space<hbm>> -> memref<128x128xf32, #tpu.memory_space<hbm>>
    %dma_wait3A_531 = arith.constant 0 : i32
    %dma_wait3A_532 = arith.constant 0 : i32
    %dma_wait3A_533 = tpu.memref_slice %arg8[%dma_wait3A_522, %dma_wait3A_531, %dma_wait3A_532] : memref<6x128x128xf32, #tpu.memory_space<vmem>> -> memref<1x128x128xf32, #tpu.memory_space<vmem>>
    %dma_wait3A_534 = tpu.memref_squeeze %dma_wait3A_533 : memref<1x128x128xf32, #tpu.memory_space<vmem>> -> memref<128x128xf32, #tpu.memory_space<vmem>>
    tpu.wait_dma2 semaphore(%arg17 : memref<!tpu.dma_semaphore, #tpu.memory_space<semaphore_mem>>) src(%dma_wait3A_534 : memref<128x128xf32, #tpu.memory_space<vmem>>) dst(%dma_wait3A_530 : memref<128x128xf32, #tpu.memory_space<hbm>>)
    %dma_start3A_535 = arith.constant 2 : i32
    %dma_start3A_536 = arith.constant 0 : i32
    %dma_start3A_537 = arith.constant 0 : i32
    %dma_start3A_538 = tpu.memref_slice %arg8[%dma_start3A_535, %dma_start3A_536, %dma_start3A_537] : memref<6x128x128xf32, #tpu.memory_space<vmem>> -> memref<1x128x128xf32, #tpu.memory_space<vmem>>
    %dma_start3A_539 = tpu.memref_squeeze %dma_start3A_538 : memref<1x128x128xf32, #tpu.memory_space<vmem>> -> memref<128x128xf32, #tpu.memory_space<vmem>>
    %dma_start3A_540 = arith.constant 1920 : i32
    %dma_start3A_541 = tpu.memref_slice %arg6[%dma_start3A_540] : memref<3200xi32, #tpu.memory_space<vmem>> -> memref<128xi32, #tpu.memory_space<vmem>>
    %dma_start3A_542 = arith.constant 0 : i32
    %dma_start3A_543 = arith.constant 0 : i32
    %dma_start3A_544 = tpu.memref_slice %arg2[%dma_start3A_542, %dma_start3A_543] : memref<50000x128xf32, #tpu.memory_space<hbm>> -> memref<50000x128xf32, #tpu.memory_space<hbm>>
    tpu.enqueue_indirect_dma source(%dma_start3A_544 : memref<50000x128xf32, #tpu.memory_space<hbm>>) target(%dma_start3A_539 : memref<128x128xf32, #tpu.memory_space<vmem>>) offsets(%dma_start3A_541 : memref<128xi32, #tpu.memory_space<vmem>>) semaphore(%arg11 : memref<!tpu.dma_semaphore, #tpu.memory_space<semaphore_mem>>)
    %dma_wait3A_545 = arith.constant 4 : i32
    %dma_wait3A_546 = arith.constant 0 : i32
    %dma_wait3A_547 = arith.constant 0 : i32
    %dma_wait3A_548 = tpu.memref_slice %arg8[%dma_wait3A_545, %dma_wait3A_546, %dma_wait3A_547] : memref<6x128x128xf32, #tpu.memory_space<vmem>> -> memref<1x128x128xf32, #tpu.memory_space<vmem>>
    %dma_wait3A_549 = tpu.memref_squeeze %dma_wait3A_548 : memref<1x128x128xf32, #tpu.memory_space<vmem>> -> memref<128x128xf32, #tpu.memory_space<vmem>>
    %dma_wait3A_550 = arith.constant 1408 : i32
    %dma_wait3A_551 = tpu.memref_slice %arg6[%dma_wait3A_550] : memref<3200xi32, #tpu.memory_space<vmem>> -> memref<128xi32, #tpu.memory_space<vmem>>
    %dma_wait3A_552 = arith.constant 0 : i32
    %dma_wait3A_553 = arith.constant 0 : i32
    %dma_wait3A_554 = tpu.memref_slice %arg2[%dma_wait3A_552, %dma_wait3A_553] : memref<50000x128xf32, #tpu.memory_space<hbm>> -> memref<50000x128xf32, #tpu.memory_space<hbm>>
    tpu.wait_indirect_dma semaphore(%arg13 : memref<!tpu.dma_semaphore, #tpu.memory_space<semaphore_mem>>) src(%dma_wait3A_554 : memref<50000x128xf32, #tpu.memory_space<hbm>>) dst(%dma_wait3A_549 : memref<128x128xf32, #tpu.memory_space<vmem>>)
    %add3A_555 = arith.constant 1280 : i32
    %add3A_556 = arith.addi %mul3A_2, %add3A_555 : i32
    %dma_start3A_557 = arith.constant 4 : i32
    %dma_start3A_558 = arith.constant 0 : i32
    %dma_start3A_559 = arith.constant 0 : i32
    %dma_start3A_560 = tpu.memref_slice %arg8[%dma_start3A_557, %dma_start3A_558, %dma_start3A_559] : memref<6x128x128xf32, #tpu.memory_space<vmem>> -> memref<1x128x128xf32, #tpu.memory_space<vmem>>
    %dma_start3A_561 = tpu.memref_squeeze %dma_start3A_560 : memref<1x128x128xf32, #tpu.memory_space<vmem>> -> memref<128x128xf32, #tpu.memory_space<vmem>>
    %dma_start3A_562 = arith.constant 0 : i32
    %dma_start3A_563 = tpu.memref_slice %arg5[%add3A_556, %dma_start3A_562] : memref<98304x128xf32, #tpu.memory_space<hbm>> -> memref<128x128xf32, #tpu.memory_space<hbm>>
    %dma_start3A_564 = arith.constant 0 : i32
    %dma_start3A_565 = tpu.memref_slice %arg5[%add3A_556, %dma_start3A_564] : memref<98304x128xf32, #tpu.memory_space<hbm>> -> memref<128x128xf32, #tpu.memory_space<hbm>>
    %dma_start3A_566 = arith.constant 0 : i32
    %dma_start3A_567 = arith.constant 0 : i32
    %dma_start3A_568 = tpu.memref_slice %arg8[%dma_start3A_557, %dma_start3A_566, %dma_start3A_567] : memref<6x128x128xf32, #tpu.memory_space<vmem>> -> memref<1x128x128xf32, #tpu.memory_space<vmem>>
    %dma_start3A_569 = tpu.memref_squeeze %dma_start3A_568 : memref<1x128x128xf32, #tpu.memory_space<vmem>> -> memref<128x128xf32, #tpu.memory_space<vmem>>
    tpu.enqueue_dma source(%dma_start3A_569 : memref<128x128xf32, #tpu.memory_space<vmem>>) target(%dma_start3A_565 : memref<128x128xf32, #tpu.memory_space<hbm>>) target_semaphore(%arg19 : memref<!tpu.dma_semaphore, #tpu.memory_space<semaphore_mem>>)
    %add3A_570 = arith.constant 1152 : i32
    %add3A_571 = arith.addi %mul3A_2, %add3A_570 : i32
    %dma_wait3A_572 = arith.constant 3 : i32
    %dma_wait3A_573 = arith.constant 0 : i32
    %dma_wait3A_574 = arith.constant 0 : i32
    %dma_wait3A_575 = tpu.memref_slice %arg8[%dma_wait3A_572, %dma_wait3A_573, %dma_wait3A_574] : memref<6x128x128xf32, #tpu.memory_space<vmem>> -> memref<1x128x128xf32, #tpu.memory_space<vmem>>
    %dma_wait3A_576 = tpu.memref_squeeze %dma_wait3A_575 : memref<1x128x128xf32, #tpu.memory_space<vmem>> -> memref<128x128xf32, #tpu.memory_space<vmem>>
    %dma_wait3A_577 = arith.constant 0 : i32
    %dma_wait3A_578 = tpu.memref_slice %arg5[%add3A_571, %dma_wait3A_577] : memref<98304x128xf32, #tpu.memory_space<hbm>> -> memref<128x128xf32, #tpu.memory_space<hbm>>
    %dma_wait3A_579 = arith.constant 0 : i32
    %dma_wait3A_580 = tpu.memref_slice %arg5[%add3A_571, %dma_wait3A_579] : memref<98304x128xf32, #tpu.memory_space<hbm>> -> memref<128x128xf32, #tpu.memory_space<hbm>>
    %dma_wait3A_581 = arith.constant 0 : i32
    %dma_wait3A_582 = arith.constant 0 : i32
    %dma_wait3A_583 = tpu.memref_slice %arg8[%dma_wait3A_572, %dma_wait3A_581, %dma_wait3A_582] : memref<6x128x128xf32, #tpu.memory_space<vmem>> -> memref<1x128x128xf32, #tpu.memory_space<vmem>>
    %dma_wait3A_584 = tpu.memref_squeeze %dma_wait3A_583 : memref<1x128x128xf32, #tpu.memory_space<vmem>> -> memref<128x128xf32, #tpu.memory_space<vmem>>
    tpu.wait_dma2 semaphore(%arg18 : memref<!tpu.dma_semaphore, #tpu.memory_space<semaphore_mem>>) src(%dma_wait3A_584 : memref<128x128xf32, #tpu.memory_space<vmem>>) dst(%dma_wait3A_580 : memref<128x128xf32, #tpu.memory_space<hbm>>)
    %dma_start3A_585 = arith.constant 3 : i32
    %dma_start3A_586 = arith.constant 0 : i32
    %dma_start3A_587 = arith.constant 0 : i32
    %dma_start3A_588 = tpu.memref_slice %arg8[%dma_start3A_585, %dma_start3A_586, %dma_start3A_587] : memref<6x128x128xf32, #tpu.memory_space<vmem>> -> memref<1x128x128xf32, #tpu.memory_space<vmem>>
    %dma_start3A_589 = tpu.memref_squeeze %dma_start3A_588 : memref<1x128x128xf32, #tpu.memory_space<vmem>> -> memref<128x128xf32, #tpu.memory_space<vmem>>
    %dma_start3A_590 = arith.constant 2048 : i32
    %dma_start3A_591 = tpu.memref_slice %arg6[%dma_start3A_590] : memref<3200xi32, #tpu.memory_space<vmem>> -> memref<128xi32, #tpu.memory_space<vmem>>
    %dma_start3A_592 = arith.constant 0 : i32
    %dma_start3A_593 = arith.constant 0 : i32
    %dma_start3A_594 = tpu.memref_slice %arg2[%dma_start3A_592, %dma_start3A_593] : memref<50000x128xf32, #tpu.memory_space<hbm>> -> memref<50000x128xf32, #tpu.memory_space<hbm>>
    tpu.enqueue_indirect_dma source(%dma_start3A_594 : memref<50000x128xf32, #tpu.memory_space<hbm>>) target(%dma_start3A_589 : memref<128x128xf32, #tpu.memory_space<vmem>>) offsets(%dma_start3A_591 : memref<128xi32, #tpu.memory_space<vmem>>) semaphore(%arg12 : memref<!tpu.dma_semaphore, #tpu.memory_space<semaphore_mem>>)
    %dma_wait3A_595 = arith.constant 5 : i32
    %dma_wait3A_596 = arith.constant 0 : i32
    %dma_wait3A_597 = arith.constant 0 : i32
    %dma_wait3A_598 = tpu.memref_slice %arg8[%dma_wait3A_595, %dma_wait3A_596, %dma_wait3A_597] : memref<6x128x128xf32, #tpu.memory_space<vmem>> -> memref<1x128x128xf32, #tpu.memory_space<vmem>>
    %dma_wait3A_599 = tpu.memref_squeeze %dma_wait3A_598 : memref<1x128x128xf32, #tpu.memory_space<vmem>> -> memref<128x128xf32, #tpu.memory_space<vmem>>
    %dma_wait3A_600 = arith.constant 1536 : i32
    %dma_wait3A_601 = tpu.memref_slice %arg6[%dma_wait3A_600] : memref<3200xi32, #tpu.memory_space<vmem>> -> memref<128xi32, #tpu.memory_space<vmem>>
    %dma_wait3A_602 = arith.constant 0 : i32
    %dma_wait3A_603 = arith.constant 0 : i32
    %dma_wait3A_604 = tpu.memref_slice %arg2[%dma_wait3A_602, %dma_wait3A_603] : memref<50000x128xf32, #tpu.memory_space<hbm>> -> memref<50000x128xf32, #tpu.memory_space<hbm>>
    tpu.wait_indirect_dma semaphore(%arg14 : memref<!tpu.dma_semaphore, #tpu.memory_space<semaphore_mem>>) src(%dma_wait3A_604 : memref<50000x128xf32, #tpu.memory_space<hbm>>) dst(%dma_wait3A_599 : memref<128x128xf32, #tpu.memory_space<vmem>>)
    %add3A_605 = arith.constant 1408 : i32
    %add3A_606 = arith.addi %mul3A_2, %add3A_605 : i32
    %dma_start3A_607 = arith.constant 5 : i32
    %dma_start3A_608 = arith.constant 0 : i32
    %dma_start3A_609 = arith.constant 0 : i32
    %dma_start3A_610 = tpu.memref_slice %arg8[%dma_start3A_607, %dma_start3A_608, %dma_start3A_609] : memref<6x128x128xf32, #tpu.memory_space<vmem>> -> memref<1x128x128xf32, #tpu.memory_space<vmem>>
    %dma_start3A_611 = tpu.memref_squeeze %dma_start3A_610 : memref<1x128x128xf32, #tpu.memory_space<vmem>> -> memref<128x128xf32, #tpu.memory_space<vmem>>
    %dma_start3A_612 = arith.constant 0 : i32
    %dma_start3A_613 = tpu.memref_slice %arg5[%add3A_606, %dma_start3A_612] : memref<98304x128xf32, #tpu.memory_space<hbm>> -> memref<128x128xf32, #tpu.memory_space<hbm>>
    %dma_start3A_614 = arith.constant 0 : i32
    %dma_start3A_615 = tpu.memref_slice %arg5[%add3A_606, %dma_start3A_614] : memref<98304x128xf32, #tpu.memory_space<hbm>> -> memref<128x128xf32, #tpu.memory_space<hbm>>
    %dma_start3A_616 = arith.constant 0 : i32
    %dma_start3A_617 = arith.constant 0 : i32
    %dma_start3A_618 = tpu.memref_slice %arg8[%dma_start3A_607, %dma_start3A_616, %dma_start3A_617] : memref<6x128x128xf32, #tpu.memory_space<vmem>> -> memref<1x128x128xf32, #tpu.memory_space<vmem>>
    %dma_start3A_619 = tpu.memref_squeeze %dma_start3A_618 : memref<1x128x128xf32, #tpu.memory_space<vmem>> -> memref<128x128xf32, #tpu.memory_space<vmem>>
    tpu.enqueue_dma source(%dma_start3A_619 : memref<128x128xf32, #tpu.memory_space<vmem>>) target(%dma_start3A_615 : memref<128x128xf32, #tpu.memory_space<hbm>>) target_semaphore(%arg20 : memref<!tpu.dma_semaphore, #tpu.memory_space<semaphore_mem>>)
    %add3A_620 = arith.constant 1280 : i32
    %add3A_621 = arith.addi %mul3A_2, %add3A_620 : i32
    %dma_wait3A_622 = arith.constant 4 : i32
    %dma_wait3A_623 = arith.constant 0 : i32
    %dma_wait3A_624 = arith.constant 0 : i32
    %dma_wait3A_625 = tpu.memref_slice %arg8[%dma_wait3A_622, %dma_wait3A_623, %dma_wait3A_624] : memref<6x128x128xf32, #tpu.memory_space<vmem>> -> memref<1x128x128xf32, #tpu.memory_space<vmem>>
    %dma_wait3A_626 = tpu.memref_squeeze %dma_wait3A_625 : memref<1x128x128xf32, #tpu.memory_space<vmem>> -> memref<128x128xf32, #tpu.memory_space<vmem>>
    %dma_wait3A_627 = arith.constant 0 : i32
    %dma_wait3A_628 = tpu.memref_slice %arg5[%add3A_621, %dma_wait3A_627] : memref<98304x128xf32, #tpu.memory_space<hbm>> -> memref<128x128xf32, #tpu.memory_space<hbm>>
    %dma_wait3A_629 = arith.constant 0 : i32
    %dma_wait3A_630 = tpu.memref_slice %arg5[%add3A_621, %dma_wait3A_629] : memref<98304x128xf32, #tpu.memory_space<hbm>> -> memref<128x128xf32, #tpu.memory_space<hbm>>
    %dma_wait3A_631 = arith.constant 0 : i32
    %dma_wait3A_632 = arith.constant 0 : i32
    %dma_wait3A_633 = tpu.memref_slice %arg8[%dma_wait3A_622, %dma_wait3A_631, %dma_wait3A_632] : memref<6x128x128xf32, #tpu.memory_space<vmem>> -> memref<1x128x128xf32, #tpu.memory_space<vmem>>
    %dma_wait3A_634 = tpu.memref_squeeze %dma_wait3A_633 : memref<1x128x128xf32, #tpu.memory_space<vmem>> -> memref<128x128xf32, #tpu.memory_space<vmem>>
    tpu.wait_dma2 semaphore(%arg19 : memref<!tpu.dma_semaphore, #tpu.memory_space<semaphore_mem>>) src(%dma_wait3A_634 : memref<128x128xf32, #tpu.memory_space<vmem>>) dst(%dma_wait3A_630 : memref<128x128xf32, #tpu.memory_space<hbm>>)
    %dma_start3A_635 = arith.constant 4 : i32
    %dma_start3A_636 = arith.constant 0 : i32
    %dma_start3A_637 = arith.constant 0 : i32
    %dma_start3A_638 = tpu.memref_slice %arg8[%dma_start3A_635, %dma_start3A_636, %dma_start3A_637] : memref<6x128x128xf32, #tpu.memory_space<vmem>> -> memref<1x128x128xf32, #tpu.memory_space<vmem>>
    %dma_start3A_639 = tpu.memref_squeeze %dma_start3A_638 : memref<1x128x128xf32, #tpu.memory_space<vmem>> -> memref<128x128xf32, #tpu.memory_space<vmem>>
    %dma_start3A_640 = arith.constant 2176 : i32
    %dma_start3A_641 = tpu.memref_slice %arg6[%dma_start3A_640] : memref<3200xi32, #tpu.memory_space<vmem>> -> memref<128xi32, #tpu.memory_space<vmem>>
    %dma_start3A_642 = arith.constant 0 : i32
    %dma_start3A_643 = arith.constant 0 : i32
    %dma_start3A_644 = tpu.memref_slice %arg2[%dma_start3A_642, %dma_start3A_643] : memref<50000x128xf32, #tpu.memory_space<hbm>> -> memref<50000x128xf32, #tpu.memory_space<hbm>>
    tpu.enqueue_indirect_dma source(%dma_start3A_644 : memref<50000x128xf32, #tpu.memory_space<hbm>>) target(%dma_start3A_639 : memref<128x128xf32, #tpu.memory_space<vmem>>) offsets(%dma_start3A_641 : memref<128xi32, #tpu.memory_space<vmem>>) semaphore(%arg13 : memref<!tpu.dma_semaphore, #tpu.memory_space<semaphore_mem>>)
    %dma_wait3A_645 = arith.constant 0 : i32
    %dma_wait3A_646 = arith.constant 0 : i32
    %dma_wait3A_647 = arith.constant 0 : i32
    %dma_wait3A_648 = tpu.memref_slice %arg8[%dma_wait3A_645, %dma_wait3A_646, %dma_wait3A_647] : memref<6x128x128xf32, #tpu.memory_space<vmem>> -> memref<1x128x128xf32, #tpu.memory_space<vmem>>
    %dma_wait3A_649 = tpu.memref_squeeze %dma_wait3A_648 : memref<1x128x128xf32, #tpu.memory_space<vmem>> -> memref<128x128xf32, #tpu.memory_space<vmem>>
    %dma_wait3A_650 = arith.constant 1664 : i32
    %dma_wait3A_651 = tpu.memref_slice %arg6[%dma_wait3A_650] : memref<3200xi32, #tpu.memory_space<vmem>> -> memref<128xi32, #tpu.memory_space<vmem>>
    %dma_wait3A_652 = arith.constant 0 : i32
    %dma_wait3A_653 = arith.constant 0 : i32
    %dma_wait3A_654 = tpu.memref_slice %arg2[%dma_wait3A_652, %dma_wait3A_653] : memref<50000x128xf32, #tpu.memory_space<hbm>> -> memref<50000x128xf32, #tpu.memory_space<hbm>>
    tpu.wait_indirect_dma semaphore(%arg9 : memref<!tpu.dma_semaphore, #tpu.memory_space<semaphore_mem>>) src(%dma_wait3A_654 : memref<50000x128xf32, #tpu.memory_space<hbm>>) dst(%dma_wait3A_649 : memref<128x128xf32, #tpu.memory_space<vmem>>)
    %add3A_655 = arith.constant 1536 : i32
    %add3A_656 = arith.addi %mul3A_2, %add3A_655 : i32
    %dma_start3A_657 = arith.constant 0 : i32
    %dma_start3A_658 = arith.constant 0 : i32
    %dma_start3A_659 = arith.constant 0 : i32
    %dma_start3A_660 = tpu.memref_slice %arg8[%dma_start3A_657, %dma_start3A_658, %dma_start3A_659] : memref<6x128x128xf32, #tpu.memory_space<vmem>> -> memref<1x128x128xf32, #tpu.memory_space<vmem>>
    %dma_start3A_661 = tpu.memref_squeeze %dma_start3A_660 : memref<1x128x128xf32, #tpu.memory_space<vmem>> -> memref<128x128xf32, #tpu.memory_space<vmem>>
    %dma_start3A_662 = arith.constant 0 : i32
    %dma_start3A_663 = tpu.memref_slice %arg5[%add3A_656, %dma_start3A_662] : memref<98304x128xf32, #tpu.memory_space<hbm>> -> memref<128x128xf32, #tpu.memory_space<hbm>>
    %dma_start3A_664 = arith.constant 0 : i32
    %dma_start3A_665 = tpu.memref_slice %arg5[%add3A_656, %dma_start3A_664] : memref<98304x128xf32, #tpu.memory_space<hbm>> -> memref<128x128xf32, #tpu.memory_space<hbm>>
    %dma_start3A_666 = arith.constant 0 : i32
    %dma_start3A_667 = arith.constant 0 : i32
    %dma_start3A_668 = tpu.memref_slice %arg8[%dma_start3A_657, %dma_start3A_666, %dma_start3A_667] : memref<6x128x128xf32, #tpu.memory_space<vmem>> -> memref<1x128x128xf32, #tpu.memory_space<vmem>>
    %dma_start3A_669 = tpu.memref_squeeze %dma_start3A_668 : memref<1x128x128xf32, #tpu.memory_space<vmem>> -> memref<128x128xf32, #tpu.memory_space<vmem>>
    tpu.enqueue_dma source(%dma_start3A_669 : memref<128x128xf32, #tpu.memory_space<vmem>>) target(%dma_start3A_665 : memref<128x128xf32, #tpu.memory_space<hbm>>) target_semaphore(%arg15 : memref<!tpu.dma_semaphore, #tpu.memory_space<semaphore_mem>>)
    %add3A_670 = arith.constant 1408 : i32
    %add3A_671 = arith.addi %mul3A_2, %add3A_670 : i32
    %dma_wait3A_672 = arith.constant 5 : i32
    %dma_wait3A_673 = arith.constant 0 : i32
    %dma_wait3A_674 = arith.constant 0 : i32
    %dma_wait3A_675 = tpu.memref_slice %arg8[%dma_wait3A_672, %dma_wait3A_673, %dma_wait3A_674] : memref<6x128x128xf32, #tpu.memory_space<vmem>> -> memref<1x128x128xf32, #tpu.memory_space<vmem>>
    %dma_wait3A_676 = tpu.memref_squeeze %dma_wait3A_675 : memref<1x128x128xf32, #tpu.memory_space<vmem>> -> memref<128x128xf32, #tpu.memory_space<vmem>>
    %dma_wait3A_677 = arith.constant 0 : i32
    %dma_wait3A_678 = tpu.memref_slice %arg5[%add3A_671, %dma_wait3A_677] : memref<98304x128xf32, #tpu.memory_space<hbm>> -> memref<128x128xf32, #tpu.memory_space<hbm>>
    %dma_wait3A_679 = arith.constant 0 : i32
    %dma_wait3A_680 = tpu.memref_slice %arg5[%add3A_671, %dma_wait3A_679] : memref<98304x128xf32, #tpu.memory_space<hbm>> -> memref<128x128xf32, #tpu.memory_space<hbm>>
    %dma_wait3A_681 = arith.constant 0 : i32
    %dma_wait3A_682 = arith.constant 0 : i32
    %dma_wait3A_683 = tpu.memref_slice %arg8[%dma_wait3A_672, %dma_wait3A_681, %dma_wait3A_682] : memref<6x128x128xf32, #tpu.memory_space<vmem>> -> memref<1x128x128xf32, #tpu.memory_space<vmem>>
    %dma_wait3A_684 = tpu.memref_squeeze %dma_wait3A_683 : memref<1x128x128xf32, #tpu.memory_space<vmem>> -> memref<128x128xf32, #tpu.memory_space<vmem>>
    tpu.wait_dma2 semaphore(%arg20 : memref<!tpu.dma_semaphore, #tpu.memory_space<semaphore_mem>>) src(%dma_wait3A_684 : memref<128x128xf32, #tpu.memory_space<vmem>>) dst(%dma_wait3A_680 : memref<128x128xf32, #tpu.memory_space<hbm>>)
    %dma_start3A_685 = arith.constant 5 : i32
    %dma_start3A_686 = arith.constant 0 : i32
    %dma_start3A_687 = arith.constant 0 : i32
    %dma_start3A_688 = tpu.memref_slice %arg8[%dma_start3A_685, %dma_start3A_686, %dma_start3A_687] : memref<6x128x128xf32, #tpu.memory_space<vmem>> -> memref<1x128x128xf32, #tpu.memory_space<vmem>>
    %dma_start3A_689 = tpu.memref_squeeze %dma_start3A_688 : memref<1x128x128xf32, #tpu.memory_space<vmem>> -> memref<128x128xf32, #tpu.memory_space<vmem>>
    %dma_start3A_690 = arith.constant 2304 : i32
    %dma_start3A_691 = tpu.memref_slice %arg6[%dma_start3A_690] : memref<3200xi32, #tpu.memory_space<vmem>> -> memref<128xi32, #tpu.memory_space<vmem>>
    %dma_start3A_692 = arith.constant 0 : i32
    %dma_start3A_693 = arith.constant 0 : i32
    %dma_start3A_694 = tpu.memref_slice %arg2[%dma_start3A_692, %dma_start3A_693] : memref<50000x128xf32, #tpu.memory_space<hbm>> -> memref<50000x128xf32, #tpu.memory_space<hbm>>
    tpu.enqueue_indirect_dma source(%dma_start3A_694 : memref<50000x128xf32, #tpu.memory_space<hbm>>) target(%dma_start3A_689 : memref<128x128xf32, #tpu.memory_space<vmem>>) offsets(%dma_start3A_691 : memref<128xi32, #tpu.memory_space<vmem>>) semaphore(%arg14 : memref<!tpu.dma_semaphore, #tpu.memory_space<semaphore_mem>>)
    %dma_wait3A_695 = arith.constant 1 : i32
    %dma_wait3A_696 = arith.constant 0 : i32
    %dma_wait3A_697 = arith.constant 0 : i32
    %dma_wait3A_698 = tpu.memref_slice %arg8[%dma_wait3A_695, %dma_wait3A_696, %dma_wait3A_697] : memref<6x128x128xf32, #tpu.memory_space<vmem>> -> memref<1x128x128xf32, #tpu.memory_space<vmem>>
    %dma_wait3A_699 = tpu.memref_squeeze %dma_wait3A_698 : memref<1x128x128xf32, #tpu.memory_space<vmem>> -> memref<128x128xf32, #tpu.memory_space<vmem>>
    %dma_wait3A_700 = arith.constant 1792 : i32
    %dma_wait3A_701 = tpu.memref_slice %arg6[%dma_wait3A_700] : memref<3200xi32, #tpu.memory_space<vmem>> -> memref<128xi32, #tpu.memory_space<vmem>>
    %dma_wait3A_702 = arith.constant 0 : i32
    %dma_wait3A_703 = arith.constant 0 : i32
    %dma_wait3A_704 = tpu.memref_slice %arg2[%dma_wait3A_702, %dma_wait3A_703] : memref<50000x128xf32, #tpu.memory_space<hbm>> -> memref<50000x128xf32, #tpu.memory_space<hbm>>
    tpu.wait_indirect_dma semaphore(%arg10 : memref<!tpu.dma_semaphore, #tpu.memory_space<semaphore_mem>>) src(%dma_wait3A_704 : memref<50000x128xf32, #tpu.memory_space<hbm>>) dst(%dma_wait3A_699 : memref<128x128xf32, #tpu.memory_space<vmem>>)
    %add3A_705 = arith.constant 1664 : i32
    %add3A_706 = arith.addi %mul3A_2, %add3A_705 : i32
    %dma_start3A_707 = arith.constant 1 : i32
    %dma_start3A_708 = arith.constant 0 : i32
    %dma_start3A_709 = arith.constant 0 : i32
    %dma_start3A_710 = tpu.memref_slice %arg8[%dma_start3A_707, %dma_start3A_708, %dma_start3A_709] : memref<6x128x128xf32, #tpu.memory_space<vmem>> -> memref<1x128x128xf32, #tpu.memory_space<vmem>>
    %dma_start3A_711 = tpu.memref_squeeze %dma_start3A_710 : memref<1x128x128xf32, #tpu.memory_space<vmem>> -> memref<128x128xf32, #tpu.memory_space<vmem>>
    %dma_start3A_712 = arith.constant 0 : i32
    %dma_start3A_713 = tpu.memref_slice %arg5[%add3A_706, %dma_start3A_712] : memref<98304x128xf32, #tpu.memory_space<hbm>> -> memref<128x128xf32, #tpu.memory_space<hbm>>
    %dma_start3A_714 = arith.constant 0 : i32
    %dma_start3A_715 = tpu.memref_slice %arg5[%add3A_706, %dma_start3A_714] : memref<98304x128xf32, #tpu.memory_space<hbm>> -> memref<128x128xf32, #tpu.memory_space<hbm>>
    %dma_start3A_716 = arith.constant 0 : i32
    %dma_start3A_717 = arith.constant 0 : i32
    %dma_start3A_718 = tpu.memref_slice %arg8[%dma_start3A_707, %dma_start3A_716, %dma_start3A_717] : memref<6x128x128xf32, #tpu.memory_space<vmem>> -> memref<1x128x128xf32, #tpu.memory_space<vmem>>
    %dma_start3A_719 = tpu.memref_squeeze %dma_start3A_718 : memref<1x128x128xf32, #tpu.memory_space<vmem>> -> memref<128x128xf32, #tpu.memory_space<vmem>>
    tpu.enqueue_dma source(%dma_start3A_719 : memref<128x128xf32, #tpu.memory_space<vmem>>) target(%dma_start3A_715 : memref<128x128xf32, #tpu.memory_space<hbm>>) target_semaphore(%arg16 : memref<!tpu.dma_semaphore, #tpu.memory_space<semaphore_mem>>)
    %add3A_720 = arith.constant 1536 : i32
    %add3A_721 = arith.addi %mul3A_2, %add3A_720 : i32
    %dma_wait3A_722 = arith.constant 0 : i32
    %dma_wait3A_723 = arith.constant 0 : i32
    %dma_wait3A_724 = arith.constant 0 : i32
    %dma_wait3A_725 = tpu.memref_slice %arg8[%dma_wait3A_722, %dma_wait3A_723, %dma_wait3A_724] : memref<6x128x128xf32, #tpu.memory_space<vmem>> -> memref<1x128x128xf32, #tpu.memory_space<vmem>>
    %dma_wait3A_726 = tpu.memref_squeeze %dma_wait3A_725 : memref<1x128x128xf32, #tpu.memory_space<vmem>> -> memref<128x128xf32, #tpu.memory_space<vmem>>
    %dma_wait3A_727 = arith.constant 0 : i32
    %dma_wait3A_728 = tpu.memref_slice %arg5[%add3A_721, %dma_wait3A_727] : memref<98304x128xf32, #tpu.memory_space<hbm>> -> memref<128x128xf32, #tpu.memory_space<hbm>>
    %dma_wait3A_729 = arith.constant 0 : i32
    %dma_wait3A_730 = tpu.memref_slice %arg5[%add3A_721, %dma_wait3A_729] : memref<98304x128xf32, #tpu.memory_space<hbm>> -> memref<128x128xf32, #tpu.memory_space<hbm>>
    %dma_wait3A_731 = arith.constant 0 : i32
    %dma_wait3A_732 = arith.constant 0 : i32
    %dma_wait3A_733 = tpu.memref_slice %arg8[%dma_wait3A_722, %dma_wait3A_731, %dma_wait3A_732] : memref<6x128x128xf32, #tpu.memory_space<vmem>> -> memref<1x128x128xf32, #tpu.memory_space<vmem>>
    %dma_wait3A_734 = tpu.memref_squeeze %dma_wait3A_733 : memref<1x128x128xf32, #tpu.memory_space<vmem>> -> memref<128x128xf32, #tpu.memory_space<vmem>>
    tpu.wait_dma2 semaphore(%arg15 : memref<!tpu.dma_semaphore, #tpu.memory_space<semaphore_mem>>) src(%dma_wait3A_734 : memref<128x128xf32, #tpu.memory_space<vmem>>) dst(%dma_wait3A_730 : memref<128x128xf32, #tpu.memory_space<hbm>>)
    %dma_start3A_735 = arith.constant 0 : i32
    %dma_start3A_736 = arith.constant 0 : i32
    %dma_start3A_737 = arith.constant 0 : i32
    %dma_start3A_738 = tpu.memref_slice %arg8[%dma_start3A_735, %dma_start3A_736, %dma_start3A_737] : memref<6x128x128xf32, #tpu.memory_space<vmem>> -> memref<1x128x128xf32, #tpu.memory_space<vmem>>
    %dma_start3A_739 = tpu.memref_squeeze %dma_start3A_738 : memref<1x128x128xf32, #tpu.memory_space<vmem>> -> memref<128x128xf32, #tpu.memory_space<vmem>>
    %dma_start3A_740 = arith.constant 2432 : i32
    %dma_start3A_741 = tpu.memref_slice %arg6[%dma_start3A_740] : memref<3200xi32, #tpu.memory_space<vmem>> -> memref<128xi32, #tpu.memory_space<vmem>>
    %dma_start3A_742 = arith.constant 0 : i32
    %dma_start3A_743 = arith.constant 0 : i32
    %dma_start3A_744 = tpu.memref_slice %arg2[%dma_start3A_742, %dma_start3A_743] : memref<50000x128xf32, #tpu.memory_space<hbm>> -> memref<50000x128xf32, #tpu.memory_space<hbm>>
    tpu.enqueue_indirect_dma source(%dma_start3A_744 : memref<50000x128xf32, #tpu.memory_space<hbm>>) target(%dma_start3A_739 : memref<128x128xf32, #tpu.memory_space<vmem>>) offsets(%dma_start3A_741 : memref<128xi32, #tpu.memory_space<vmem>>) semaphore(%arg9 : memref<!tpu.dma_semaphore, #tpu.memory_space<semaphore_mem>>)
    %dma_wait3A_745 = arith.constant 2 : i32
    %dma_wait3A_746 = arith.constant 0 : i32
    %dma_wait3A_747 = arith.constant 0 : i32
    %dma_wait3A_748 = tpu.memref_slice %arg8[%dma_wait3A_745, %dma_wait3A_746, %dma_wait3A_747] : memref<6x128x128xf32, #tpu.memory_space<vmem>> -> memref<1x128x128xf32, #tpu.memory_space<vmem>>
    %dma_wait3A_749 = tpu.memref_squeeze %dma_wait3A_748 : memref<1x128x128xf32, #tpu.memory_space<vmem>> -> memref<128x128xf32, #tpu.memory_space<vmem>>
    %dma_wait3A_750 = arith.constant 1920 : i32
    %dma_wait3A_751 = tpu.memref_slice %arg6[%dma_wait3A_750] : memref<3200xi32, #tpu.memory_space<vmem>> -> memref<128xi32, #tpu.memory_space<vmem>>
    %dma_wait3A_752 = arith.constant 0 : i32
    %dma_wait3A_753 = arith.constant 0 : i32
    %dma_wait3A_754 = tpu.memref_slice %arg2[%dma_wait3A_752, %dma_wait3A_753] : memref<50000x128xf32, #tpu.memory_space<hbm>> -> memref<50000x128xf32, #tpu.memory_space<hbm>>
    tpu.wait_indirect_dma semaphore(%arg11 : memref<!tpu.dma_semaphore, #tpu.memory_space<semaphore_mem>>) src(%dma_wait3A_754 : memref<50000x128xf32, #tpu.memory_space<hbm>>) dst(%dma_wait3A_749 : memref<128x128xf32, #tpu.memory_space<vmem>>)
    %add3A_755 = arith.constant 1792 : i32
    %add3A_756 = arith.addi %mul3A_2, %add3A_755 : i32
    %dma_start3A_757 = arith.constant 2 : i32
    %dma_start3A_758 = arith.constant 0 : i32
    %dma_start3A_759 = arith.constant 0 : i32
    %dma_start3A_760 = tpu.memref_slice %arg8[%dma_start3A_757, %dma_start3A_758, %dma_start3A_759] : memref<6x128x128xf32, #tpu.memory_space<vmem>> -> memref<1x128x128xf32, #tpu.memory_space<vmem>>
    %dma_start3A_761 = tpu.memref_squeeze %dma_start3A_760 : memref<1x128x128xf32, #tpu.memory_space<vmem>> -> memref<128x128xf32, #tpu.memory_space<vmem>>
    %dma_start3A_762 = arith.constant 0 : i32
    %dma_start3A_763 = tpu.memref_slice %arg5[%add3A_756, %dma_start3A_762] : memref<98304x128xf32, #tpu.memory_space<hbm>> -> memref<128x128xf32, #tpu.memory_space<hbm>>
    %dma_start3A_764 = arith.constant 0 : i32
    %dma_start3A_765 = tpu.memref_slice %arg5[%add3A_756, %dma_start3A_764] : memref<98304x128xf32, #tpu.memory_space<hbm>> -> memref<128x128xf32, #tpu.memory_space<hbm>>
    %dma_start3A_766 = arith.constant 0 : i32
    %dma_start3A_767 = arith.constant 0 : i32
    %dma_start3A_768 = tpu.memref_slice %arg8[%dma_start3A_757, %dma_start3A_766, %dma_start3A_767] : memref<6x128x128xf32, #tpu.memory_space<vmem>> -> memref<1x128x128xf32, #tpu.memory_space<vmem>>
    %dma_start3A_769 = tpu.memref_squeeze %dma_start3A_768 : memref<1x128x128xf32, #tpu.memory_space<vmem>> -> memref<128x128xf32, #tpu.memory_space<vmem>>
    tpu.enqueue_dma source(%dma_start3A_769 : memref<128x128xf32, #tpu.memory_space<vmem>>) target(%dma_start3A_765 : memref<128x128xf32, #tpu.memory_space<hbm>>) target_semaphore(%arg17 : memref<!tpu.dma_semaphore, #tpu.memory_space<semaphore_mem>>)
    %add3A_770 = arith.constant 1664 : i32
    %add3A_771 = arith.addi %mul3A_2, %add3A_770 : i32
    %dma_wait3A_772 = arith.constant 1 : i32
    %dma_wait3A_773 = arith.constant 0 : i32
    %dma_wait3A_774 = arith.constant 0 : i32
    %dma_wait3A_775 = tpu.memref_slice %arg8[%dma_wait3A_772, %dma_wait3A_773, %dma_wait3A_774] : memref<6x128x128xf32, #tpu.memory_space<vmem>> -> memref<1x128x128xf32, #tpu.memory_space<vmem>>
    %dma_wait3A_776 = tpu.memref_squeeze %dma_wait3A_775 : memref<1x128x128xf32, #tpu.memory_space<vmem>> -> memref<128x128xf32, #tpu.memory_space<vmem>>
    %dma_wait3A_777 = arith.constant 0 : i32
    %dma_wait3A_778 = tpu.memref_slice %arg5[%add3A_771, %dma_wait3A_777] : memref<98304x128xf32, #tpu.memory_space<hbm>> -> memref<128x128xf32, #tpu.memory_space<hbm>>
    %dma_wait3A_779 = arith.constant 0 : i32
    %dma_wait3A_780 = tpu.memref_slice %arg5[%add3A_771, %dma_wait3A_779] : memref<98304x128xf32, #tpu.memory_space<hbm>> -> memref<128x128xf32, #tpu.memory_space<hbm>>
    %dma_wait3A_781 = arith.constant 0 : i32
    %dma_wait3A_782 = arith.constant 0 : i32
    %dma_wait3A_783 = tpu.memref_slice %arg8[%dma_wait3A_772, %dma_wait3A_781, %dma_wait3A_782] : memref<6x128x128xf32, #tpu.memory_space<vmem>> -> memref<1x128x128xf32, #tpu.memory_space<vmem>>
    %dma_wait3A_784 = tpu.memref_squeeze %dma_wait3A_783 : memref<1x128x128xf32, #tpu.memory_space<vmem>> -> memref<128x128xf32, #tpu.memory_space<vmem>>
    tpu.wait_dma2 semaphore(%arg16 : memref<!tpu.dma_semaphore, #tpu.memory_space<semaphore_mem>>) src(%dma_wait3A_784 : memref<128x128xf32, #tpu.memory_space<vmem>>) dst(%dma_wait3A_780 : memref<128x128xf32, #tpu.memory_space<hbm>>)
    %dma_start3A_785 = arith.constant 1 : i32
    %dma_start3A_786 = arith.constant 0 : i32
    %dma_start3A_787 = arith.constant 0 : i32
    %dma_start3A_788 = tpu.memref_slice %arg8[%dma_start3A_785, %dma_start3A_786, %dma_start3A_787] : memref<6x128x128xf32, #tpu.memory_space<vmem>> -> memref<1x128x128xf32, #tpu.memory_space<vmem>>
    %dma_start3A_789 = tpu.memref_squeeze %dma_start3A_788 : memref<1x128x128xf32, #tpu.memory_space<vmem>> -> memref<128x128xf32, #tpu.memory_space<vmem>>
    %dma_start3A_790 = arith.constant 2560 : i32
    %dma_start3A_791 = tpu.memref_slice %arg6[%dma_start3A_790] : memref<3200xi32, #tpu.memory_space<vmem>> -> memref<128xi32, #tpu.memory_space<vmem>>
    %dma_start3A_792 = arith.constant 0 : i32
    %dma_start3A_793 = arith.constant 0 : i32
    %dma_start3A_794 = tpu.memref_slice %arg2[%dma_start3A_792, %dma_start3A_793] : memref<50000x128xf32, #tpu.memory_space<hbm>> -> memref<50000x128xf32, #tpu.memory_space<hbm>>
    tpu.enqueue_indirect_dma source(%dma_start3A_794 : memref<50000x128xf32, #tpu.memory_space<hbm>>) target(%dma_start3A_789 : memref<128x128xf32, #tpu.memory_space<vmem>>) offsets(%dma_start3A_791 : memref<128xi32, #tpu.memory_space<vmem>>) semaphore(%arg10 : memref<!tpu.dma_semaphore, #tpu.memory_space<semaphore_mem>>)
    %dma_wait3A_795 = arith.constant 3 : i32
    %dma_wait3A_796 = arith.constant 0 : i32
    %dma_wait3A_797 = arith.constant 0 : i32
    %dma_wait3A_798 = tpu.memref_slice %arg8[%dma_wait3A_795, %dma_wait3A_796, %dma_wait3A_797] : memref<6x128x128xf32, #tpu.memory_space<vmem>> -> memref<1x128x128xf32, #tpu.memory_space<vmem>>
    %dma_wait3A_799 = tpu.memref_squeeze %dma_wait3A_798 : memref<1x128x128xf32, #tpu.memory_space<vmem>> -> memref<128x128xf32, #tpu.memory_space<vmem>>
    %dma_wait3A_800 = arith.constant 2048 : i32
    %dma_wait3A_801 = tpu.memref_slice %arg6[%dma_wait3A_800] : memref<3200xi32, #tpu.memory_space<vmem>> -> memref<128xi32, #tpu.memory_space<vmem>>
    %dma_wait3A_802 = arith.constant 0 : i32
    %dma_wait3A_803 = arith.constant 0 : i32
    %dma_wait3A_804 = tpu.memref_slice %arg2[%dma_wait3A_802, %dma_wait3A_803] : memref<50000x128xf32, #tpu.memory_space<hbm>> -> memref<50000x128xf32, #tpu.memory_space<hbm>>
    tpu.wait_indirect_dma semaphore(%arg12 : memref<!tpu.dma_semaphore, #tpu.memory_space<semaphore_mem>>) src(%dma_wait3A_804 : memref<50000x128xf32, #tpu.memory_space<hbm>>) dst(%dma_wait3A_799 : memref<128x128xf32, #tpu.memory_space<vmem>>)
    %add3A_805 = arith.constant 1920 : i32
    %add3A_806 = arith.addi %mul3A_2, %add3A_805 : i32
    %dma_start3A_807 = arith.constant 3 : i32
    %dma_start3A_808 = arith.constant 0 : i32
    %dma_start3A_809 = arith.constant 0 : i32
    %dma_start3A_810 = tpu.memref_slice %arg8[%dma_start3A_807, %dma_start3A_808, %dma_start3A_809] : memref<6x128x128xf32, #tpu.memory_space<vmem>> -> memref<1x128x128xf32, #tpu.memory_space<vmem>>
    %dma_start3A_811 = tpu.memref_squeeze %dma_start3A_810 : memref<1x128x128xf32, #tpu.memory_space<vmem>> -> memref<128x128xf32, #tpu.memory_space<vmem>>
    %dma_start3A_812 = arith.constant 0 : i32
    %dma_start3A_813 = tpu.memref_slice %arg5[%add3A_806, %dma_start3A_812] : memref<98304x128xf32, #tpu.memory_space<hbm>> -> memref<128x128xf32, #tpu.memory_space<hbm>>
    %dma_start3A_814 = arith.constant 0 : i32
    %dma_start3A_815 = tpu.memref_slice %arg5[%add3A_806, %dma_start3A_814] : memref<98304x128xf32, #tpu.memory_space<hbm>> -> memref<128x128xf32, #tpu.memory_space<hbm>>
    %dma_start3A_816 = arith.constant 0 : i32
    %dma_start3A_817 = arith.constant 0 : i32
    %dma_start3A_818 = tpu.memref_slice %arg8[%dma_start3A_807, %dma_start3A_816, %dma_start3A_817] : memref<6x128x128xf32, #tpu.memory_space<vmem>> -> memref<1x128x128xf32, #tpu.memory_space<vmem>>
    %dma_start3A_819 = tpu.memref_squeeze %dma_start3A_818 : memref<1x128x128xf32, #tpu.memory_space<vmem>> -> memref<128x128xf32, #tpu.memory_space<vmem>>
    tpu.enqueue_dma source(%dma_start3A_819 : memref<128x128xf32, #tpu.memory_space<vmem>>) target(%dma_start3A_815 : memref<128x128xf32, #tpu.memory_space<hbm>>) target_semaphore(%arg18 : memref<!tpu.dma_semaphore, #tpu.memory_space<semaphore_mem>>)
    %add3A_820 = arith.constant 1792 : i32
    %add3A_821 = arith.addi %mul3A_2, %add3A_820 : i32
    %dma_wait3A_822 = arith.constant 2 : i32
    %dma_wait3A_823 = arith.constant 0 : i32
    %dma_wait3A_824 = arith.constant 0 : i32
    %dma_wait3A_825 = tpu.memref_slice %arg8[%dma_wait3A_822, %dma_wait3A_823, %dma_wait3A_824] : memref<6x128x128xf32, #tpu.memory_space<vmem>> -> memref<1x128x128xf32, #tpu.memory_space<vmem>>
    %dma_wait3A_826 = tpu.memref_squeeze %dma_wait3A_825 : memref<1x128x128xf32, #tpu.memory_space<vmem>> -> memref<128x128xf32, #tpu.memory_space<vmem>>
    %dma_wait3A_827 = arith.constant 0 : i32
    %dma_wait3A_828 = tpu.memref_slice %arg5[%add3A_821, %dma_wait3A_827] : memref<98304x128xf32, #tpu.memory_space<hbm>> -> memref<128x128xf32, #tpu.memory_space<hbm>>
    %dma_wait3A_829 = arith.constant 0 : i32
    %dma_wait3A_830 = tpu.memref_slice %arg5[%add3A_821, %dma_wait3A_829] : memref<98304x128xf32, #tpu.memory_space<hbm>> -> memref<128x128xf32, #tpu.memory_space<hbm>>
    %dma_wait3A_831 = arith.constant 0 : i32
    %dma_wait3A_832 = arith.constant 0 : i32
    %dma_wait3A_833 = tpu.memref_slice %arg8[%dma_wait3A_822, %dma_wait3A_831, %dma_wait3A_832] : memref<6x128x128xf32, #tpu.memory_space<vmem>> -> memref<1x128x128xf32, #tpu.memory_space<vmem>>
    %dma_wait3A_834 = tpu.memref_squeeze %dma_wait3A_833 : memref<1x128x128xf32, #tpu.memory_space<vmem>> -> memref<128x128xf32, #tpu.memory_space<vmem>>
    tpu.wait_dma2 semaphore(%arg17 : memref<!tpu.dma_semaphore, #tpu.memory_space<semaphore_mem>>) src(%dma_wait3A_834 : memref<128x128xf32, #tpu.memory_space<vmem>>) dst(%dma_wait3A_830 : memref<128x128xf32, #tpu.memory_space<hbm>>)
    %dma_start3A_835 = arith.constant 2 : i32
    %dma_start3A_836 = arith.constant 0 : i32
    %dma_start3A_837 = arith.constant 0 : i32
    %dma_start3A_838 = tpu.memref_slice %arg8[%dma_start3A_835, %dma_start3A_836, %dma_start3A_837] : memref<6x128x128xf32, #tpu.memory_space<vmem>> -> memref<1x128x128xf32, #tpu.memory_space<vmem>>
    %dma_start3A_839 = tpu.memref_squeeze %dma_start3A_838 : memref<1x128x128xf32, #tpu.memory_space<vmem>> -> memref<128x128xf32, #tpu.memory_space<vmem>>
    %dma_start3A_840 = arith.constant 2688 : i32
    %dma_start3A_841 = tpu.memref_slice %arg6[%dma_start3A_840] : memref<3200xi32, #tpu.memory_space<vmem>> -> memref<128xi32, #tpu.memory_space<vmem>>
    %dma_start3A_842 = arith.constant 0 : i32
    %dma_start3A_843 = arith.constant 0 : i32
    %dma_start3A_844 = tpu.memref_slice %arg2[%dma_start3A_842, %dma_start3A_843] : memref<50000x128xf32, #tpu.memory_space<hbm>> -> memref<50000x128xf32, #tpu.memory_space<hbm>>
    tpu.enqueue_indirect_dma source(%dma_start3A_844 : memref<50000x128xf32, #tpu.memory_space<hbm>>) target(%dma_start3A_839 : memref<128x128xf32, #tpu.memory_space<vmem>>) offsets(%dma_start3A_841 : memref<128xi32, #tpu.memory_space<vmem>>) semaphore(%arg11 : memref<!tpu.dma_semaphore, #tpu.memory_space<semaphore_mem>>)
    %dma_wait3A_845 = arith.constant 4 : i32
    %dma_wait3A_846 = arith.constant 0 : i32
    %dma_wait3A_847 = arith.constant 0 : i32
    %dma_wait3A_848 = tpu.memref_slice %arg8[%dma_wait3A_845, %dma_wait3A_846, %dma_wait3A_847] : memref<6x128x128xf32, #tpu.memory_space<vmem>> -> memref<1x128x128xf32, #tpu.memory_space<vmem>>
    %dma_wait3A_849 = tpu.memref_squeeze %dma_wait3A_848 : memref<1x128x128xf32, #tpu.memory_space<vmem>> -> memref<128x128xf32, #tpu.memory_space<vmem>>
    %dma_wait3A_850 = arith.constant 2176 : i32
    %dma_wait3A_851 = tpu.memref_slice %arg6[%dma_wait3A_850] : memref<3200xi32, #tpu.memory_space<vmem>> -> memref<128xi32, #tpu.memory_space<vmem>>
    %dma_wait3A_852 = arith.constant 0 : i32
    %dma_wait3A_853 = arith.constant 0 : i32
    %dma_wait3A_854 = tpu.memref_slice %arg2[%dma_wait3A_852, %dma_wait3A_853] : memref<50000x128xf32, #tpu.memory_space<hbm>> -> memref<50000x128xf32, #tpu.memory_space<hbm>>
    tpu.wait_indirect_dma semaphore(%arg13 : memref<!tpu.dma_semaphore, #tpu.memory_space<semaphore_mem>>) src(%dma_wait3A_854 : memref<50000x128xf32, #tpu.memory_space<hbm>>) dst(%dma_wait3A_849 : memref<128x128xf32, #tpu.memory_space<vmem>>)
    %add3A_855 = arith.constant 2048 : i32
    %add3A_856 = arith.addi %mul3A_2, %add3A_855 : i32
    %dma_start3A_857 = arith.constant 4 : i32
    %dma_start3A_858 = arith.constant 0 : i32
    %dma_start3A_859 = arith.constant 0 : i32
    %dma_start3A_860 = tpu.memref_slice %arg8[%dma_start3A_857, %dma_start3A_858, %dma_start3A_859] : memref<6x128x128xf32, #tpu.memory_space<vmem>> -> memref<1x128x128xf32, #tpu.memory_space<vmem>>
    %dma_start3A_861 = tpu.memref_squeeze %dma_start3A_860 : memref<1x128x128xf32, #tpu.memory_space<vmem>> -> memref<128x128xf32, #tpu.memory_space<vmem>>
    %dma_start3A_862 = arith.constant 0 : i32
    %dma_start3A_863 = tpu.memref_slice %arg5[%add3A_856, %dma_start3A_862] : memref<98304x128xf32, #tpu.memory_space<hbm>> -> memref<128x128xf32, #tpu.memory_space<hbm>>
    %dma_start3A_864 = arith.constant 0 : i32
    %dma_start3A_865 = tpu.memref_slice %arg5[%add3A_856, %dma_start3A_864] : memref<98304x128xf32, #tpu.memory_space<hbm>> -> memref<128x128xf32, #tpu.memory_space<hbm>>
    %dma_start3A_866 = arith.constant 0 : i32
    %dma_start3A_867 = arith.constant 0 : i32
    %dma_start3A_868 = tpu.memref_slice %arg8[%dma_start3A_857, %dma_start3A_866, %dma_start3A_867] : memref<6x128x128xf32, #tpu.memory_space<vmem>> -> memref<1x128x128xf32, #tpu.memory_space<vmem>>
    %dma_start3A_869 = tpu.memref_squeeze %dma_start3A_868 : memref<1x128x128xf32, #tpu.memory_space<vmem>> -> memref<128x128xf32, #tpu.memory_space<vmem>>
    tpu.enqueue_dma source(%dma_start3A_869 : memref<128x128xf32, #tpu.memory_space<vmem>>) target(%dma_start3A_865 : memref<128x128xf32, #tpu.memory_space<hbm>>) target_semaphore(%arg19 : memref<!tpu.dma_semaphore, #tpu.memory_space<semaphore_mem>>)
    %add3A_870 = arith.constant 1920 : i32
    %add3A_871 = arith.addi %mul3A_2, %add3A_870 : i32
    %dma_wait3A_872 = arith.constant 3 : i32
    %dma_wait3A_873 = arith.constant 0 : i32
    %dma_wait3A_874 = arith.constant 0 : i32
    %dma_wait3A_875 = tpu.memref_slice %arg8[%dma_wait3A_872, %dma_wait3A_873, %dma_wait3A_874] : memref<6x128x128xf32, #tpu.memory_space<vmem>> -> memref<1x128x128xf32, #tpu.memory_space<vmem>>
    %dma_wait3A_876 = tpu.memref_squeeze %dma_wait3A_875 : memref<1x128x128xf32, #tpu.memory_space<vmem>> -> memref<128x128xf32, #tpu.memory_space<vmem>>
    %dma_wait3A_877 = arith.constant 0 : i32
    %dma_wait3A_878 = tpu.memref_slice %arg5[%add3A_871, %dma_wait3A_877] : memref<98304x128xf32, #tpu.memory_space<hbm>> -> memref<128x128xf32, #tpu.memory_space<hbm>>
    %dma_wait3A_879 = arith.constant 0 : i32
    %dma_wait3A_880 = tpu.memref_slice %arg5[%add3A_871, %dma_wait3A_879] : memref<98304x128xf32, #tpu.memory_space<hbm>> -> memref<128x128xf32, #tpu.memory_space<hbm>>
    %dma_wait3A_881 = arith.constant 0 : i32
    %dma_wait3A_882 = arith.constant 0 : i32
    %dma_wait3A_883 = tpu.memref_slice %arg8[%dma_wait3A_872, %dma_wait3A_881, %dma_wait3A_882] : memref<6x128x128xf32, #tpu.memory_space<vmem>> -> memref<1x128x128xf32, #tpu.memory_space<vmem>>
    %dma_wait3A_884 = tpu.memref_squeeze %dma_wait3A_883 : memref<1x128x128xf32, #tpu.memory_space<vmem>> -> memref<128x128xf32, #tpu.memory_space<vmem>>
    tpu.wait_dma2 semaphore(%arg18 : memref<!tpu.dma_semaphore, #tpu.memory_space<semaphore_mem>>) src(%dma_wait3A_884 : memref<128x128xf32, #tpu.memory_space<vmem>>) dst(%dma_wait3A_880 : memref<128x128xf32, #tpu.memory_space<hbm>>)
    %dma_start3A_885 = arith.constant 3 : i32
    %dma_start3A_886 = arith.constant 0 : i32
    %dma_start3A_887 = arith.constant 0 : i32
    %dma_start3A_888 = tpu.memref_slice %arg8[%dma_start3A_885, %dma_start3A_886, %dma_start3A_887] : memref<6x128x128xf32, #tpu.memory_space<vmem>> -> memref<1x128x128xf32, #tpu.memory_space<vmem>>
    %dma_start3A_889 = tpu.memref_squeeze %dma_start3A_888 : memref<1x128x128xf32, #tpu.memory_space<vmem>> -> memref<128x128xf32, #tpu.memory_space<vmem>>
    %dma_start3A_890 = arith.constant 2816 : i32
    %dma_start3A_891 = tpu.memref_slice %arg6[%dma_start3A_890] : memref<3200xi32, #tpu.memory_space<vmem>> -> memref<128xi32, #tpu.memory_space<vmem>>
    %dma_start3A_892 = arith.constant 0 : i32
    %dma_start3A_893 = arith.constant 0 : i32
    %dma_start3A_894 = tpu.memref_slice %arg2[%dma_start3A_892, %dma_start3A_893] : memref<50000x128xf32, #tpu.memory_space<hbm>> -> memref<50000x128xf32, #tpu.memory_space<hbm>>
    tpu.enqueue_indirect_dma source(%dma_start3A_894 : memref<50000x128xf32, #tpu.memory_space<hbm>>) target(%dma_start3A_889 : memref<128x128xf32, #tpu.memory_space<vmem>>) offsets(%dma_start3A_891 : memref<128xi32, #tpu.memory_space<vmem>>) semaphore(%arg12 : memref<!tpu.dma_semaphore, #tpu.memory_space<semaphore_mem>>)
    %dma_wait3A_895 = arith.constant 5 : i32
    %dma_wait3A_896 = arith.constant 0 : i32
    %dma_wait3A_897 = arith.constant 0 : i32
    %dma_wait3A_898 = tpu.memref_slice %arg8[%dma_wait3A_895, %dma_wait3A_896, %dma_wait3A_897] : memref<6x128x128xf32, #tpu.memory_space<vmem>> -> memref<1x128x128xf32, #tpu.memory_space<vmem>>
    %dma_wait3A_899 = tpu.memref_squeeze %dma_wait3A_898 : memref<1x128x128xf32, #tpu.memory_space<vmem>> -> memref<128x128xf32, #tpu.memory_space<vmem>>
    %dma_wait3A_900 = arith.constant 2304 : i32
    %dma_wait3A_901 = tpu.memref_slice %arg6[%dma_wait3A_900] : memref<3200xi32, #tpu.memory_space<vmem>> -> memref<128xi32, #tpu.memory_space<vmem>>
    %dma_wait3A_902 = arith.constant 0 : i32
    %dma_wait3A_903 = arith.constant 0 : i32
    %dma_wait3A_904 = tpu.memref_slice %arg2[%dma_wait3A_902, %dma_wait3A_903] : memref<50000x128xf32, #tpu.memory_space<hbm>> -> memref<50000x128xf32, #tpu.memory_space<hbm>>
    tpu.wait_indirect_dma semaphore(%arg14 : memref<!tpu.dma_semaphore, #tpu.memory_space<semaphore_mem>>) src(%dma_wait3A_904 : memref<50000x128xf32, #tpu.memory_space<hbm>>) dst(%dma_wait3A_899 : memref<128x128xf32, #tpu.memory_space<vmem>>)
    %add3A_905 = arith.constant 2176 : i32
    %add3A_906 = arith.addi %mul3A_2, %add3A_905 : i32
    %dma_start3A_907 = arith.constant 5 : i32
    %dma_start3A_908 = arith.constant 0 : i32
    %dma_start3A_909 = arith.constant 0 : i32
    %dma_start3A_910 = tpu.memref_slice %arg8[%dma_start3A_907, %dma_start3A_908, %dma_start3A_909] : memref<6x128x128xf32, #tpu.memory_space<vmem>> -> memref<1x128x128xf32, #tpu.memory_space<vmem>>
    %dma_start3A_911 = tpu.memref_squeeze %dma_start3A_910 : memref<1x128x128xf32, #tpu.memory_space<vmem>> -> memref<128x128xf32, #tpu.memory_space<vmem>>
    %dma_start3A_912 = arith.constant 0 : i32
    %dma_start3A_913 = tpu.memref_slice %arg5[%add3A_906, %dma_start3A_912] : memref<98304x128xf32, #tpu.memory_space<hbm>> -> memref<128x128xf32, #tpu.memory_space<hbm>>
    %dma_start3A_914 = arith.constant 0 : i32
    %dma_start3A_915 = tpu.memref_slice %arg5[%add3A_906, %dma_start3A_914] : memref<98304x128xf32, #tpu.memory_space<hbm>> -> memref<128x128xf32, #tpu.memory_space<hbm>>
    %dma_start3A_916 = arith.constant 0 : i32
    %dma_start3A_917 = arith.constant 0 : i32
    %dma_start3A_918 = tpu.memref_slice %arg8[%dma_start3A_907, %dma_start3A_916, %dma_start3A_917] : memref<6x128x128xf32, #tpu.memory_space<vmem>> -> memref<1x128x128xf32, #tpu.memory_space<vmem>>
    %dma_start3A_919 = tpu.memref_squeeze %dma_start3A_918 : memref<1x128x128xf32, #tpu.memory_space<vmem>> -> memref<128x128xf32, #tpu.memory_space<vmem>>
    tpu.enqueue_dma source(%dma_start3A_919 : memref<128x128xf32, #tpu.memory_space<vmem>>) target(%dma_start3A_915 : memref<128x128xf32, #tpu.memory_space<hbm>>) target_semaphore(%arg20 : memref<!tpu.dma_semaphore, #tpu.memory_space<semaphore_mem>>)
    %add3A_920 = arith.constant 2048 : i32
    %add3A_921 = arith.addi %mul3A_2, %add3A_920 : i32
    %dma_wait3A_922 = arith.constant 4 : i32
    %dma_wait3A_923 = arith.constant 0 : i32
    %dma_wait3A_924 = arith.constant 0 : i32
    %dma_wait3A_925 = tpu.memref_slice %arg8[%dma_wait3A_922, %dma_wait3A_923, %dma_wait3A_924] : memref<6x128x128xf32, #tpu.memory_space<vmem>> -> memref<1x128x128xf32, #tpu.memory_space<vmem>>
    %dma_wait3A_926 = tpu.memref_squeeze %dma_wait3A_925 : memref<1x128x128xf32, #tpu.memory_space<vmem>> -> memref<128x128xf32, #tpu.memory_space<vmem>>
    %dma_wait3A_927 = arith.constant 0 : i32
    %dma_wait3A_928 = tpu.memref_slice %arg5[%add3A_921, %dma_wait3A_927] : memref<98304x128xf32, #tpu.memory_space<hbm>> -> memref<128x128xf32, #tpu.memory_space<hbm>>
    %dma_wait3A_929 = arith.constant 0 : i32
    %dma_wait3A_930 = tpu.memref_slice %arg5[%add3A_921, %dma_wait3A_929] : memref<98304x128xf32, #tpu.memory_space<hbm>> -> memref<128x128xf32, #tpu.memory_space<hbm>>
    %dma_wait3A_931 = arith.constant 0 : i32
    %dma_wait3A_932 = arith.constant 0 : i32
    %dma_wait3A_933 = tpu.memref_slice %arg8[%dma_wait3A_922, %dma_wait3A_931, %dma_wait3A_932] : memref<6x128x128xf32, #tpu.memory_space<vmem>> -> memref<1x128x128xf32, #tpu.memory_space<vmem>>
    %dma_wait3A_934 = tpu.memref_squeeze %dma_wait3A_933 : memref<1x128x128xf32, #tpu.memory_space<vmem>> -> memref<128x128xf32, #tpu.memory_space<vmem>>
    tpu.wait_dma2 semaphore(%arg19 : memref<!tpu.dma_semaphore, #tpu.memory_space<semaphore_mem>>) src(%dma_wait3A_934 : memref<128x128xf32, #tpu.memory_space<vmem>>) dst(%dma_wait3A_930 : memref<128x128xf32, #tpu.memory_space<hbm>>)
    %dma_start3A_935 = arith.constant 4 : i32
    %dma_start3A_936 = arith.constant 0 : i32
    %dma_start3A_937 = arith.constant 0 : i32
    %dma_start3A_938 = tpu.memref_slice %arg8[%dma_start3A_935, %dma_start3A_936, %dma_start3A_937] : memref<6x128x128xf32, #tpu.memory_space<vmem>> -> memref<1x128x128xf32, #tpu.memory_space<vmem>>
    %dma_start3A_939 = tpu.memref_squeeze %dma_start3A_938 : memref<1x128x128xf32, #tpu.memory_space<vmem>> -> memref<128x128xf32, #tpu.memory_space<vmem>>
    %dma_start3A_940 = arith.constant 2944 : i32
    %dma_start3A_941 = tpu.memref_slice %arg6[%dma_start3A_940] : memref<3200xi32, #tpu.memory_space<vmem>> -> memref<128xi32, #tpu.memory_space<vmem>>
    %dma_start3A_942 = arith.constant 0 : i32
    %dma_start3A_943 = arith.constant 0 : i32
    %dma_start3A_944 = tpu.memref_slice %arg2[%dma_start3A_942, %dma_start3A_943] : memref<50000x128xf32, #tpu.memory_space<hbm>> -> memref<50000x128xf32, #tpu.memory_space<hbm>>
    tpu.enqueue_indirect_dma source(%dma_start3A_944 : memref<50000x128xf32, #tpu.memory_space<hbm>>) target(%dma_start3A_939 : memref<128x128xf32, #tpu.memory_space<vmem>>) offsets(%dma_start3A_941 : memref<128xi32, #tpu.memory_space<vmem>>) semaphore(%arg13 : memref<!tpu.dma_semaphore, #tpu.memory_space<semaphore_mem>>)
    %dma_wait3A_945 = arith.constant 0 : i32
    %dma_wait3A_946 = arith.constant 0 : i32
    %dma_wait3A_947 = arith.constant 0 : i32
    %dma_wait3A_948 = tpu.memref_slice %arg8[%dma_wait3A_945, %dma_wait3A_946, %dma_wait3A_947] : memref<6x128x128xf32, #tpu.memory_space<vmem>> -> memref<1x128x128xf32, #tpu.memory_space<vmem>>
    %dma_wait3A_949 = tpu.memref_squeeze %dma_wait3A_948 : memref<1x128x128xf32, #tpu.memory_space<vmem>> -> memref<128x128xf32, #tpu.memory_space<vmem>>
    %dma_wait3A_950 = arith.constant 2432 : i32
    %dma_wait3A_951 = tpu.memref_slice %arg6[%dma_wait3A_950] : memref<3200xi32, #tpu.memory_space<vmem>> -> memref<128xi32, #tpu.memory_space<vmem>>
    %dma_wait3A_952 = arith.constant 0 : i32
    %dma_wait3A_953 = arith.constant 0 : i32
    %dma_wait3A_954 = tpu.memref_slice %arg2[%dma_wait3A_952, %dma_wait3A_953] : memref<50000x128xf32, #tpu.memory_space<hbm>> -> memref<50000x128xf32, #tpu.memory_space<hbm>>
    tpu.wait_indirect_dma semaphore(%arg9 : memref<!tpu.dma_semaphore, #tpu.memory_space<semaphore_mem>>) src(%dma_wait3A_954 : memref<50000x128xf32, #tpu.memory_space<hbm>>) dst(%dma_wait3A_949 : memref<128x128xf32, #tpu.memory_space<vmem>>)
    %add3A_955 = arith.constant 2304 : i32
    %add3A_956 = arith.addi %mul3A_2, %add3A_955 : i32
    %dma_start3A_957 = arith.constant 0 : i32
    %dma_start3A_958 = arith.constant 0 : i32
    %dma_start3A_959 = arith.constant 0 : i32
    %dma_start3A_960 = tpu.memref_slice %arg8[%dma_start3A_957, %dma_start3A_958, %dma_start3A_959] : memref<6x128x128xf32, #tpu.memory_space<vmem>> -> memref<1x128x128xf32, #tpu.memory_space<vmem>>
    %dma_start3A_961 = tpu.memref_squeeze %dma_start3A_960 : memref<1x128x128xf32, #tpu.memory_space<vmem>> -> memref<128x128xf32, #tpu.memory_space<vmem>>
    %dma_start3A_962 = arith.constant 0 : i32
    %dma_start3A_963 = tpu.memref_slice %arg5[%add3A_956, %dma_start3A_962] : memref<98304x128xf32, #tpu.memory_space<hbm>> -> memref<128x128xf32, #tpu.memory_space<hbm>>
    %dma_start3A_964 = arith.constant 0 : i32
    %dma_start3A_965 = tpu.memref_slice %arg5[%add3A_956, %dma_start3A_964] : memref<98304x128xf32, #tpu.memory_space<hbm>> -> memref<128x128xf32, #tpu.memory_space<hbm>>
    %dma_start3A_966 = arith.constant 0 : i32
    %dma_start3A_967 = arith.constant 0 : i32
    %dma_start3A_968 = tpu.memref_slice %arg8[%dma_start3A_957, %dma_start3A_966, %dma_start3A_967] : memref<6x128x128xf32, #tpu.memory_space<vmem>> -> memref<1x128x128xf32, #tpu.memory_space<vmem>>
    %dma_start3A_969 = tpu.memref_squeeze %dma_start3A_968 : memref<1x128x128xf32, #tpu.memory_space<vmem>> -> memref<128x128xf32, #tpu.memory_space<vmem>>
    tpu.enqueue_dma source(%dma_start3A_969 : memref<128x128xf32, #tpu.memory_space<vmem>>) target(%dma_start3A_965 : memref<128x128xf32, #tpu.memory_space<hbm>>) target_semaphore(%arg15 : memref<!tpu.dma_semaphore, #tpu.memory_space<semaphore_mem>>)
    %add3A_970 = arith.constant 2176 : i32
    %add3A_971 = arith.addi %mul3A_2, %add3A_970 : i32
    %dma_wait3A_972 = arith.constant 5 : i32
    %dma_wait3A_973 = arith.constant 0 : i32
    %dma_wait3A_974 = arith.constant 0 : i32
    %dma_wait3A_975 = tpu.memref_slice %arg8[%dma_wait3A_972, %dma_wait3A_973, %dma_wait3A_974] : memref<6x128x128xf32, #tpu.memory_space<vmem>> -> memref<1x128x128xf32, #tpu.memory_space<vmem>>
    %dma_wait3A_976 = tpu.memref_squeeze %dma_wait3A_975 : memref<1x128x128xf32, #tpu.memory_space<vmem>> -> memref<128x128xf32, #tpu.memory_space<vmem>>
    %dma_wait3A_977 = arith.constant 0 : i32
    %dma_wait3A_978 = tpu.memref_slice %arg5[%add3A_971, %dma_wait3A_977] : memref<98304x128xf32, #tpu.memory_space<hbm>> -> memref<128x128xf32, #tpu.memory_space<hbm>>
    %dma_wait3A_979 = arith.constant 0 : i32
    %dma_wait3A_980 = tpu.memref_slice %arg5[%add3A_971, %dma_wait3A_979] : memref<98304x128xf32, #tpu.memory_space<hbm>> -> memref<128x128xf32, #tpu.memory_space<hbm>>
    %dma_wait3A_981 = arith.constant 0 : i32
    %dma_wait3A_982 = arith.constant 0 : i32
    %dma_wait3A_983 = tpu.memref_slice %arg8[%dma_wait3A_972, %dma_wait3A_981, %dma_wait3A_982] : memref<6x128x128xf32, #tpu.memory_space<vmem>> -> memref<1x128x128xf32, #tpu.memory_space<vmem>>
    %dma_wait3A_984 = tpu.memref_squeeze %dma_wait3A_983 : memref<1x128x128xf32, #tpu.memory_space<vmem>> -> memref<128x128xf32, #tpu.memory_space<vmem>>
    tpu.wait_dma2 semaphore(%arg20 : memref<!tpu.dma_semaphore, #tpu.memory_space<semaphore_mem>>) src(%dma_wait3A_984 : memref<128x128xf32, #tpu.memory_space<vmem>>) dst(%dma_wait3A_980 : memref<128x128xf32, #tpu.memory_space<hbm>>)
    %dma_start3A_985 = arith.constant 5 : i32
    %dma_start3A_986 = arith.constant 0 : i32
    %dma_start3A_987 = arith.constant 0 : i32
    %dma_start3A_988 = tpu.memref_slice %arg8[%dma_start3A_985, %dma_start3A_986, %dma_start3A_987] : memref<6x128x128xf32, #tpu.memory_space<vmem>> -> memref<1x128x128xf32, #tpu.memory_space<vmem>>
    %dma_start3A_989 = tpu.memref_squeeze %dma_start3A_988 : memref<1x128x128xf32, #tpu.memory_space<vmem>> -> memref<128x128xf32, #tpu.memory_space<vmem>>
    %dma_start3A_990 = arith.constant 3072 : i32
    %dma_start3A_991 = tpu.memref_slice %arg6[%dma_start3A_990] : memref<3200xi32, #tpu.memory_space<vmem>> -> memref<128xi32, #tpu.memory_space<vmem>>
    %dma_start3A_992 = arith.constant 0 : i32
    %dma_start3A_993 = arith.constant 0 : i32
    %dma_start3A_994 = tpu.memref_slice %arg2[%dma_start3A_992, %dma_start3A_993] : memref<50000x128xf32, #tpu.memory_space<hbm>> -> memref<50000x128xf32, #tpu.memory_space<hbm>>
    tpu.enqueue_indirect_dma source(%dma_start3A_994 : memref<50000x128xf32, #tpu.memory_space<hbm>>) target(%dma_start3A_989 : memref<128x128xf32, #tpu.memory_space<vmem>>) offsets(%dma_start3A_991 : memref<128xi32, #tpu.memory_space<vmem>>) semaphore(%arg14 : memref<!tpu.dma_semaphore, #tpu.memory_space<semaphore_mem>>)
    %dma_wait3A_995 = arith.constant 1 : i32
    %dma_wait3A_996 = arith.constant 0 : i32
    %dma_wait3A_997 = arith.constant 0 : i32
    %dma_wait3A_998 = tpu.memref_slice %arg8[%dma_wait3A_995, %dma_wait3A_996, %dma_wait3A_997] : memref<6x128x128xf32, #tpu.memory_space<vmem>> -> memref<1x128x128xf32, #tpu.memory_space<vmem>>
    %dma_wait3A_999 = tpu.memref_squeeze %dma_wait3A_998 : memref<1x128x128xf32, #tpu.memory_space<vmem>> -> memref<128x128xf32, #tpu.memory_space<vmem>>
    %dma_wait3A_1000 = arith.constant 2560 : i32
    %dma_wait3A_1001 = tpu.memref_slice %arg6[%dma_wait3A_1000] : memref<3200xi32, #tpu.memory_space<vmem>> -> memref<128xi32, #tpu.memory_space<vmem>>
    %dma_wait3A_1002 = arith.constant 0 : i32
    %dma_wait3A_1003 = arith.constant 0 : i32
    %dma_wait3A_1004 = tpu.memref_slice %arg2[%dma_wait3A_1002, %dma_wait3A_1003] : memref<50000x128xf32, #tpu.memory_space<hbm>> -> memref<50000x128xf32, #tpu.memory_space<hbm>>
    tpu.wait_indirect_dma semaphore(%arg10 : memref<!tpu.dma_semaphore, #tpu.memory_space<semaphore_mem>>) src(%dma_wait3A_1004 : memref<50000x128xf32, #tpu.memory_space<hbm>>) dst(%dma_wait3A_999 : memref<128x128xf32, #tpu.memory_space<vmem>>)
    %add3A_1005 = arith.constant 2432 : i32
    %add3A_1006 = arith.addi %mul3A_2, %add3A_1005 : i32
    %dma_start3A_1007 = arith.constant 1 : i32
    %dma_start3A_1008 = arith.constant 0 : i32
    %dma_start3A_1009 = arith.constant 0 : i32
    %dma_start3A_1010 = tpu.memref_slice %arg8[%dma_start3A_1007, %dma_start3A_1008, %dma_start3A_1009] : memref<6x128x128xf32, #tpu.memory_space<vmem>> -> memref<1x128x128xf32, #tpu.memory_space<vmem>>
    %dma_start3A_1011 = tpu.memref_squeeze %dma_start3A_1010 : memref<1x128x128xf32, #tpu.memory_space<vmem>> -> memref<128x128xf32, #tpu.memory_space<vmem>>
    %dma_start3A_1012 = arith.constant 0 : i32
    %dma_start3A_1013 = tpu.memref_slice %arg5[%add3A_1006, %dma_start3A_1012] : memref<98304x128xf32, #tpu.memory_space<hbm>> -> memref<128x128xf32, #tpu.memory_space<hbm>>
    %dma_start3A_1014 = arith.constant 0 : i32
    %dma_start3A_1015 = tpu.memref_slice %arg5[%add3A_1006, %dma_start3A_1014] : memref<98304x128xf32, #tpu.memory_space<hbm>> -> memref<128x128xf32, #tpu.memory_space<hbm>>
    %dma_start3A_1016 = arith.constant 0 : i32
    %dma_start3A_1017 = arith.constant 0 : i32
    %dma_start3A_1018 = tpu.memref_slice %arg8[%dma_start3A_1007, %dma_start3A_1016, %dma_start3A_1017] : memref<6x128x128xf32, #tpu.memory_space<vmem>> -> memref<1x128x128xf32, #tpu.memory_space<vmem>>
    %dma_start3A_1019 = tpu.memref_squeeze %dma_start3A_1018 : memref<1x128x128xf32, #tpu.memory_space<vmem>> -> memref<128x128xf32, #tpu.memory_space<vmem>>
    tpu.enqueue_dma source(%dma_start3A_1019 : memref<128x128xf32, #tpu.memory_space<vmem>>) target(%dma_start3A_1015 : memref<128x128xf32, #tpu.memory_space<hbm>>) target_semaphore(%arg16 : memref<!tpu.dma_semaphore, #tpu.memory_space<semaphore_mem>>)
    %dma_wait3A_1020 = arith.constant 2 : i32
    %dma_wait3A_1021 = arith.constant 0 : i32
    %dma_wait3A_1022 = arith.constant 0 : i32
    %dma_wait3A_1023 = tpu.memref_slice %arg8[%dma_wait3A_1020, %dma_wait3A_1021, %dma_wait3A_1022] : memref<6x128x128xf32, #tpu.memory_space<vmem>> -> memref<1x128x128xf32, #tpu.memory_space<vmem>>
    %dma_wait3A_1024 = tpu.memref_squeeze %dma_wait3A_1023 : memref<1x128x128xf32, #tpu.memory_space<vmem>> -> memref<128x128xf32, #tpu.memory_space<vmem>>
    %dma_wait3A_1025 = arith.constant 2688 : i32
    %dma_wait3A_1026 = tpu.memref_slice %arg6[%dma_wait3A_1025] : memref<3200xi32, #tpu.memory_space<vmem>> -> memref<128xi32, #tpu.memory_space<vmem>>
    %dma_wait3A_1027 = arith.constant 0 : i32
    %dma_wait3A_1028 = arith.constant 0 : i32
    %dma_wait3A_1029 = tpu.memref_slice %arg2[%dma_wait3A_1027, %dma_wait3A_1028] : memref<50000x128xf32, #tpu.memory_space<hbm>> -> memref<50000x128xf32, #tpu.memory_space<hbm>>
    tpu.wait_indirect_dma semaphore(%arg11 : memref<!tpu.dma_semaphore, #tpu.memory_space<semaphore_mem>>) src(%dma_wait3A_1029 : memref<50000x128xf32, #tpu.memory_space<hbm>>) dst(%dma_wait3A_1024 : memref<128x128xf32, #tpu.memory_space<vmem>>)
    %add3A_1030 = arith.constant 2560 : i32
    %add3A_1031 = arith.addi %mul3A_2, %add3A_1030 : i32
    %dma_start3A_1032 = arith.constant 2 : i32
    %dma_start3A_1033 = arith.constant 0 : i32
    %dma_start3A_1034 = arith.constant 0 : i32
    %dma_start3A_1035 = tpu.memref_slice %arg8[%dma_start3A_1032, %dma_start3A_1033, %dma_start3A_1034] : memref<6x128x128xf32, #tpu.memory_space<vmem>> -> memref<1x128x128xf32, #tpu.memory_space<vmem>>
    %dma_start3A_1036 = tpu.memref_squeeze %dma_start3A_1035 : memref<1x128x128xf32, #tpu.memory_space<vmem>> -> memref<128x128xf32, #tpu.memory_space<vmem>>
    %dma_start3A_1037 = arith.constant 0 : i32
    %dma_start3A_1038 = tpu.memref_slice %arg5[%add3A_1031, %dma_start3A_1037] : memref<98304x128xf32, #tpu.memory_space<hbm>> -> memref<128x128xf32, #tpu.memory_space<hbm>>
    %dma_start3A_1039 = arith.constant 0 : i32
    %dma_start3A_1040 = tpu.memref_slice %arg5[%add3A_1031, %dma_start3A_1039] : memref<98304x128xf32, #tpu.memory_space<hbm>> -> memref<128x128xf32, #tpu.memory_space<hbm>>
    %dma_start3A_1041 = arith.constant 0 : i32
    %dma_start3A_1042 = arith.constant 0 : i32
    %dma_start3A_1043 = tpu.memref_slice %arg8[%dma_start3A_1032, %dma_start3A_1041, %dma_start3A_1042] : memref<6x128x128xf32, #tpu.memory_space<vmem>> -> memref<1x128x128xf32, #tpu.memory_space<vmem>>
    %dma_start3A_1044 = tpu.memref_squeeze %dma_start3A_1043 : memref<1x128x128xf32, #tpu.memory_space<vmem>> -> memref<128x128xf32, #tpu.memory_space<vmem>>
    tpu.enqueue_dma source(%dma_start3A_1044 : memref<128x128xf32, #tpu.memory_space<vmem>>) target(%dma_start3A_1040 : memref<128x128xf32, #tpu.memory_space<hbm>>) target_semaphore(%arg17 : memref<!tpu.dma_semaphore, #tpu.memory_space<semaphore_mem>>)
    %dma_wait3A_1045 = arith.constant 3 : i32
    %dma_wait3A_1046 = arith.constant 0 : i32
    %dma_wait3A_1047 = arith.constant 0 : i32
    %dma_wait3A_1048 = tpu.memref_slice %arg8[%dma_wait3A_1045, %dma_wait3A_1046, %dma_wait3A_1047] : memref<6x128x128xf32, #tpu.memory_space<vmem>> -> memref<1x128x128xf32, #tpu.memory_space<vmem>>
    %dma_wait3A_1049 = tpu.memref_squeeze %dma_wait3A_1048 : memref<1x128x128xf32, #tpu.memory_space<vmem>> -> memref<128x128xf32, #tpu.memory_space<vmem>>
    %dma_wait3A_1050 = arith.constant 2816 : i32
    %dma_wait3A_1051 = tpu.memref_slice %arg6[%dma_wait3A_1050] : memref<3200xi32, #tpu.memory_space<vmem>> -> memref<128xi32, #tpu.memory_space<vmem>>
    %dma_wait3A_1052 = arith.constant 0 : i32
    %dma_wait3A_1053 = arith.constant 0 : i32
    %dma_wait3A_1054 = tpu.memref_slice %arg2[%dma_wait3A_1052, %dma_wait3A_1053] : memref<50000x128xf32, #tpu.memory_space<hbm>> -> memref<50000x128xf32, #tpu.memory_space<hbm>>
    tpu.wait_indirect_dma semaphore(%arg12 : memref<!tpu.dma_semaphore, #tpu.memory_space<semaphore_mem>>) src(%dma_wait3A_1054 : memref<50000x128xf32, #tpu.memory_space<hbm>>) dst(%dma_wait3A_1049 : memref<128x128xf32, #tpu.memory_space<vmem>>)
    %add3A_1055 = arith.constant 2688 : i32
    %add3A_1056 = arith.addi %mul3A_2, %add3A_1055 : i32
    %dma_start3A_1057 = arith.constant 3 : i32
    %dma_start3A_1058 = arith.constant 0 : i32
    %dma_start3A_1059 = arith.constant 0 : i32
    %dma_start3A_1060 = tpu.memref_slice %arg8[%dma_start3A_1057, %dma_start3A_1058, %dma_start3A_1059] : memref<6x128x128xf32, #tpu.memory_space<vmem>> -> memref<1x128x128xf32, #tpu.memory_space<vmem>>
    %dma_start3A_1061 = tpu.memref_squeeze %dma_start3A_1060 : memref<1x128x128xf32, #tpu.memory_space<vmem>> -> memref<128x128xf32, #tpu.memory_space<vmem>>
    %dma_start3A_1062 = arith.constant 0 : i32
    %dma_start3A_1063 = tpu.memref_slice %arg5[%add3A_1056, %dma_start3A_1062] : memref<98304x128xf32, #tpu.memory_space<hbm>> -> memref<128x128xf32, #tpu.memory_space<hbm>>
    %dma_start3A_1064 = arith.constant 0 : i32
    %dma_start3A_1065 = tpu.memref_slice %arg5[%add3A_1056, %dma_start3A_1064] : memref<98304x128xf32, #tpu.memory_space<hbm>> -> memref<128x128xf32, #tpu.memory_space<hbm>>
    %dma_start3A_1066 = arith.constant 0 : i32
    %dma_start3A_1067 = arith.constant 0 : i32
    %dma_start3A_1068 = tpu.memref_slice %arg8[%dma_start3A_1057, %dma_start3A_1066, %dma_start3A_1067] : memref<6x128x128xf32, #tpu.memory_space<vmem>> -> memref<1x128x128xf32, #tpu.memory_space<vmem>>
    %dma_start3A_1069 = tpu.memref_squeeze %dma_start3A_1068 : memref<1x128x128xf32, #tpu.memory_space<vmem>> -> memref<128x128xf32, #tpu.memory_space<vmem>>
    tpu.enqueue_dma source(%dma_start3A_1069 : memref<128x128xf32, #tpu.memory_space<vmem>>) target(%dma_start3A_1065 : memref<128x128xf32, #tpu.memory_space<hbm>>) target_semaphore(%arg18 : memref<!tpu.dma_semaphore, #tpu.memory_space<semaphore_mem>>)
    %dma_wait3A_1070 = arith.constant 4 : i32
    %dma_wait3A_1071 = arith.constant 0 : i32
    %dma_wait3A_1072 = arith.constant 0 : i32
    %dma_wait3A_1073 = tpu.memref_slice %arg8[%dma_wait3A_1070, %dma_wait3A_1071, %dma_wait3A_1072] : memref<6x128x128xf32, #tpu.memory_space<vmem>> -> memref<1x128x128xf32, #tpu.memory_space<vmem>>
    %dma_wait3A_1074 = tpu.memref_squeeze %dma_wait3A_1073 : memref<1x128x128xf32, #tpu.memory_space<vmem>> -> memref<128x128xf32, #tpu.memory_space<vmem>>
    %dma_wait3A_1075 = arith.constant 2944 : i32
    %dma_wait3A_1076 = tpu.memref_slice %arg6[%dma_wait3A_1075] : memref<3200xi32, #tpu.memory_space<vmem>> -> memref<128xi32, #tpu.memory_space<vmem>>
    %dma_wait3A_1077 = arith.constant 0 : i32
    %dma_wait3A_1078 = arith.constant 0 : i32
    %dma_wait3A_1079 = tpu.memref_slice %arg2[%dma_wait3A_1077, %dma_wait3A_1078] : memref<50000x128xf32, #tpu.memory_space<hbm>> -> memref<50000x128xf32, #tpu.memory_space<hbm>>
    tpu.wait_indirect_dma semaphore(%arg13 : memref<!tpu.dma_semaphore, #tpu.memory_space<semaphore_mem>>) src(%dma_wait3A_1079 : memref<50000x128xf32, #tpu.memory_space<hbm>>) dst(%dma_wait3A_1074 : memref<128x128xf32, #tpu.memory_space<vmem>>)
    %add3A_1080 = arith.constant 2816 : i32
    %add3A_1081 = arith.addi %mul3A_2, %add3A_1080 : i32
    %dma_start3A_1082 = arith.constant 4 : i32
    %dma_start3A_1083 = arith.constant 0 : i32
    %dma_start3A_1084 = arith.constant 0 : i32
    %dma_start3A_1085 = tpu.memref_slice %arg8[%dma_start3A_1082, %dma_start3A_1083, %dma_start3A_1084] : memref<6x128x128xf32, #tpu.memory_space<vmem>> -> memref<1x128x128xf32, #tpu.memory_space<vmem>>
    %dma_start3A_1086 = tpu.memref_squeeze %dma_start3A_1085 : memref<1x128x128xf32, #tpu.memory_space<vmem>> -> memref<128x128xf32, #tpu.memory_space<vmem>>
    %dma_start3A_1087 = arith.constant 0 : i32
    %dma_start3A_1088 = tpu.memref_slice %arg5[%add3A_1081, %dma_start3A_1087] : memref<98304x128xf32, #tpu.memory_space<hbm>> -> memref<128x128xf32, #tpu.memory_space<hbm>>
    %dma_start3A_1089 = arith.constant 0 : i32
    %dma_start3A_1090 = tpu.memref_slice %arg5[%add3A_1081, %dma_start3A_1089] : memref<98304x128xf32, #tpu.memory_space<hbm>> -> memref<128x128xf32, #tpu.memory_space<hbm>>
    %dma_start3A_1091 = arith.constant 0 : i32
    %dma_start3A_1092 = arith.constant 0 : i32
    %dma_start3A_1093 = tpu.memref_slice %arg8[%dma_start3A_1082, %dma_start3A_1091, %dma_start3A_1092] : memref<6x128x128xf32, #tpu.memory_space<vmem>> -> memref<1x128x128xf32, #tpu.memory_space<vmem>>
    %dma_start3A_1094 = tpu.memref_squeeze %dma_start3A_1093 : memref<1x128x128xf32, #tpu.memory_space<vmem>> -> memref<128x128xf32, #tpu.memory_space<vmem>>
    tpu.enqueue_dma source(%dma_start3A_1094 : memref<128x128xf32, #tpu.memory_space<vmem>>) target(%dma_start3A_1090 : memref<128x128xf32, #tpu.memory_space<hbm>>) target_semaphore(%arg19 : memref<!tpu.dma_semaphore, #tpu.memory_space<semaphore_mem>>)
    %dma_wait3A_1095 = arith.constant 5 : i32
    %dma_wait3A_1096 = arith.constant 0 : i32
    %dma_wait3A_1097 = arith.constant 0 : i32
    %dma_wait3A_1098 = tpu.memref_slice %arg8[%dma_wait3A_1095, %dma_wait3A_1096, %dma_wait3A_1097] : memref<6x128x128xf32, #tpu.memory_space<vmem>> -> memref<1x128x128xf32, #tpu.memory_space<vmem>>
    %dma_wait3A_1099 = tpu.memref_squeeze %dma_wait3A_1098 : memref<1x128x128xf32, #tpu.memory_space<vmem>> -> memref<128x128xf32, #tpu.memory_space<vmem>>
    %dma_wait3A_1100 = arith.constant 3072 : i32
    %dma_wait3A_1101 = tpu.memref_slice %arg6[%dma_wait3A_1100] : memref<3200xi32, #tpu.memory_space<vmem>> -> memref<128xi32, #tpu.memory_space<vmem>>
    %dma_wait3A_1102 = arith.constant 0 : i32
    %dma_wait3A_1103 = arith.constant 0 : i32
    %dma_wait3A_1104 = tpu.memref_slice %arg2[%dma_wait3A_1102, %dma_wait3A_1103] : memref<50000x128xf32, #tpu.memory_space<hbm>> -> memref<50000x128xf32, #tpu.memory_space<hbm>>
    tpu.wait_indirect_dma semaphore(%arg14 : memref<!tpu.dma_semaphore, #tpu.memory_space<semaphore_mem>>) src(%dma_wait3A_1104 : memref<50000x128xf32, #tpu.memory_space<hbm>>) dst(%dma_wait3A_1099 : memref<128x128xf32, #tpu.memory_space<vmem>>)
    %add3A_1105 = arith.constant 2944 : i32
    %add3A_1106 = arith.addi %mul3A_2, %add3A_1105 : i32
    %dma_start3A_1107 = arith.constant 5 : i32
    %dma_start3A_1108 = arith.constant 0 : i32
    %dma_start3A_1109 = arith.constant 0 : i32
    %dma_start3A_1110 = tpu.memref_slice %arg8[%dma_start3A_1107, %dma_start3A_1108, %dma_start3A_1109] : memref<6x128x128xf32, #tpu.memory_space<vmem>> -> memref<1x128x128xf32, #tpu.memory_space<vmem>>
    %dma_start3A_1111 = tpu.memref_squeeze %dma_start3A_1110 : memref<1x128x128xf32, #tpu.memory_space<vmem>> -> memref<128x128xf32, #tpu.memory_space<vmem>>
    %dma_start3A_1112 = arith.constant 0 : i32
    %dma_start3A_1113 = tpu.memref_slice %arg5[%add3A_1106, %dma_start3A_1112] : memref<98304x128xf32, #tpu.memory_space<hbm>> -> memref<128x128xf32, #tpu.memory_space<hbm>>
    %dma_start3A_1114 = arith.constant 0 : i32
    %dma_start3A_1115 = tpu.memref_slice %arg5[%add3A_1106, %dma_start3A_1114] : memref<98304x128xf32, #tpu.memory_space<hbm>> -> memref<128x128xf32, #tpu.memory_space<hbm>>
    %dma_start3A_1116 = arith.constant 0 : i32
    %dma_start3A_1117 = arith.constant 0 : i32
    %dma_start3A_1118 = tpu.memref_slice %arg8[%dma_start3A_1107, %dma_start3A_1116, %dma_start3A_1117] : memref<6x128x128xf32, #tpu.memory_space<vmem>> -> memref<1x128x128xf32, #tpu.memory_space<vmem>>
    %dma_start3A_1119 = tpu.memref_squeeze %dma_start3A_1118 : memref<1x128x128xf32, #tpu.memory_space<vmem>> -> memref<128x128xf32, #tpu.memory_space<vmem>>
    tpu.enqueue_dma source(%dma_start3A_1119 : memref<128x128xf32, #tpu.memory_space<vmem>>) target(%dma_start3A_1115 : memref<128x128xf32, #tpu.memory_space<hbm>>) target_semaphore(%arg20 : memref<!tpu.dma_semaphore, #tpu.memory_space<semaphore_mem>>)
    %dma_wait3A_1120 = arith.constant 0 : i32
    %dma_wait3A_1121 = tpu.memref_slice %arg6[%dma_wait3A_1120] : memref<3200xi32, #tpu.memory_space<vmem>> -> memref<128xi32, #tpu.memory_space<vmem>>
    %dma_wait3A_1122 = arith.constant 0 : i32
    %dma_wait3A_1123 = arith.constant 0 : i32
    %dma_wait3A_1124 = tpu.memref_slice %arg2[%dma_wait3A_1122, %dma_wait3A_1123] : memref<50000x128xf32, #tpu.memory_space<hbm>> -> memref<50000x128xf32, #tpu.memory_space<hbm>>
    tpu.wait_indirect_dma semaphore(%arg21 : memref<!tpu.dma_semaphore, #tpu.memory_space<semaphore_mem>>) src(%dma_wait3A_1124 : memref<50000x128xf32, #tpu.memory_space<hbm>>) dst(%arg7 : memref<128x128xf32, #tpu.memory_space<vmem>>)
    %dma_start3A_1125 = arith.constant 0 : i32
    %dma_start3A_1126 = tpu.memref_slice %arg4[%mul3A_4, %dma_start3A_1125] : memref<4096x128xf32, #tpu.memory_space<hbm>> -> memref<128x128xf32, #tpu.memory_space<hbm>>
    %dma_start3A_1127 = arith.constant 0 : i32
    %dma_start3A_1128 = tpu.memref_slice %arg4[%mul3A_4, %dma_start3A_1127] : memref<4096x128xf32, #tpu.memory_space<hbm>> -> memref<128x128xf32, #tpu.memory_space<hbm>>
    tpu.enqueue_dma source(%arg7 : memref<128x128xf32, #tpu.memory_space<vmem>>) target(%dma_start3A_1128 : memref<128x128xf32, #tpu.memory_space<hbm>>) target_semaphore(%arg22 : memref<!tpu.dma_semaphore, #tpu.memory_space<semaphore_mem>>)
    %add3A_1129 = arith.constant 2304 : i32
    %add3A_1130 = arith.addi %mul3A_2, %add3A_1129 : i32
    %dma_wait3A_1131 = arith.constant 0 : i32
    %dma_wait3A_1132 = arith.constant 0 : i32
    %dma_wait3A_1133 = arith.constant 0 : i32
    %dma_wait3A_1134 = tpu.memref_slice %arg8[%dma_wait3A_1131, %dma_wait3A_1132, %dma_wait3A_1133] : memref<6x128x128xf32, #tpu.memory_space<vmem>> -> memref<1x128x128xf32, #tpu.memory_space<vmem>>
    %dma_wait3A_1135 = tpu.memref_squeeze %dma_wait3A_1134 : memref<1x128x128xf32, #tpu.memory_space<vmem>> -> memref<128x128xf32, #tpu.memory_space<vmem>>
    %dma_wait3A_1136 = arith.constant 0 : i32
    %dma_wait3A_1137 = tpu.memref_slice %arg5[%add3A_1130, %dma_wait3A_1136] : memref<98304x128xf32, #tpu.memory_space<hbm>> -> memref<128x128xf32, #tpu.memory_space<hbm>>
    %dma_wait3A_1138 = arith.constant 0 : i32
    %dma_wait3A_1139 = tpu.memref_slice %arg5[%add3A_1130, %dma_wait3A_1138] : memref<98304x128xf32, #tpu.memory_space<hbm>> -> memref<128x128xf32, #tpu.memory_space<hbm>>
    %dma_wait3A_1140 = arith.constant 0 : i32
    %dma_wait3A_1141 = arith.constant 0 : i32
    %dma_wait3A_1142 = tpu.memref_slice %arg8[%dma_wait3A_1131, %dma_wait3A_1140, %dma_wait3A_1141] : memref<6x128x128xf32, #tpu.memory_space<vmem>> -> memref<1x128x128xf32, #tpu.memory_space<vmem>>
    %dma_wait3A_1143 = tpu.memref_squeeze %dma_wait3A_1142 : memref<1x128x128xf32, #tpu.memory_space<vmem>> -> memref<128x128xf32, #tpu.memory_space<vmem>>
    tpu.wait_dma2 semaphore(%arg15 : memref<!tpu.dma_semaphore, #tpu.memory_space<semaphore_mem>>) src(%dma_wait3A_1143 : memref<128x128xf32, #tpu.memory_space<vmem>>) dst(%dma_wait3A_1139 : memref<128x128xf32, #tpu.memory_space<hbm>>)
    %add3A_1144 = arith.constant 2432 : i32
    %add3A_1145 = arith.addi %mul3A_2, %add3A_1144 : i32
    %dma_wait3A_1146 = arith.constant 1 : i32
    %dma_wait3A_1147 = arith.constant 0 : i32
    %dma_wait3A_1148 = arith.constant 0 : i32
    %dma_wait3A_1149 = tpu.memref_slice %arg8[%dma_wait3A_1146, %dma_wait3A_1147, %dma_wait3A_1148] : memref<6x128x128xf32, #tpu.memory_space<vmem>> -> memref<1x128x128xf32, #tpu.memory_space<vmem>>
    %dma_wait3A_1150 = tpu.memref_squeeze %dma_wait3A_1149 : memref<1x128x128xf32, #tpu.memory_space<vmem>> -> memref<128x128xf32, #tpu.memory_space<vmem>>
    %dma_wait3A_1151 = arith.constant 0 : i32
    %dma_wait3A_1152 = tpu.memref_slice %arg5[%add3A_1145, %dma_wait3A_1151] : memref<98304x128xf32, #tpu.memory_space<hbm>> -> memref<128x128xf32, #tpu.memory_space<hbm>>
    %dma_wait3A_1153 = arith.constant 0 : i32
    %dma_wait3A_1154 = tpu.memref_slice %arg5[%add3A_1145, %dma_wait3A_1153] : memref<98304x128xf32, #tpu.memory_space<hbm>> -> memref<128x128xf32, #tpu.memory_space<hbm>>
    %dma_wait3A_1155 = arith.constant 0 : i32
    %dma_wait3A_1156 = arith.constant 0 : i32
    %dma_wait3A_1157 = tpu.memref_slice %arg8[%dma_wait3A_1146, %dma_wait3A_1155, %dma_wait3A_1156] : memref<6x128x128xf32, #tpu.memory_space<vmem>> -> memref<1x128x128xf32, #tpu.memory_space<vmem>>
    %dma_wait3A_1158 = tpu.memref_squeeze %dma_wait3A_1157 : memref<1x128x128xf32, #tpu.memory_space<vmem>> -> memref<128x128xf32, #tpu.memory_space<vmem>>
    tpu.wait_dma2 semaphore(%arg16 : memref<!tpu.dma_semaphore, #tpu.memory_space<semaphore_mem>>) src(%dma_wait3A_1158 : memref<128x128xf32, #tpu.memory_space<vmem>>) dst(%dma_wait3A_1154 : memref<128x128xf32, #tpu.memory_space<hbm>>)
    %add3A_1159 = arith.constant 2560 : i32
    %add3A_1160 = arith.addi %mul3A_2, %add3A_1159 : i32
    %dma_wait3A_1161 = arith.constant 2 : i32
    %dma_wait3A_1162 = arith.constant 0 : i32
    %dma_wait3A_1163 = arith.constant 0 : i32
    %dma_wait3A_1164 = tpu.memref_slice %arg8[%dma_wait3A_1161, %dma_wait3A_1162, %dma_wait3A_1163] : memref<6x128x128xf32, #tpu.memory_space<vmem>> -> memref<1x128x128xf32, #tpu.memory_space<vmem>>
    %dma_wait3A_1165 = tpu.memref_squeeze %dma_wait3A_1164 : memref<1x128x128xf32, #tpu.memory_space<vmem>> -> memref<128x128xf32, #tpu.memory_space<vmem>>
    %dma_wait3A_1166 = arith.constant 0 : i32
    %dma_wait3A_1167 = tpu.memref_slice %arg5[%add3A_1160, %dma_wait3A_1166] : memref<98304x128xf32, #tpu.memory_space<hbm>> -> memref<128x128xf32, #tpu.memory_space<hbm>>
    %dma_wait3A_1168 = arith.constant 0 : i32
    %dma_wait3A_1169 = tpu.memref_slice %arg5[%add3A_1160, %dma_wait3A_1168] : memref<98304x128xf32, #tpu.memory_space<hbm>> -> memref<128x128xf32, #tpu.memory_space<hbm>>
    %dma_wait3A_1170 = arith.constant 0 : i32
    %dma_wait3A_1171 = arith.constant 0 : i32
    %dma_wait3A_1172 = tpu.memref_slice %arg8[%dma_wait3A_1161, %dma_wait3A_1170, %dma_wait3A_1171] : memref<6x128x128xf32, #tpu.memory_space<vmem>> -> memref<1x128x128xf32, #tpu.memory_space<vmem>>
    %dma_wait3A_1173 = tpu.memref_squeeze %dma_wait3A_1172 : memref<1x128x128xf32, #tpu.memory_space<vmem>> -> memref<128x128xf32, #tpu.memory_space<vmem>>
    tpu.wait_dma2 semaphore(%arg17 : memref<!tpu.dma_semaphore, #tpu.memory_space<semaphore_mem>>) src(%dma_wait3A_1173 : memref<128x128xf32, #tpu.memory_space<vmem>>) dst(%dma_wait3A_1169 : memref<128x128xf32, #tpu.memory_space<hbm>>)
    %add3A_1174 = arith.constant 2688 : i32
    %add3A_1175 = arith.addi %mul3A_2, %add3A_1174 : i32
    %dma_wait3A_1176 = arith.constant 3 : i32
    %dma_wait3A_1177 = arith.constant 0 : i32
    %dma_wait3A_1178 = arith.constant 0 : i32
    %dma_wait3A_1179 = tpu.memref_slice %arg8[%dma_wait3A_1176, %dma_wait3A_1177, %dma_wait3A_1178] : memref<6x128x128xf32, #tpu.memory_space<vmem>> -> memref<1x128x128xf32, #tpu.memory_space<vmem>>
    %dma_wait3A_1180 = tpu.memref_squeeze %dma_wait3A_1179 : memref<1x128x128xf32, #tpu.memory_space<vmem>> -> memref<128x128xf32, #tpu.memory_space<vmem>>
    %dma_wait3A_1181 = arith.constant 0 : i32
    %dma_wait3A_1182 = tpu.memref_slice %arg5[%add3A_1175, %dma_wait3A_1181] : memref<98304x128xf32, #tpu.memory_space<hbm>> -> memref<128x128xf32, #tpu.memory_space<hbm>>
    %dma_wait3A_1183 = arith.constant 0 : i32
    %dma_wait3A_1184 = tpu.memref_slice %arg5[%add3A_1175, %dma_wait3A_1183] : memref<98304x128xf32, #tpu.memory_space<hbm>> -> memref<128x128xf32, #tpu.memory_space<hbm>>
    %dma_wait3A_1185 = arith.constant 0 : i32
    %dma_wait3A_1186 = arith.constant 0 : i32
    %dma_wait3A_1187 = tpu.memref_slice %arg8[%dma_wait3A_1176, %dma_wait3A_1185, %dma_wait3A_1186] : memref<6x128x128xf32, #tpu.memory_space<vmem>> -> memref<1x128x128xf32, #tpu.memory_space<vmem>>
    %dma_wait3A_1188 = tpu.memref_squeeze %dma_wait3A_1187 : memref<1x128x128xf32, #tpu.memory_space<vmem>> -> memref<128x128xf32, #tpu.memory_space<vmem>>
    tpu.wait_dma2 semaphore(%arg18 : memref<!tpu.dma_semaphore, #tpu.memory_space<semaphore_mem>>) src(%dma_wait3A_1188 : memref<128x128xf32, #tpu.memory_space<vmem>>) dst(%dma_wait3A_1184 : memref<128x128xf32, #tpu.memory_space<hbm>>)
    %add3A_1189 = arith.constant 2816 : i32
    %add3A_1190 = arith.addi %mul3A_2, %add3A_1189 : i32
    %dma_wait3A_1191 = arith.constant 4 : i32
    %dma_wait3A_1192 = arith.constant 0 : i32
    %dma_wait3A_1193 = arith.constant 0 : i32
    %dma_wait3A_1194 = tpu.memref_slice %arg8[%dma_wait3A_1191, %dma_wait3A_1192, %dma_wait3A_1193] : memref<6x128x128xf32, #tpu.memory_space<vmem>> -> memref<1x128x128xf32, #tpu.memory_space<vmem>>
    %dma_wait3A_1195 = tpu.memref_squeeze %dma_wait3A_1194 : memref<1x128x128xf32, #tpu.memory_space<vmem>> -> memref<128x128xf32, #tpu.memory_space<vmem>>
    %dma_wait3A_1196 = arith.constant 0 : i32
    %dma_wait3A_1197 = tpu.memref_slice %arg5[%add3A_1190, %dma_wait3A_1196] : memref<98304x128xf32, #tpu.memory_space<hbm>> -> memref<128x128xf32, #tpu.memory_space<hbm>>
    %dma_wait3A_1198 = arith.constant 0 : i32
    %dma_wait3A_1199 = tpu.memref_slice %arg5[%add3A_1190, %dma_wait3A_1198] : memref<98304x128xf32, #tpu.memory_space<hbm>> -> memref<128x128xf32, #tpu.memory_space<hbm>>
    %dma_wait3A_1200 = arith.constant 0 : i32
    %dma_wait3A_1201 = arith.constant 0 : i32
    %dma_wait3A_1202 = tpu.memref_slice %arg8[%dma_wait3A_1191, %dma_wait3A_1200, %dma_wait3A_1201] : memref<6x128x128xf32, #tpu.memory_space<vmem>> -> memref<1x128x128xf32, #tpu.memory_space<vmem>>
    %dma_wait3A_1203 = tpu.memref_squeeze %dma_wait3A_1202 : memref<1x128x128xf32, #tpu.memory_space<vmem>> -> memref<128x128xf32, #tpu.memory_space<vmem>>
    tpu.wait_dma2 semaphore(%arg19 : memref<!tpu.dma_semaphore, #tpu.memory_space<semaphore_mem>>) src(%dma_wait3A_1203 : memref<128x128xf32, #tpu.memory_space<vmem>>) dst(%dma_wait3A_1199 : memref<128x128xf32, #tpu.memory_space<hbm>>)
    %add3A_1204 = arith.constant 2944 : i32
    %add3A_1205 = arith.addi %mul3A_2, %add3A_1204 : i32
    %dma_wait3A_1206 = arith.constant 5 : i32
    %dma_wait3A_1207 = arith.constant 0 : i32
    %dma_wait3A_1208 = arith.constant 0 : i32
    %dma_wait3A_1209 = tpu.memref_slice %arg8[%dma_wait3A_1206, %dma_wait3A_1207, %dma_wait3A_1208] : memref<6x128x128xf32, #tpu.memory_space<vmem>> -> memref<1x128x128xf32, #tpu.memory_space<vmem>>
    %dma_wait3A_1210 = tpu.memref_squeeze %dma_wait3A_1209 : memref<1x128x128xf32, #tpu.memory_space<vmem>> -> memref<128x128xf32, #tpu.memory_space<vmem>>
    %dma_wait3A_1211 = arith.constant 0 : i32
    %dma_wait3A_1212 = tpu.memref_slice %arg5[%add3A_1205, %dma_wait3A_1211] : memref<98304x128xf32, #tpu.memory_space<hbm>> -> memref<128x128xf32, #tpu.memory_space<hbm>>
    %dma_wait3A_1213 = arith.constant 0 : i32
    %dma_wait3A_1214 = tpu.memref_slice %arg5[%add3A_1205, %dma_wait3A_1213] : memref<98304x128xf32, #tpu.memory_space<hbm>> -> memref<128x128xf32, #tpu.memory_space<hbm>>
    %dma_wait3A_1215 = arith.constant 0 : i32
    %dma_wait3A_1216 = arith.constant 0 : i32
    %dma_wait3A_1217 = tpu.memref_slice %arg8[%dma_wait3A_1206, %dma_wait3A_1215, %dma_wait3A_1216] : memref<6x128x128xf32, #tpu.memory_space<vmem>> -> memref<1x128x128xf32, #tpu.memory_space<vmem>>
    %dma_wait3A_1218 = tpu.memref_squeeze %dma_wait3A_1217 : memref<1x128x128xf32, #tpu.memory_space<vmem>> -> memref<128x128xf32, #tpu.memory_space<vmem>>
    tpu.wait_dma2 semaphore(%arg20 : memref<!tpu.dma_semaphore, #tpu.memory_space<semaphore_mem>>) src(%dma_wait3A_1218 : memref<128x128xf32, #tpu.memory_space<vmem>>) dst(%dma_wait3A_1214 : memref<128x128xf32, #tpu.memory_space<hbm>>)
    %dma_wait3A_1219 = arith.constant 0 : i32
    %dma_wait3A_1220 = tpu.memref_slice %arg4[%mul3A_4, %dma_wait3A_1219] : memref<4096x128xf32, #tpu.memory_space<hbm>> -> memref<128x128xf32, #tpu.memory_space<hbm>>
    %dma_wait3A_1221 = arith.constant 0 : i32
    %dma_wait3A_1222 = tpu.memref_slice %arg4[%mul3A_4, %dma_wait3A_1221] : memref<4096x128xf32, #tpu.memory_space<hbm>> -> memref<128x128xf32, #tpu.memory_space<hbm>>
    tpu.wait_dma2 semaphore(%arg22 : memref<!tpu.dma_semaphore, #tpu.memory_space<semaphore_mem>>) src(%arg7 : memref<128x128xf32, #tpu.memory_space<vmem>>) dst(%dma_wait3A_1222 : memref<128x128xf32, #tpu.memory_space<hbm>>)
    return
  }
}

module attributes {stable_mosaic.version = 14 : i64} {
  func.func @_tc_body(%arg0: i32, %arg1: memref<128x1xf32, #tpu.memory_space<vmem>>, %arg2: memref<3072x1xf32, #tpu.memory_space<vmem>>, %arg3: memref<128x128xf32, #tpu.memory_space<vmem>>, %arg4: memref<3072x128xf32, #tpu.memory_space<vmem>>, %arg5: memref<3072x16xf32, #tpu.memory_space<vmem>>, %arg6: memref<1x100xf32, #tpu.memory_space<vmem>>, %arg7: memref<1x100xf32, #tpu.memory_space<vmem>>, %arg8: memref<128x256xf32, #tpu.memory_space<vmem>>, %arg9: memref<100x256xf32, #tpu.memory_space<vmem>>, %arg10: memref<128x512xbf16, #tpu.memory_space<vmem>>, %arg11: memref<116x512xf32, #tpu.memory_space<vmem>>, %arg12: memref<256x228xf32, #tpu.memory_space<vmem>>, %arg13: memref<228x128xf32, #tpu.memory_space<vmem>>, %arg14: memref<128x128xf32, #tpu.memory_space<vmem>>, %arg15: memref<1x128xf32, #tpu.memory_space<vmem>>, %arg16: memref<128x128xf32, #tpu.memory_space<vmem>>, %arg17: memref<1x128xf32, #tpu.memory_space<vmem>>, %arg18: memref<128x128xf32, #tpu.memory_space<vmem>>) attributes {dimension_semantics = [#tpu.dimension_semantics<arbitrary>], iteration_bounds = array<i64: 32>, scalar_prefetch = 0 : i64, scratch_operands = 0 : i64, tpu.core_type = #tpu.core_type<tc>, window_params = [{transform_indices = @transform_0, window_bounds = array<i64: 128, 1>}, {transform_indices = @transform_1, window_bounds = array<i64: 3072, 1>}, {transform_indices = @transform_2, window_bounds = array<i64: 128, 128>}, {transform_indices = @transform_3, window_bounds = array<i64: 3072, 128>}, {transform_indices = @transform_4, window_bounds = array<i64: 3072, 16>}, {pipeline_mode = #tpu.pipeline_mode<synchronous>, transform_indices = @transform_5, window_bounds = array<i64: 1, 100>}, {pipeline_mode = #tpu.pipeline_mode<synchronous>, transform_indices = @transform_6, window_bounds = array<i64: 1, 100>}, {pipeline_mode = #tpu.pipeline_mode<synchronous>, transform_indices = @transform_7, window_bounds = array<i64: 128, 256>}, {pipeline_mode = #tpu.pipeline_mode<synchronous>, transform_indices = @transform_8, window_bounds = array<i64: 100, 256>}, {pipeline_mode = #tpu.pipeline_mode<synchronous>, transform_indices = @transform_9, window_bounds = array<i64: 128, 512>}, {pipeline_mode = #tpu.pipeline_mode<synchronous>, transform_indices = @transform_10, window_bounds = array<i64: 116, 512>}, {pipeline_mode = #tpu.pipeline_mode<synchronous>, transform_indices = @transform_11, window_bounds = array<i64: 256, 228>}, {pipeline_mode = #tpu.pipeline_mode<synchronous>, transform_indices = @transform_12, window_bounds = array<i64: 228, 128>}, {pipeline_mode = #tpu.pipeline_mode<synchronous>, transform_indices = @transform_13, window_bounds = array<i64: 128, 128>}, {pipeline_mode = #tpu.pipeline_mode<synchronous>, transform_indices = @transform_14, window_bounds = array<i64: 1, 128>}, {pipeline_mode = #tpu.pipeline_mode<synchronous>, transform_indices = @transform_15, window_bounds = array<i64: 128, 128>}, {pipeline_mode = #tpu.pipeline_mode<synchronous>, transform_indices = @transform_16, window_bounds = array<i64: 1, 128>}, {transform_indices = @transform_17, window_bounds = array<i64: 128, 128>}]} {
    %get3A = arith.constant 0 : index
    %get3A_0 = arith.constant 0 : index
    %get3A_1 = vector.load %arg3[%get3A, %get3A_0] : memref<128x128xf32, #tpu.memory_space<vmem>>, vector<128x128xf32>
    %get3A_2 = arith.constant 0 : index
    %get3A_3 = arith.constant 0 : index
    %get3A_4 = vector.load %arg4[%get3A_2, %get3A_3] : memref<3072x128xf32, #tpu.memory_space<vmem>>, vector<3072x128xf32>
    %convert_element_type3A = arith.truncf %get3A_4 : vector<3072x128xf32> to vector<3072x128xbf16>
    %get3A_5 = arith.constant 0 : index
    %get3A_6 = arith.constant 0 : index
    %get3A_7 = vector.load %arg5[%get3A_5, %get3A_6] : memref<3072x16xf32, #tpu.memory_space<vmem>>, vector<3072x16xf32>
    %get3A_8 = arith.constant 0 : index
    %get3A_9 = arith.constant 0 : index
    %get3A_10 = vector.load %arg1[%get3A_8, %get3A_9] : memref<128x1xf32, #tpu.memory_space<vmem>>, vector<128x1xf32>
    %reshape3A = vector.shape_cast %get3A_10 : vector<128x1xf32> to vector<128x1x1xf32>
    %get3A_11 = arith.constant 0 : index
    %get3A_12 = arith.constant 0 : index
    %get3A_13 = vector.load %arg2[%get3A_11, %get3A_12] : memref<3072x1xf32, #tpu.memory_space<vmem>>, vector<3072x1xf32>
    %reshape3A_14 = vector.shape_cast %get3A_13 : vector<3072x1xf32> to vector<128x24x1xf32>
    %sub3A = vector.broadcast %reshape3A : vector<128x1x1xf32> to vector<128x24x1xf32>
    %sub3A_15 = arith.subf %sub3A, %reshape3A_14 : vector<128x24x1xf32>
    %get3A_16 = arith.constant 0 : index
    %get3A_17 = arith.constant 0 : index
    %get3A_18 = vector.load %arg6[%get3A_16, %get3A_17] : memref<1x100xf32, #tpu.memory_space<vmem>>, vector<1x100xf32>
    %reshape3A_19 = vector.shape_cast %get3A_18 : vector<1x100xf32> to vector<1x1x100xf32>
    %get3A_20 = arith.constant 0 : index
    %get3A_21 = arith.constant 0 : index
    %get3A_22 = vector.load %arg7[%get3A_20, %get3A_21] : memref<1x100xf32, #tpu.memory_space<vmem>>, vector<1x100xf32>
    %reshape3A_23 = vector.shape_cast %get3A_22 : vector<1x100xf32> to vector<1x1x100xf32>
    %mul3A = vector.broadcast %sub3A_15 : vector<128x24x1xf32> to vector<128x24x100xf32>
    %mul3A_24 = vector.broadcast %reshape3A_19 : vector<1x1x100xf32> to vector<128x24x100xf32>
    %mul3A_25 = arith.mulf %mul3A, %mul3A_24 : vector<128x24x100xf32>
    %add3A = vector.broadcast %reshape3A_23 : vector<1x1x100xf32> to vector<128x24x100xf32>
    %add3A_26 = arith.addf %mul3A_25, %add3A : vector<128x24x100xf32>
    %mul3A_27 = arith.constant 0.159154937 : f32
    %mul3A_28 = vector.broadcast %mul3A_27 : f32 to vector<128x24x100xf32>
    %mul3A_29 = arith.mulf %add3A_26, %mul3A_28 : vector<128x24x100xf32>
    %add3A_30 = arith.constant 5.000000e-01 : f32
    %add3A_31 = vector.broadcast %add3A_30 : f32 to vector<128x24x100xf32>
    %add3A_32 = arith.addf %mul3A_29, %add3A_31 : vector<128x24x100xf32>
    %floor3A = math.floor %add3A_32 : vector<128x24x100xf32>
    %mul3A_33 = arith.constant 6.28318548 : f32
    %mul3A_34 = vector.broadcast %mul3A_33 : f32 to vector<128x24x100xf32>
    %mul3A_35 = arith.mulf %mul3A_34, %floor3A : vector<128x24x100xf32>
    %sub3A_36 = arith.subf %add3A_26, %mul3A_35 : vector<128x24x100xf32>
    %mul3A_37 = arith.mulf %sub3A_36, %sub3A_36 : vector<128x24x100xf32>
    %mul3A_38 = arith.constant -2.19729216E-7 : f32
    %mul3A_39 = vector.broadcast %mul3A_38 : f32 to vector<128x24x100xf32>
    %mul3A_40 = arith.mulf %mul3A_39, %mul3A_37 : vector<128x24x100xf32>
    %add3A_41 = arith.constant 2.42029328E-5 : f32
    %add3A_42 = vector.broadcast %add3A_41 : f32 to vector<128x24x100xf32>
    %add3A_43 = arith.addf %mul3A_40, %add3A_42 : vector<128x24x100xf32>
    %mul3A_44 = arith.mulf %add3A_43, %mul3A_37 : vector<128x24x100xf32>
    %add3A_45 = arith.constant -0.00138587889 : f32
    %add3A_46 = vector.broadcast %add3A_45 : f32 to vector<128x24x100xf32>
    %add3A_47 = arith.addf %mul3A_44, %add3A_46 : vector<128x24x100xf32>
    %mul3A_48 = arith.mulf %add3A_47, %mul3A_37 : vector<128x24x100xf32>
    %add3A_49 = arith.constant 0.0416597761 : f32
    %add3A_50 = vector.broadcast %add3A_49 : f32 to vector<128x24x100xf32>
    %add3A_51 = arith.addf %mul3A_48, %add3A_50 : vector<128x24x100xf32>
    %mul3A_52 = arith.mulf %add3A_51, %mul3A_37 : vector<128x24x100xf32>
    %add3A_53 = arith.constant -0.499994218 : f32
    %add3A_54 = vector.broadcast %add3A_53 : f32 to vector<128x24x100xf32>
    %add3A_55 = arith.addf %mul3A_52, %add3A_54 : vector<128x24x100xf32>
    %mul3A_56 = arith.mulf %add3A_55, %mul3A_37 : vector<128x24x100xf32>
    %add3A_57 = arith.constant 0.999999225 : f32
    %add3A_58 = vector.broadcast %add3A_57 : f32 to vector<128x24x100xf32>
    %add3A_59 = arith.addf %mul3A_56, %add3A_58 : vector<128x24x100xf32>
    %reshape3A_60 = vector.shape_cast %add3A_59 : vector<128x24x100xf32> to vector<3072x100xf32>
    %concatenate3A = tpu.concatenate %get3A_7, %reshape3A_60 in 1 : vector<3072x16xf32>, vector<3072x100xf32> -> vector<3072x116xf32>
    %get3A_61 = arith.constant 0 : index
    %get3A_62 = arith.constant 0 : index
    %get3A_63 = vector.load %arg10[%get3A_61, %get3A_62] : memref<128x512xbf16, #tpu.memory_space<vmem>>, vector<128x512xbf16>
    %dot_general3A = arith.constant dense<0.000000e+00> : vector<3072x512xf32>
    %dot_general3A_64 = tpu.matmul %convert_element_type3A, %get3A_63, %dot_general3A {dimension_numbers = #tpu.dot_dimension_numbers<[1], [0], [0], [1], [0, 0, 1, 1], [], []>, transpose_lhs_hint = false} : vector<3072x128xbf16>, vector<128x512xbf16>, vector<3072x512xf32> -> vector<3072x512xf32>
    %get3A_65 = arith.constant 0 : index
    %get3A_66 = arith.constant 0 : index
    %get3A_67 = vector.load %arg11[%get3A_65, %get3A_66] : memref<116x512xf32, #tpu.memory_space<vmem>>, vector<116x512xf32>
    %dot_general3A_68 = arith.constant dense<0.000000e+00> : vector<3072x512xf32>
    %dot_general3A_69 = tpu.matmul %concatenate3A, %get3A_67, %dot_general3A_68 {dimension_numbers = #tpu.dot_dimension_numbers<[1], [0], [0], [1], [0, 0, 1, 1], [], []>, transpose_lhs_hint = false} : vector<3072x116xf32>, vector<116x512xf32>, vector<3072x512xf32> -> vector<3072x512xf32>
    %add3A_70 = arith.addf %dot_general3A_64, %dot_general3A_69 : vector<3072x512xf32>
    %get3A_71 = arith.constant 0 : index
    %get3A_72 = arith.constant 0 : index
    %get3A_73 = vector.load %arg7[%get3A_71, %get3A_72] : memref<1x100xf32, #tpu.memory_space<vmem>>, vector<1x100xf32>
    %mul3A_74 = arith.constant 0.159154937 : f32
    %mul3A_75 = vector.broadcast %mul3A_74 : f32 to vector<1x100xf32>
    %mul3A_76 = arith.mulf %get3A_73, %mul3A_75 : vector<1x100xf32>
    %add3A_77 = arith.constant 5.000000e-01 : f32
    %add3A_78 = vector.broadcast %add3A_77 : f32 to vector<1x100xf32>
    %add3A_79 = arith.addf %mul3A_76, %add3A_78 : vector<1x100xf32>
    %floor3A_80 = math.floor %add3A_79 : vector<1x100xf32>
    %mul3A_81 = arith.constant 6.28318548 : f32
    %mul3A_82 = vector.broadcast %mul3A_81 : f32 to vector<1x100xf32>
    %mul3A_83 = arith.mulf %mul3A_82, %floor3A_80 : vector<1x100xf32>
    %sub3A_84 = arith.subf %get3A_73, %mul3A_83 : vector<1x100xf32>
    %mul3A_85 = arith.mulf %sub3A_84, %sub3A_84 : vector<1x100xf32>
    %mul3A_86 = arith.constant -2.19729216E-7 : f32
    %mul3A_87 = vector.broadcast %mul3A_86 : f32 to vector<1x100xf32>
    %mul3A_88 = arith.mulf %mul3A_87, %mul3A_85 : vector<1x100xf32>
    %add3A_89 = arith.constant 2.42029328E-5 : f32
    %add3A_90 = vector.broadcast %add3A_89 : f32 to vector<1x100xf32>
    %add3A_91 = arith.addf %mul3A_88, %add3A_90 : vector<1x100xf32>
    %mul3A_92 = arith.mulf %add3A_91, %mul3A_85 : vector<1x100xf32>
    %add3A_93 = arith.constant -0.00138587889 : f32
    %add3A_94 = vector.broadcast %add3A_93 : f32 to vector<1x100xf32>
    %add3A_95 = arith.addf %mul3A_92, %add3A_94 : vector<1x100xf32>
    %mul3A_96 = arith.mulf %add3A_95, %mul3A_85 : vector<1x100xf32>
    %add3A_97 = arith.constant 0.0416597761 : f32
    %add3A_98 = vector.broadcast %add3A_97 : f32 to vector<1x100xf32>
    %add3A_99 = arith.addf %mul3A_96, %add3A_98 : vector<1x100xf32>
    %mul3A_100 = arith.mulf %add3A_99, %mul3A_85 : vector<1x100xf32>
    %add3A_101 = arith.constant -0.499994218 : f32
    %add3A_102 = vector.broadcast %add3A_101 : f32 to vector<1x100xf32>
    %add3A_103 = arith.addf %mul3A_100, %add3A_102 : vector<1x100xf32>
    %mul3A_104 = arith.mulf %add3A_103, %mul3A_85 : vector<1x100xf32>
    %add3A_105 = arith.constant 0.999999225 : f32
    %add3A_106 = vector.broadcast %add3A_105 : f32 to vector<1x100xf32>
    %add3A_107 = arith.addf %mul3A_104, %add3A_106 : vector<1x100xf32>
    %get3A_108 = arith.constant 0 : index
    %get3A_109 = arith.constant 0 : index
    %get3A_110 = vector.load %arg8[%get3A_108, %get3A_109] : memref<128x256xf32, #tpu.memory_space<vmem>>, vector<128x256xf32>
    %dot_general3A_111 = arith.constant dense<0.000000e+00> : vector<128x256xf32>
    %dot_general3A_112 = tpu.matmul %get3A_1, %get3A_110, %dot_general3A_111 {dimension_numbers = #tpu.dot_dimension_numbers<[1], [0], [0], [1], [0, 0, 1, 1], [], []>, transpose_lhs_hint = false} : vector<128x128xf32>, vector<128x256xf32>, vector<128x256xf32> -> vector<128x256xf32>
    %get3A_113 = arith.constant 0 : index
    %get3A_114 = arith.constant 0 : index
    %get3A_115 = vector.load %arg9[%get3A_113, %get3A_114] : memref<100x256xf32, #tpu.memory_space<vmem>>, vector<100x256xf32>
    %dot_general3A_116 = arith.constant dense<0.000000e+00> : vector<1x256xf32>
    %dot_general3A_117 = tpu.matmul %add3A_107, %get3A_115, %dot_general3A_116 {dimension_numbers = #tpu.dot_dimension_numbers<[1], [0], [0], [1], [0, 0, 1, 1], [], []>, transpose_lhs_hint = false} : vector<1x100xf32>, vector<100x256xf32>, vector<1x256xf32> -> vector<1x256xf32>
    %add3A_118 = vector.broadcast %dot_general3A_117 : vector<1x256xf32> to vector<128x256xf32>
    %add3A_119 = arith.addf %dot_general3A_112, %add3A_118 : vector<128x256xf32>
    %reshape3A_120 = vector.shape_cast %add3A_70 : vector<3072x512xf32> to vector<128x24x512xf32>
    %iota3A = tpu.iota {dimensions = array<i32: 1>} : vector<128x24x1xi32>
    %lt3A = arith.constant 20 : i32
    %lt3A_121 = vector.broadcast %lt3A : i32 to vector<128x24x1xi32>
    %lt3A_122 = arith.cmpi slt, %iota3A, %lt3A_121 : vector<128x24x1xi32>
    %slice3A = vector.extract_strided_slice %add3A_119 {offsets = [0, 0], sizes = [128, 128], strides = [1, 1]} : vector<128x256xf32> to vector<128x128xf32>
    %slice3A_123 = vector.extract_strided_slice %reshape3A_120 {offsets = [0, 0, 0], sizes = [128, 24, 128], strides = [1, 1, 1]} : vector<128x24x512xf32> to vector<128x24x128xf32>
    %slice3A_124 = vector.extract_strided_slice %reshape3A_120 {offsets = [0, 0, 256], sizes = [128, 24, 128], strides = [1, 1, 1]} : vector<128x24x512xf32> to vector<128x24x128xf32>
    %broadcast_in_dim3A = vector.shape_cast %slice3A : vector<128x128xf32> to vector<128x1x128xf32>
    %mul3A_125 = vector.broadcast %broadcast_in_dim3A : vector<128x1x128xf32> to vector<128x24x128xf32>
    %mul3A_126 = arith.mulf %slice3A_123, %mul3A_125 : vector<128x24x128xf32>
    %reduce_sum3A = arith.constant dense<0.000000e+00> : vector<128x24xf32>
    %reduce_sum3A_127 = vector.multi_reduction <add>, %mul3A_126, %reduce_sum3A [2] : vector<128x24x128xf32> to vector<128x24xf32>
    %broadcast_in_dim3A_128 = vector.shape_cast %reduce_sum3A_127 : vector<128x24xf32> to vector<128x24x1xf32>
    %mul3A_129 = arith.constant 0.0936585814 : f32
    %mul3A_130 = vector.broadcast %mul3A_129 : f32 to vector<128x24x1xf32>
    %mul3A_131 = arith.mulf %broadcast_in_dim3A_128, %mul3A_130 : vector<128x24x1xf32>
    %jit3A = arith.constant -1.000000e+30 : f32
    %broadcast_in_dim3A_132 = vector.broadcast %jit3A : f32 to vector<128x24x1xf32>
    %select_n3A = arith.select %lt3A_122, %mul3A_131, %broadcast_in_dim3A_132 : vector<128x24x1xi1>, vector<128x24x1xf32>
    %reduce_max3A = arith.constant dense<0xFF800000> : vector<128x1xf32>
    %reduce_max3A_133 = vector.multi_reduction <maximumf>, %select_n3A, %reduce_max3A [1] : vector<128x24x1xf32> to vector<128x1xf32>
    %broadcast_in_dim3A_134 = vector.shape_cast %reduce_max3A_133 : vector<128x1xf32> to vector<128x1x1xf32>
    %sub3A_135 = vector.broadcast %broadcast_in_dim3A_134 : vector<128x1x1xf32> to vector<128x24x1xf32>
    %sub3A_136 = arith.subf %select_n3A, %sub3A_135 : vector<128x24x1xf32>
    %exp3A = math.exp %sub3A_136 : vector<128x24x1xf32>
    %reduce_sum3A_137 = arith.constant dense<0.000000e+00> : vector<128x1xf32>
    %reduce_sum3A_138 = vector.multi_reduction <add>, %exp3A, %reduce_sum3A_137 [1] : vector<128x24x1xf32> to vector<128x1xf32>
    %broadcast_in_dim3A_139 = vector.shape_cast %reduce_sum3A_138 : vector<128x1xf32> to vector<128x1x1xf32>
    %div3A = vector.broadcast %broadcast_in_dim3A_139 : vector<128x1x1xf32> to vector<128x24x1xf32>
    %div3A_140 = arith.divf %exp3A, %div3A : vector<128x24x1xf32>
    %mul3A_141 = vector.broadcast %div3A_140 : vector<128x24x1xf32> to vector<128x24x128xf32>
    %mul3A_142 = arith.mulf %mul3A_141, %slice3A_124 : vector<128x24x128xf32>
    %reduce_sum3A_143 = arith.constant dense<0.000000e+00> : vector<128x128xf32>
    %reduce_sum3A_144 = vector.multi_reduction <add>, %mul3A_142, %reduce_sum3A_143 [1] : vector<128x24x128xf32> to vector<128x128xf32>
    %slice3A_145 = vector.extract_strided_slice %add3A_119 {offsets = [0, 128], sizes = [128, 128], strides = [1, 1]} : vector<128x256xf32> to vector<128x128xf32>
    %slice3A_146 = vector.extract_strided_slice %reshape3A_120 {offsets = [0, 0, 128], sizes = [128, 24, 128], strides = [1, 1, 1]} : vector<128x24x512xf32> to vector<128x24x128xf32>
    %slice3A_147 = vector.extract_strided_slice %reshape3A_120 {offsets = [0, 0, 384], sizes = [128, 24, 128], strides = [1, 1, 1]} : vector<128x24x512xf32> to vector<128x24x128xf32>
    %broadcast_in_dim3A_148 = vector.shape_cast %slice3A_145 : vector<128x128xf32> to vector<128x1x128xf32>
    %mul3A_149 = vector.broadcast %broadcast_in_dim3A_148 : vector<128x1x128xf32> to vector<128x24x128xf32>
    %mul3A_150 = arith.mulf %slice3A_146, %mul3A_149 : vector<128x24x128xf32>
    %reduce_sum3A_151 = arith.constant dense<0.000000e+00> : vector<128x24xf32>
    %reduce_sum3A_152 = vector.multi_reduction <add>, %mul3A_150, %reduce_sum3A_151 [2] : vector<128x24x128xf32> to vector<128x24xf32>
    %broadcast_in_dim3A_153 = vector.shape_cast %reduce_sum3A_152 : vector<128x24xf32> to vector<128x24x1xf32>
    %mul3A_154 = arith.constant 0.0936585814 : f32
    %mul3A_155 = vector.broadcast %mul3A_154 : f32 to vector<128x24x1xf32>
    %mul3A_156 = arith.mulf %broadcast_in_dim3A_153, %mul3A_155 : vector<128x24x1xf32>
    %jit3A_157 = arith.constant -1.000000e+30 : f32
    %broadcast_in_dim3A_158 = vector.broadcast %jit3A_157 : f32 to vector<128x24x1xf32>
    %select_n3A_159 = arith.select %lt3A_122, %mul3A_156, %broadcast_in_dim3A_158 : vector<128x24x1xi1>, vector<128x24x1xf32>
    %reduce_max3A_160 = arith.constant dense<0xFF800000> : vector<128x1xf32>
    %reduce_max3A_161 = vector.multi_reduction <maximumf>, %select_n3A_159, %reduce_max3A_160 [1] : vector<128x24x1xf32> to vector<128x1xf32>
    %broadcast_in_dim3A_162 = vector.shape_cast %reduce_max3A_161 : vector<128x1xf32> to vector<128x1x1xf32>
    %sub3A_163 = vector.broadcast %broadcast_in_dim3A_162 : vector<128x1x1xf32> to vector<128x24x1xf32>
    %sub3A_164 = arith.subf %select_n3A_159, %sub3A_163 : vector<128x24x1xf32>
    %exp3A_165 = math.exp %sub3A_164 : vector<128x24x1xf32>
    %reduce_sum3A_166 = arith.constant dense<0.000000e+00> : vector<128x1xf32>
    %reduce_sum3A_167 = vector.multi_reduction <add>, %exp3A_165, %reduce_sum3A_166 [1] : vector<128x24x1xf32> to vector<128x1xf32>
    %broadcast_in_dim3A_168 = vector.shape_cast %reduce_sum3A_167 : vector<128x1xf32> to vector<128x1x1xf32>
    %div3A_169 = vector.broadcast %broadcast_in_dim3A_168 : vector<128x1x1xf32> to vector<128x24x1xf32>
    %div3A_170 = arith.divf %exp3A_165, %div3A_169 : vector<128x24x1xf32>
    %mul3A_171 = vector.broadcast %div3A_170 : vector<128x24x1xf32> to vector<128x24x128xf32>
    %mul3A_172 = arith.mulf %mul3A_171, %slice3A_147 : vector<128x24x128xf32>
    %reduce_sum3A_173 = arith.constant dense<0.000000e+00> : vector<128x128xf32>
    %reduce_sum3A_174 = vector.multi_reduction <add>, %mul3A_172, %reduce_sum3A_173 [1] : vector<128x24x128xf32> to vector<128x128xf32>
    %concatenate3A_175 = tpu.concatenate %reduce_sum3A_144, %reduce_sum3A_174 in 1 : vector<128x128xf32>, vector<128x128xf32> -> vector<128x256xf32>
    %get3A_176 = arith.constant 0 : index
    %get3A_177 = arith.constant 0 : index
    %get3A_178 = vector.load %arg12[%get3A_176, %get3A_177] : memref<256x228xf32, #tpu.memory_space<vmem>>, vector<256x228xf32>
    %dot_general3A_179 = arith.constant dense<0.000000e+00> : vector<128x228xf32>
    %dot_general3A_180 = tpu.matmul %concatenate3A_175, %get3A_178, %dot_general3A_179 {dimension_numbers = #tpu.dot_dimension_numbers<[1], [0], [0], [1], [0, 0, 1, 1], [], []>, transpose_lhs_hint = false} : vector<128x256xf32>, vector<256x228xf32>, vector<128x228xf32> -> vector<128x228xf32>
    %get3A_181 = arith.constant 0 : index
    %get3A_182 = arith.constant 0 : index
    %get3A_183 = vector.load %arg13[%get3A_181, %get3A_182] : memref<228x128xf32, #tpu.memory_space<vmem>>, vector<228x128xf32>
    %dot_general3A_184 = arith.constant dense<0.000000e+00> : vector<128x128xf32>
    %dot_general3A_185 = tpu.matmul %dot_general3A_180, %get3A_183, %dot_general3A_184 {dimension_numbers = #tpu.dot_dimension_numbers<[1], [0], [0], [1], [0, 0, 1, 1], [], []>, transpose_lhs_hint = false} : vector<128x228xf32>, vector<228x128xf32>, vector<128x128xf32> -> vector<128x128xf32>
    %get3A_186 = arith.constant 0 : index
    %get3A_187 = arith.constant 0 : index
    %get3A_188 = vector.load %arg14[%get3A_186, %get3A_187] : memref<128x128xf32, #tpu.memory_space<vmem>>, vector<128x128xf32>
    %dot_general3A_189 = arith.constant dense<0.000000e+00> : vector<128x128xf32>
    %dot_general3A_190 = tpu.matmul %get3A_1, %get3A_188, %dot_general3A_189 {dimension_numbers = #tpu.dot_dimension_numbers<[1], [0], [0], [1], [0, 0, 1, 1], [], []>, transpose_lhs_hint = false} : vector<128x128xf32>, vector<128x128xf32>, vector<128x128xf32> -> vector<128x128xf32>
    %add3A_191 = arith.addf %dot_general3A_185, %dot_general3A_190 : vector<128x128xf32>
    %get3A_192 = arith.constant 0 : index
    %get3A_193 = arith.constant 0 : index
    %get3A_194 = vector.load %arg15[%get3A_192, %get3A_193] : memref<1x128xf32, #tpu.memory_space<vmem>>, vector<1x128xf32>
    %add3A_195 = vector.broadcast %get3A_194 : vector<1x128xf32> to vector<128x128xf32>
    %add3A_196 = arith.addf %add3A_191, %add3A_195 : vector<128x128xf32>
    %max3A = arith.constant 0.000000e+00 : f32
    %max3A_197 = vector.broadcast %max3A : f32 to vector<128x128xf32>
    %max3A_198 = arith.maximumf %add3A_196, %max3A_197 : vector<128x128xf32>
    %get3A_199 = arith.constant 0 : index
    %get3A_200 = arith.constant 0 : index
    %get3A_201 = vector.load %arg16[%get3A_199, %get3A_200] : memref<128x128xf32, #tpu.memory_space<vmem>>, vector<128x128xf32>
    %dot_general3A_202 = arith.constant dense<0.000000e+00> : vector<128x128xf32>
    %dot_general3A_203 = tpu.matmul %max3A_198, %get3A_201, %dot_general3A_202 {dimension_numbers = #tpu.dot_dimension_numbers<[1], [0], [0], [1], [0, 0, 1, 1], [], []>, transpose_lhs_hint = false} : vector<128x128xf32>, vector<128x128xf32>, vector<128x128xf32> -> vector<128x128xf32>
    %get3A_204 = arith.constant 0 : index
    %get3A_205 = arith.constant 0 : index
    %get3A_206 = vector.load %arg17[%get3A_204, %get3A_205] : memref<1x128xf32, #tpu.memory_space<vmem>>, vector<1x128xf32>
    %add3A_207 = vector.broadcast %get3A_206 : vector<1x128xf32> to vector<128x128xf32>
    %add3A_208 = arith.addf %dot_general3A_203, %add3A_207 : vector<128x128xf32>
    %swap3A = arith.constant 0 : index
    %swap3A_209 = arith.constant 0 : index
    %swap3A_210 = vector.load %arg18[%swap3A, %swap3A_209] : memref<128x128xf32, #tpu.memory_space<vmem>>, vector<128x128xf32>
    tpu.vector_store %arg18[%swap3A, %swap3A_209], %add3A_208 {strides = array<i32>} : memref<128x128xf32, #tpu.memory_space<vmem>>, vector<128x128xf32>,
    return
  }
  func.func @transform_0(%arg0: i32) -> (i32, i32) {
    %c0_i32 = arith.constant 0 : i32
    %c0_i32_0 = arith.constant 0 : i32
    return %arg0, %c0_i32 : i32, i32
  }
  func.func @transform_1(%arg0: i32) -> (i32, i32) {
    %c0_i32 = arith.constant 0 : i32
    %c0_i32_0 = arith.constant 0 : i32
    return %arg0, %c0_i32 : i32, i32
  }
  func.func @transform_2(%arg0: i32) -> (i32, i32) {
    %c0_i32 = arith.constant 0 : i32
    %c0_i32_0 = arith.constant 0 : i32
    return %arg0, %c0_i32 : i32, i32
  }
  func.func @transform_3(%arg0: i32) -> (i32, i32) {
    %c0_i32 = arith.constant 0 : i32
    %c0_i32_0 = arith.constant 0 : i32
    return %arg0, %c0_i32 : i32, i32
  }
  func.func @transform_4(%arg0: i32) -> (i32, i32) {
    %c0_i32 = arith.constant 0 : i32
    %c0_i32_0 = arith.constant 0 : i32
    return %arg0, %c0_i32 : i32, i32
  }
  func.func @transform_5(%arg0: i32) -> (i32, i32) {
    %c0_i32 = arith.constant 0 : i32
    %c0_i32_0 = arith.constant 0 : i32
    %c0_i32_1 = arith.constant 0 : i32
    return %c0_i32, %c0_i32_0 : i32, i32
  }
  func.func @transform_6(%arg0: i32) -> (i32, i32) {
    %c0_i32 = arith.constant 0 : i32
    %c0_i32_0 = arith.constant 0 : i32
    %c0_i32_1 = arith.constant 0 : i32
    return %c0_i32, %c0_i32_0 : i32, i32
  }
  func.func @transform_7(%arg0: i32) -> (i32, i32) {
    %c0_i32 = arith.constant 0 : i32
    %c0_i32_0 = arith.constant 0 : i32
    %c0_i32_1 = arith.constant 0 : i32
    return %c0_i32, %c0_i32_0 : i32, i32
  }
  func.func @transform_8(%arg0: i32) -> (i32, i32) {
    %c0_i32 = arith.constant 0 : i32
    %c0_i32_0 = arith.constant 0 : i32
    %c0_i32_1 = arith.constant 0 : i32
    return %c0_i32, %c0_i32_0 : i32, i32
  }
  func.func @transform_9(%arg0: i32) -> (i32, i32) {
    %c0_i32 = arith.constant 0 : i32
    %c0_i32_0 = arith.constant 0 : i32
    %c0_i32_1 = arith.constant 0 : i32
    return %c0_i32, %c0_i32_0 : i32, i32
  }
  func.func @transform_10(%arg0: i32) -> (i32, i32) {
    %c0_i32 = arith.constant 0 : i32
    %c0_i32_0 = arith.constant 0 : i32
    %c0_i32_1 = arith.constant 0 : i32
    return %c0_i32, %c0_i32_0 : i32, i32
  }
  func.func @transform_11(%arg0: i32) -> (i32, i32) {
    %c0_i32 = arith.constant 0 : i32
    %c0_i32_0 = arith.constant 0 : i32
    %c0_i32_1 = arith.constant 0 : i32
    return %c0_i32, %c0_i32_0 : i32, i32
  }
  func.func @transform_12(%arg0: i32) -> (i32, i32) {
    %c0_i32 = arith.constant 0 : i32
    %c0_i32_0 = arith.constant 0 : i32
    %c0_i32_1 = arith.constant 0 : i32
    return %c0_i32, %c0_i32_0 : i32, i32
  }
  func.func @transform_13(%arg0: i32) -> (i32, i32) {
    %c0_i32 = arith.constant 0 : i32
    %c0_i32_0 = arith.constant 0 : i32
    %c0_i32_1 = arith.constant 0 : i32
    return %c0_i32, %c0_i32_0 : i32, i32
  }
  func.func @transform_14(%arg0: i32) -> (i32, i32) {
    %c0_i32 = arith.constant 0 : i32
    %c0_i32_0 = arith.constant 0 : i32
    %c0_i32_1 = arith.constant 0 : i32
    return %c0_i32, %c0_i32_0 : i32, i32
  }
  func.func @transform_15(%arg0: i32) -> (i32, i32) {
    %c0_i32 = arith.constant 0 : i32
    %c0_i32_0 = arith.constant 0 : i32
    %c0_i32_1 = arith.constant 0 : i32
    return %c0_i32, %c0_i32_0 : i32, i32
  }
  func.func @transform_16(%arg0: i32) -> (i32, i32) {
    %c0_i32 = arith.constant 0 : i32
    %c0_i32_0 = arith.constant 0 : i32
    %c0_i32_1 = arith.constant 0 : i32
    return %c0_i32, %c0_i32_0 : i32, i32
  }
  func.func @transform_17(%arg0: i32) -> (i32, i32) {
    %c0_i32 = arith.constant 0 : i32
    %c0_i32_0 = arith.constant 0 : i32
    return %arg0, %c0_i32 : i32, i32
  }
}

</mosaic_0001>

<sc_bundles>
// kernel: kernel.4.cloned.1.call-start
scs
__scs_entry_jumppad:
0x0: {  	(pc) =	sbr.rel $0x88, $3  }
0x1: {  	(tag) =	ssettag $0x0;
	lr =	simm.s32 $0x1  }
0x2: {  	[smem:$0x3F91] =	sst lr;
	_ =	strace $0xD0000000  }
0x3: {  	_ = 	snop  }
0x4: {  	_ = 	snop  }
0x5: {  	_ = 	snop  }
0x6: {  	_ = 	snop  }
0x7: {  	_ = 	snop  }
__scs_overlays_trampoline_lowered:
0x8: {  	[smem:$0x3FA0] =	sst s0  }
0x9: {  	[smem:$0x3FA1] =	sst s1  }
0xa: {  	[smem:$0x3FA2] =	sst s2  }
0xb: {  	[smem:$0x3FA3] =	sst s3  }
0xc: {  	[smem:$0x3FA4] =	sst s4  }
0xd: {  	[smem:$0x3FA5] =	sst s5  }
0xe: {  	[smem:$0x3FA6] =	sst s6  }
0xf: {  	[smem:$0x3FA7] =	sst s7  }
0x10: {  	[smem:$0x3FA8] =	sst s8  }
0x11: {  	[smem:$0x3FA9] =	sst s9;
	s0 =	simm.s32 @!p0 $0x0  }
0x12: {  	s1 =	sld [smem:$0x3F8F];
	s0 =	simm.s32 @p0 $0x1  }
0x13: {  	[smem:$0x3FAA] =	sst s0;
	s0 =	simm.s32 @!p1 $0x0  }
0x14: {  	s2 =	sld [smem:$0x3F8E];
	s0 =	simm.s32 @p1 $0x1  }
0x15: {  	[smem:$0x3FAB] =	sst s0;
	s0 =	simm.s32 @!p2 $0x0  }
0x16: {  	s3 =	sld [smem:$0x3FDB];
	s0 =	simm.s32 @p2 $0x1  }
0x17: {  	s4 =	simm.s32 $0x1BF5;
	[smem:$0x3FAD] =	sst s0  }
0x18: {  	s0 =	sld [smem:$0x3F90];
	_ =	swait.ge [sflag:s4], $0x0  }
0x19: {  	s7 =	sld [smem:$0x3F91]  }
0x1a: {  	s8 =	sadd.s32 $0xFFFFE003, lr  }
0x1b: {  	s9 =	sadd.s32 $0xFFFFFEF7, lr;
	s5 =	simm.s32 $0xFFFFFFFF;
	p2 =	slt.u32 s8, $0xFFFFF086  }
0x1c: {  	p1 =	slt.u32 s9, $0xF7A;
	s5 =	simm.s32 @!p2 $0x0  }
0x1d: {  	s5 =	simm.s32 @p1 $0x1;
	p0 =	seq.s32 s7, s2  }
0x1e: {  	s7 =	smul.u32 @!p0 $0xF7A, s2;
	p2 =	seq.s32 @!p0 s5, $0x0  }
0x1f: {  	s9 =	smul.u32 $0xF7A, s1;
	s8 =	simm.s32 @!p0 $0x1BF5;
	p2 =	por !p2, p0  }
0x20: {  	[sflag:s8] =	ssyncset.s32 @!p0 $0xFFFFF086;
	s6 =	sadd.s32 @!p0 s3, s7;
	s7 =	simm.s32 @!p0 $0x108  }
0x21: {  	s3 =	sadd.s32 s3, s9;
	s6 =	sadd.s32 @!p0 $0x88, s6;
	s7 =	simm.s32 @p2 $0x1082  }
0x22: {  	[simem:s7], [sflag:s8] =	dma.local @!p0 [hbm:s6], $0xF7A  }
0x23: {  	s9 =	sor.u32 $0xD0000000, s2;
	s6 =	simm.s32 $0x108;
	_ =	swait.ge @!p0 [sflag:s8], $0x0  }
0x24: {  	s3 =	sadd.s32 $0x88, s3;
	s6 =	simm.s32 @!p1 $0x1082;
	[sflag:s4] =	ssyncset.s32 $0xFFFFF086  }
0x25: {  	[simem:s6], [sflag:s4] =	dma.local [hbm:s3], $0xF7A  }
0x26: {  	[smem:$0x3F91] =	sst s1;
	(tag) =	ssettag s2;
	_ =	strace s9  }
0x27: {  	s1 =	sld [smem:$0x3FA1]  }
0x28: {  	s2 =	sld [smem:$0x3FA2]  }
0x29: {  	s4 =	sld [smem:$0x3FA4]  }
0x2a: {  	p0 =	seq.s32 s5, $0x0;
	s5 =	sld [smem:$0x3FA5]  }
0x2b: {  	s6 =	sld [smem:$0x3FA6]  }
0x2c: {  	s7 =	sld [smem:$0x3FA7]  }
0x2d: {  	s3 =	simm.s32 $0x108;
	s8 =	sld [smem:$0x3FA8]  }
0x2e: {  	s3 =	simm.s32 @!p0 $0x1082;
	s9 =	sld [smem:$0x3FA9]  }
0x2f: {  	lr =	sadd.s32 s0, s3;
	s0 =	sld [smem:$0x3FA0]  }
0x30: {  	s3 =	sld [smem:$0x3FA3]  }
0x31: {  	[smem:$0x3FAC] =	sst s10  }
0x32: {  	s10 =	sld [smem:$0x3FAA];
	_ =	sdelay $0x3  }
0x33: {  	p0 =	seq.s32 s10, $0x1;
	s10 =	sld [smem:$0x3FAC];
	_ =	sdelay $0x3  }
0x34: {  	[smem:$0x3FAC] =	sst s10  }
0x35: {  	s10 =	sld [smem:$0x3FAB];
	_ =	sdelay $0x3  }
0x36: {  	p1 =	seq.s32 s10, $0x1;
	s10 =	sld [smem:$0x3FAC];
	_ =	sdelay $0x3  }
0x37: {  	[smem:$0x3FAC] =	sst s10  }
0x38: {  	s10 =	sld [smem:$0x3FAD]  }
0x39: {  	_ = 	snop;
	(pc) =	sbr.ind lr, $3  }
0x3a: {  	_ = 	snop  }
0x3b: {  	_ = 	snop  }
0x3c: {  	p2 =	seq.s32 s10, $0x1;
	s10 =	sld [smem:$0x3FAC]  }
0x3d: {  	_ =	shalt  }
0x3e: {  	_ =	shalt  }
0x3f: {  	_ =	shalt  }
0x40: {  	_ =	shalt  }
0x41: {  	_ =	shalt  }
0x42: {  	_ =	shalt  }
0x43: {  	_ =	shalt  }
0x44: {  	_ =	shalt  }
0x45: {  	_ =	shalt  }
0x46: {  	_ =	shalt  }
0x47: {  	_ =	shalt  }
0x48: {  	_ =	shalt  }
0x49: {  	_ =	shalt  }
0x4a: {  	_ =	shalt  }
0x4b: {  	_ =	shalt  }
0x4c: {  	_ =	shalt  }
0x4d: {  	_ =	shalt  }
0x4e: {  	_ =	shalt  }
0x4f: {  	_ =	shalt  }
0x50: {  	_ =	shalt  }
0x51: {  	_ =	shalt  }
0x52: {  	_ =	shalt  }
0x53: {  	_ =	shalt  }
0x54: {  	_ =	shalt  }
0x55: {  	_ =	shalt  }
0x56: {  	_ =	shalt  }
0x57: {  	_ =	shalt  }
0x58: {  	_ =	shalt  }
0x59: {  	_ =	shalt  }
0x5a: {  	_ =	shalt  }
0x5b: {  	_ =	shalt  }
0x5c: {  	_ =	shalt  }
0x5d: {  	_ =	shalt  }
0x5e: {  	_ =	shalt  }
0x5f: {  	_ =	shalt  }
0x60: {  	_ =	shalt  }
0x61: {  	_ =	shalt  }
0x62: {  	_ =	shalt  }
0x63: {  	_ =	shalt  }
0x64: {  	_ =	shalt  }
0x65: {  	_ =	shalt  }
0x66: {  	_ =	shalt  }
0x67: {  	_ =	shalt  }
0x68: {  	_ =	shalt  }
0x69: {  	_ =	shalt  }
0x6a: {  	_ =	shalt  }
0x6b: {  	_ =	shalt  }
0x6c: {  	_ =	shalt  }
0x6d: {  	_ =	shalt  }
0x6e: {  	_ =	shalt  }
0x6f: {  	_ =	shalt  }
0x70: {  	_ =	shalt  }
0x71: {  	_ =	shalt  }
0x72: {  	_ =	shalt  }
0x73: {  	_ =	shalt  }
0x74: {  	_ =	shalt  }
0x75: {  	_ =	shalt  }
0x76: {  	_ =	shalt  }
0x77: {  	_ =	shalt  }
0x78: {  	_ =	shalt  }
0x79: {  	_ =	shalt  }
0x7a: {  	_ =	shalt  }
0x7b: {  	_ =	shalt  }
0x7c: {  	_ =	shalt  }
0x7d: {  	_ =	shalt  }
0x7e: {  	_ =	shalt  }
0x7f: {  	_ =	shalt  }
0x80: {  	_ =	shalt  }
0x81: {  	_ =	shalt  }
0x82: {  	_ =	shalt  }
0x83: {  	_ =	shalt  }
0x84: {  	_ =	shalt  }
0x85: {  	_ =	shalt  }
0x86: {  	_ =	shalt  }
0x87: {  	_ =	shalt  }
.Lfunc_end0:
.L_simem_size_0:
called_computation_lowered:
.L_overlay_start_0:
0x88: {  	s2 =	sld [smem:$0x3FD9]  }
0x89: {  	s3 =	sld [smem:$0x3FFE];
	_ =	sdelay $0x1  }
0x8a: {  	s1 =	srdreg.scid  }
0x8b: {  	s0 =	sand.u32 $0x1, s1  }
0x8c: {  	s17 =	sshll.u32 s0, $0xA;
	s2 =	sadd.s32 s3, s2  }
0x8d: {  	s2 =	sadd.s32 s2, s17  }
0x8e: {  	[smem:$0x3FB8] =	sst s2  }
0x8f: {  	_ = 	snop  }
0x90: {  	s2 =	sld [smem:$0x3FC9]  }
0x91: {  	s18 =	sld [smem:$0x3FD0];
	(tm) =	ssettm $0x1  }
0x92: {  	s4 =	sld [smem:$0x3FFB];
	_ =	sdelay $0x3  }
0x93: {  	_ =	strace s4  }
0x94: {  	s4 =	sld [smem:$0x3FFC];
	_ =	sdelay $0x3  }
0x95: {  	_ =	strace s4  }
0x96: {  	s4 =	sld [smem:$0x3FFD];
	_ =	sdelay $0x3  }
0x97: {  	_ =	strace s4  }
0x98: {  	_ =	strace $0x8FFFFFFF  }
0x99: {  	s19 =	sld [smem:$0x3FDB];
	_ =	sdelay $0x1  }
0x9a: {  	s5 =	simm.s32 $_scs_section_size  }
0x9b: {  	s6 =	simm.s32 $_size__tile_overlayer_lowered;
	s7 =	simm.s32 $_tile_overlayer_lowered  }
0x9c: {  	s22 =	simm.s32 $0x1BFF;
	s21 =	sshll.u32 s7, $0x1;
	s4 =	sadd.s32 s5, s19  }
0x9d: {  	s8 =	simm.s32 $0x0;
	s20 =	sshll.u32 s6, $0x1;
	s6 =	sadd.s32 s21, s4  }
0x9e: {  	[timem:s8], [sflag:s22] =	dma.local [hbm:s6], s20  }
0x9f: {  	_ =	swait.ge [sflag:s22], s20  }
0xa0: {  	s5 =	ssub.s32 $0x0, s20;
	[sflag:s22] =	ssyncset.done $0x0  }
0xa1: {  	[sflag:s22] =	ssyncadd.s32 s5;
	_ =	sdelay $0x1  }
0xa2: {  	s23 =	simm.s32 $0x1B8B  }
0xa3: {  	_ =	swait.ge [sflag:s23], $0x1  }
0xa4: {  	[sflag:s23] =	ssyncset.done $0x0  }
0xa5: {  	s25 =	simm.s32 $0x1B8E;
	s24 =	sld [smem:$0x3FFE];
	[sflag:s23] =	ssyncadd.s32 $0xFFFFFFFF  }
0xa6: {  	s26 =	simm.s32 $execute0_lowered;
	[smem:$0x3FD2] =	sst s25  }
0xa7: {  	s6 =	sshll.u32 s26, $0x1;
	_ =	strace $0x80000046;
	[dreg:$0x1] =	wrdreg $0xFFFFFFFF  }
0xa8: {  	s28 =	simm.s32 $_size_execute0_lowered;
	s4 =	sadd.s32 s4, s6;
	[dreg:$0x0] =	wrdreg $0x0  }
0xa9: {  	s6 =	sshll.u32 s28, $0x1;
	[dreg:$0x2] =	wrdreg s4  }
0xaa: {  	[dreg:$0x3] =	wrdreg s6  }
0xab: {  	[dreg:$0x4] =	wrdreg $0xC0  }
0xac: {  	_ =	task [dreg:s8], $0x5FFFF  }
0xad: {  	[dreg:$0x1] =	wrdreg $0xFFFFFFFF  }
0xae: {  	[dreg:$0x0] =	wrdreg $0x60  }
0xaf: {  	[dreg:$0x2] =	wrdreg s2  }
0xb0: {  	[dreg:$0x3] =	wrdreg s24  }
0xb1: {  	[dreg:$0x4] =	wrdreg s18  }
0xb2: {  	[dreg:$0x5] =	wrdreg $0x9  }
0xb3: {  	_ =	task.clear_ibuf [dreg:s8], $0x6FFFF;
	_ =	strace $0x90000046  }
0xb4: {  	s29 =	simm.s32 $0x9;
	_ =	strace $0x80000048  }
0xb5: {  	_ =	swait.ge [sflag:s29], $0x1  }
0xb6: {  	[sflag:s29] =	ssyncadd.s32 $0xFFFFFFFF  }
0xb7: {  	_ =	strace $0x90000048  }
0xb8: {  	_ =	sfence  }
0xb9: {  	s30 =	sld [smem:$0x0];
	_ =	sdelay $0x2  }
0xba: {  	s31 =	sshll.u32 s1, $0xD;
	s1 =	sshrl.u32 s1, $0x2  }
0xbb: {  	s3 =	sand.u32 $0x4000, s31;
	s1 =	sadd.s32 s1, s30  }
0xbc: {  	s0 =	sor.u32 s3, s0;
	s1 =	sshll.u32 s1, $0x11  }
0xbd: {  	s0 =	sor.u32 s1, s0  }
0xbe: {  	s0 =	sadd.s32 $0x8F2B, s0  }
0xbf: {  	[sflag:s0] =	ssyncadd.remote.s32 $0x1  }
0xc0: {  	_ =	sfence.sel $0xFFFF  }
0xc1: {  	[dreg:$0x0] =	wrdreg $0xFFFFFFFF;
	(pc) =	sbr.abs _section_cstart, $3  }
0xc2: {  	[dreg:$0x1] =	wrdreg $0xFFFFFFFF  }
0xc3: {  	_ =	task.clear_ibuf [dreg:s8], $0x2FFFF;
	_ =	strace $0x9FFFFFFF  }
0xc4: {  	(tm) =	ssettm $0x7FFFFFFF  }
0xc5: {  	_ =	shalt  }
tec
execute0_lowered:
.L_overlay_start_1:
0x0: {  	(tag) =	ssettag $0x1  }
0x1: {  	s2 =	srdreg.scid;
	s26 =	stileid.u32  }
0x2: {  	s3 =	rddreg [dreg:$0x0];
	s5 =	sand.u32 $0x1, s2;
	s4 =	sshll.u32 s26, $0x1  }
0x3: {  	s0 =	rddreg [dreg:$0x1];
	s4 =	sor.u32 s5, s4  }
0x4: {  	s1 =	rddreg [dreg:$0x2];
	s2 =	simm.s32 $0x0;
	s9 =	smul.u32 $0xC000, s4  }
0x5: {  	s7 =	sadd.s32 $0x3800, s0;
	s0 =	sadd.s32 $0x6A00, s0;
	s8 =	sshll.u32 s4, $0x4  }
0x6: {  	[smem:$0x7FF] =	sst s2;
	s8 =	sadd.s32 s7, s8;
	s30 =	sadd.s32 s0, s9  }
0x7: {  	_ =	strace $0x80000047;
	[dreg:$0x4] =	wrdreg s8;
	s21 =	sadd.s32 $0x800, s30  }
0x8: {  	s5 =	ssub.s32 $0x2, s5;
	s22 =	sadd.s32 $0x1000, s30;
	[dreg:$0x6] =	wrdreg s21  }
0x9: {  	s6 =	smul.u32 $0xC00, s4;
	s23 =	sadd.s32 $0x1800, s30;
	[dreg:$0x7] =	wrdreg s22  }
0xa: {  	s25 =	smul.u32 $0x60000, s4;
	s24 =	sadd.s32 $0x2000, s30;
	[dreg:$0x8] =	wrdreg s23  }
0xb: {  	s4 =	sshll.u32 s4, $0xB;
	s8 =	sadd.s32 $0x2800, s30;
	[dreg:$0x9] =	wrdreg s24  }
0xc: {  	s6 =	sshrl.u32 s6, $0x3;
	s9 =	sadd.s32 $0x3000, s30;
	[dreg:$0xa] =	wrdreg s8  }
0xd: {  	s6 =	sadd.s32 s7, s6;
	s10 =	sadd.s32 $0x3800, s30;
	[dreg:$0xb] =	wrdreg s9  }
0xe: {  	s7 =	sshrl.u32 s25, $0x3;
	s6 =	sadd.s32 $0x200, s6;
	[dreg:$0xc] =	wrdreg s10  }
0xf: {  	s25 =	sshrl.u32 s5, $0x1;
	s9 =	sadd.s32 s1, s4;
	[dreg:$0x5] =	wrdreg s6  }
0x10: {  	s0 =	sadd.s32 s0, s7;
	s10 =	simm.s32 $0x100;
	[dreg:$0x1d] =	wrdreg s9  }
0x11: {  	s5 =	ssub.s32 s5, s25;
	s25 =	simm.s32 $0x780;
	[dreg:$0x1e] =	wrdreg s10  }
0x12: {  	s11 =	sadd.s32 $0x4000, s0;
	[smem:$0x7F7] =	sst s25  }
0x13: {  	s12 =	sadd.s32 $0x4800, s0;
	[dreg:$0xd] =	wrdreg s11  }
0x14: {  	s13 =	sadd.s32 $0x5000, s0;
	[dreg:$0xe] =	wrdreg s12  }
0x15: {  	s14 =	sadd.s32 $0x5800, s0;
	[dreg:$0xf] =	wrdreg s13  }
0x16: {  	s15 =	sadd.s32 $0x6000, s0;
	[dreg:$0x10] =	wrdreg s14  }
0x17: {  	s16 =	sadd.s32 $0x6800, s0;
	[dreg:$0x11] =	wrdreg s15  }
0x18: {  	s17 =	sadd.s32 $0x7000, s0;
	[dreg:$0x12] =	wrdreg s16  }
0x19: {  	s18 =	sadd.s32 $0x7800, s0;
	[dreg:$0x13] =	wrdreg s17  }
0x1a: {  	s19 =	sadd.s32 $0x8000, s0;
	[dreg:$0x14] =	wrdreg s18  }
0x1b: {  	s20 =	sadd.s32 $0x8800, s0;
	[dreg:$0x15] =	wrdreg s19  }
0x1c: {  	s21 =	sadd.s32 $0x9000, s0;
	[dreg:$0x16] =	wrdreg s20  }
0x1d: {  	s31 =	simm.s32 $0xF;
	s22 =	sadd.s32 $0x9800, s0;
	[dreg:$0x17] =	wrdreg s21  }
0x1e: {  	p0 =	por $0x0, $0x0;
	s23 =	sadd.s32 $0xA000, s0;
	[dreg:$0x18] =	wrdreg s22  }
0x1f: {  	s29 =	simm.s32 $0xB80;
	s24 =	sadd.s32 $0xA800, s0;
	[dreg:$0x19] =	wrdreg s23  }
0x20: {  	s28 =	simm.s32 $0xC00;
	s8 =	sadd.s32 $0xB000, s0;
	[dreg:$0x1a] =	wrdreg s24  }
0x21: {  	s4 =	simm.s32 $0xC80;
	s0 =	sadd.s32 $0xB800, s0;
	[dreg:$0x1b] =	wrdreg s8  }
0x22: {  	s7 =	simm.s32 $0x18C80;
	s25 =	simm.s32 $0xA80;
	[dreg:$0x1c] =	wrdreg s0  }
0x23: {  	s9 =	simm.s32 $0x10C80;
	s11 =	simm.s32 $0x180;
	[smem:$0x7FD] =	sst s25  }
0x24: {  	s6 =	simm.s32 $0x14C80;
	s12 =	simm.s32 $0x200;
	[dreg:$0x1f] =	wrdreg s11  }
0x25: {  	s10 =	simm.s32 $0x8;
	s13 =	simm.s32 $0x280;
	[smem:$0x7EC] =	sst s12  }
0x26: {  	s0 =	smax.u32 s5, $0x1;
	s14 =	simm.s32 $0x300;
	[smem:$0x7ED] =	sst s13  }
0x27: {  	s8 =	simm.s32 $0x80;
	s16 =	simm.s32 $0x380;
	[smem:$0x7EE] =	sst s14  }
0x28: {  	s15 =	simm.s32 $0x4C80;
	s17 =	simm.s32 $0x400;
	[smem:$0x7EF] =	sst s16  }
0x29: {  	s18 =	simm.s32 $0x480;
	s19 =	simm.s32 $0x500;
	[smem:$0x7F0] =	sst s17  }
0x2a: {  	s22 =	simm.s32 $0x1;
	s20 =	simm.s32 $0x580;
	[smem:$0x7F1] =	sst s18  }
0x2b: {  	s21 =	simm.s32 $0x600;
	s23 =	simm.s32 $0x680;
	[smem:$0x7F2] =	sst s19  }
0x2c: {  	s5 =	simm.s32 $0x7;
	s24 =	simm.s32 $0x700;
	[smem:$0x7F3] =	sst s20  }
0x2d: {  	s25 =	simm.s32 $0xD;
	s13 =	simm.s32 $0x8C80;
	[smem:$0x7F4] =	sst s21  }
0x2e: {  	s11 =	simm.s32 $0xCC80;
	s19 =	simm.s32 $0x2;
	[smem:$0x7F5] =	sst s23  }
0x2f: {  	s20 =	simm.s32 $0x3;
	[smem:$0x7F6] =	sst s24;
	s12 =	simm.s32 $0x800  }
0x30: {  	p1 =	sne.s32 s0, $0x1;
	s1 =	sadd.s32 $0xFFFFFFFF, s0;
	s0 =	rddreg [dreg:$0x4]  }
0x31: {  	s21 =	simm.s32 $0x4;
	s14 =	simm.s32 $0x880;
	[smem:$0x7F8] =	sst s12  }
.Ltmp0:
0x32: {  	s16 =	simm.s32 $0x900;
	[smem:$0x7F9] =	sst s14;
	(pc) =	sbr.rel @!p1 .LBB2_1-.Ltmp0, $4  }
0x33: {  	s23 =	simm.s32 $0x5;
	s17 =	simm.s32 $0x980;
	[smem:$0x7FA] =	sst s16  }
0x34: {  	s18 =	simm.s32 $0xA00;
	s24 =	simm.s32 $0x6;
	[smem:$0x7FB] =	sst s17  }
0x35: {  	s12 =	simm.s32 $0x9;
	s14 =	simm.s32 $0xA;
	[smem:$0x7FC] =	sst s18  }
0x36: {  	s16 =	simm.s32 $0xB;
	s17 =	simm.s32 $0xC;
	s18 =	simm.s32 $0xE  }
0x37: {  	[tilespmem:s2], [sflag:$0xF] =	stream.linear.gather [hbm4b:s0+s2], $0x80, $0x38;
	[tilespmem:$0x1CC80] =	vst v63  }
0x38: {  	_ =	swait.ge [sflag:s31], $0x80  }
0x39: {  	[sflag:s31] =	ssyncset.done $0x0  }
0x3a: {  	s26 =	rddreg [dreg:$0x5];
	[sflag:s31] =	ssyncadd.s32 $0xFFFFFF80  }
0x3b: {  	[tilespmem:s8], [sflag:$0xF] =	stream.linear.gather [hbm4b:s26+s2], $0xC00, $0x38;
	[tilespmem:$0x1CC80] =	vst v63  }
0x3c: {  	_ =	swait.ge [sflag:s31], $0xC00  }
0x3d: {  	[sflag:s31] =	ssyncset.done $0x0  }
0x3e: {  	[sflag:s31] =	ssyncadd.s32 $0xFFFFF400  }
0x3f: {  	[tilespmem:s4], [sflag:$0xD] =	stream.indirect.gather [hbm4b:s3+s8], $0x80, s2, s8, $0xb8;
	[tilespmem:$0x1CC80] =	vst v63  }
0x40: {  	s0 =	rddreg [dreg:$0x1e]  }
0x41: {  	[tilespmem:s15], [sflag:$0x1] =	stream.indirect.gather [hbm4b:s3+s8], $0x80, s8, s8, $0xb8;
	[tilespmem:$0x1CC80] =	vst v63  }
0x42: {  	s26 =	smov.u32 s1;
	s1 =	rddreg [dreg:$0x1f]  }
0x43: {  	[tilespmem:s13], [sflag:$0x2] =	stream.indirect.gather [hbm4b:s3+s8], $0x80, s0, s8, $0xb8;
	[tilespmem:$0x1CC80] =	vst v63  }
0x44: {  	s0 =	sld [smem:$0x7EC]  }
0x45: {  	[tilespmem:s11], [sflag:$0x3] =	stream.indirect.gather [hbm4b:s3+s8], $0x80, s1, s8, $0xb8;
	[tilespmem:$0x1CC80] =	vst v63  }
0x46: {  	s1 =	sld [smem:$0x7ED]  }
0x47: {  	[tilespmem:s9], [sflag:$0x4] =	stream.indirect.gather [hbm4b:s3+s8], $0x80, s0, s8, $0xb8;
	[tilespmem:$0x1CC80] =	vst v63  }
0x48: {  	_ = 	snop  }
0x49: {  	[tilespmem:s6], [sflag:$0x5] =	stream.indirect.gather [hbm4b:s3+s8], $0x80, s1, s8, $0xb8;
	[tilespmem:$0x1CC80] =	vst v63  }
0x4a: {  	_ =	swait.ge [sflag:s22], $0x4000  }
0x4b: {  	[sflag:s22] =	ssyncset.done $0x0  }
0x4c: {  	s1 =	sld [smem:$0x7EE];
	[sflag:s22] =	ssyncadd.s32 $0xFFFFC000  }
0x4d: {  	[hbm4b:s30+s2] =	stream.linear.scatter [tilespmem:s15], [sflag:$0x7], $0x4000, $0x38;
	[tilespmem:$0x1CC80] =	vst v63  }
0x4e: {  	_ = 	snop  }
0x4f: {  	[tilespmem:s7], [sflag:$0x6] =	stream.indirect.gather [hbm4b:s3+s8], $0x80, s1, s8, $0xb8;
	[tilespmem:$0x1CC80] =	vst v63  }
0x50: {  	_ =	swait.ge [sflag:s19], $0x4000  }
0x51: {  	[sflag:s19] =	ssyncset.done $0x0  }
0x52: {  	s1 =	rddreg [dreg:$0x6];
	[sflag:s19] =	ssyncadd.s32 $0xFFFFC000  }
0x53: {  	[hbm4b:s1+s2] =	stream.linear.scatter [tilespmem:s13], [sflag:$0x8], $0x4000, $0x38;
	[tilespmem:$0x1CC80] =	vst v63  }
0x54: {  	_ =	swait.ge [sflag:s5], $0x4000  }
0x55: {  	s1 =	sld [smem:$0x7EF]  }
0x56: {  	[sflag:s5] =	ssyncset.done $0x0  }
0x57: {  	[sflag:s5] =	ssyncadd.s32 $0xFFFFC000  }
0x58: {  	[tilespmem:s15], [sflag:$0x1] =	stream.indirect.gather [hbm4b:s3+s8], $0x80, s1, s8, $0xb8;
	[tilespmem:$0x1CC80] =	vst v63  }
0x59: {  	_ =	swait.ge [sflag:s20], $0x4000  }
0x5a: {  	[sflag:s20] =	ssyncset.done $0x0  }
0x5b: {  	s1 =	rddreg [dreg:$0x7];
	[sflag:s20] =	ssyncadd.s32 $0xFFFFC000  }
0x5c: {  	[hbm4b:s1+s2] =	stream.linear.scatter [tilespmem:s11], [sflag:$0x9], $0x4000, $0x38;
	[tilespmem:$0x1CC80] =	vst v63  }
0x5d: {  	_ =	swait.ge [sflag:s10], $0x4000  }
0x5e: {  	s1 =	sld [smem:$0x7F0]  }
0x5f: {  	[sflag:s10] =	ssyncset.done $0x0  }
0x60: {  	[sflag:s10] =	ssyncadd.s32 $0xFFFFC000  }
0x61: {  	[tilespmem:s13], [sflag:$0x2] =	stream.indirect.gather [hbm4b:s3+s8], $0x80, s1, s8, $0xb8;
	[tilespmem:$0x1CC80] =	vst v63  }
0x62: {  	_ =	swait.ge [sflag:s21], $0x4000  }
0x63: {  	[sflag:s21] =	ssyncset.done $0x0  }
0x64: {  	s1 =	rddreg [dreg:$0x8];
	[sflag:s21] =	ssyncadd.s32 $0xFFFFC000  }
0x65: {  	[hbm4b:s1+s2] =	stream.linear.scatter [tilespmem:s9], [sflag:$0xA], $0x4000, $0x38;
	[tilespmem:$0x1CC80] =	vst v63  }
0x66: {  	_ =	swait.ge [sflag:s12], $0x4000  }
0x67: {  	s1 =	sld [smem:$0x7F1]  }
0x68: {  	[sflag:s12] =	ssyncset.done $0x0  }
0x69: {  	[sflag:s12] =	ssyncadd.s32 $0xFFFFC000  }
0x6a: {  	[tilespmem:s11], [sflag:$0x3] =	stream.indirect.gather [hbm4b:s3+s8], $0x80, s1, s8, $0xb8;
	[tilespmem:$0x1CC80] =	vst v63  }
0x6b: {  	_ =	swait.ge [sflag:s23], $0x4000  }
0x6c: {  	[sflag:s23] =	ssyncset.done $0x0  }
0x6d: {  	s1 =	rddreg [dreg:$0x9];
	[sflag:s23] =	ssyncadd.s32 $0xFFFFC000  }
0x6e: {  	[hbm4b:s1+s2] =	stream.linear.scatter [tilespmem:s6], [sflag:$0xB], $0x4000, $0x38;
	[tilespmem:$0x1CC80] =	vst v63  }
0x6f: {  	_ =	swait.ge [sflag:s14], $0x4000  }
0x70: {  	s1 =	sld [smem:$0x7F2]  }
0x71: {  	[sflag:s14] =	ssyncset.done $0x0  }
0x72: {  	[sflag:s14] =	ssyncadd.s32 $0xFFFFC000  }
0x73: {  	[tilespmem:s9], [sflag:$0x4] =	stream.indirect.gather [hbm4b:s3+s8], $0x80, s1, s8, $0xb8;
	[tilespmem:$0x1CC80] =	vst v63  }
0x74: {  	_ =	swait.ge [sflag:s24], $0x4000  }
0x75: {  	[sflag:s24] =	ssyncset.done $0x0  }
0x76: {  	s1 =	rddreg [dreg:$0xa];
	[sflag:s24] =	ssyncadd.s32 $0xFFFFC000  }
0x77: {  	[hbm4b:s1+s2] =	stream.linear.scatter [tilespmem:s7], [sflag:$0xC], $0x4000, $0x38;
	[tilespmem:$0x1CC80] =	vst v63  }
0x78: {  	_ =	swait.ge [sflag:s16], $0x4000  }
0x79: {  	s1 =	sld [smem:$0x7F3]  }
0x7a: {  	[sflag:s16] =	ssyncset.done $0x0  }
0x7b: {  	[sflag:s16] =	ssyncadd.s32 $0xFFFFC000  }
0x7c: {  	[tilespmem:s6], [sflag:$0x5] =	stream.indirect.gather [hbm4b:s3+s8], $0x80, s1, s8, $0xb8;
	[tilespmem:$0x1CC80] =	vst v63  }
0x7d: {  	_ =	swait.ge [sflag:s22], $0x4000  }
0x7e: {  	[sflag:s22] =	ssyncset.done $0x0  }
0x7f: {  	s1 =	rddreg [dreg:$0xb];
	[sflag:s22] =	ssyncadd.s32 $0xFFFFC000  }
0x80: {  	[hbm4b:s1+s2] =	stream.linear.scatter [tilespmem:s15], [sflag:$0x7], $0x4000, $0x38;
	[tilespmem:$0x1CC80] =	vst v63  }
0x81: {  	_ =	swait.ge [sflag:s17], $0x4000  }
0x82: {  	s1 =	sld [smem:$0x7F4]  }
0x83: {  	[sflag:s17] =	ssyncset.done $0x0  }
0x84: {  	[sflag:s17] =	ssyncadd.s32 $0xFFFFC000  }
0x85: {  	[tilespmem:s7], [sflag:$0x6] =	stream.indirect.gather [hbm4b:s3+s8], $0x80, s1, s8, $0xb8;
	[tilespmem:$0x1CC80] =	vst v63  }
0x86: {  	_ =	swait.ge [sflag:s19], $0x4000  }
0x87: {  	[sflag:s19] =	ssyncset.done $0x0  }
0x88: {  	s1 =	rddreg [dreg:$0xc];
	[sflag:s19] =	ssyncadd.s32 $0xFFFFC000  }
0x89: {  	[hbm4b:s1+s2] =	stream.linear.scatter [tilespmem:s13], [sflag:$0x8], $0x4000, $0x38;
	[tilespmem:$0x1CC80] =	vst v63  }
0x8a: {  	_ =	swait.ge [sflag:s5], $0x4000  }
0x8b: {  	s1 =	sld [smem:$0x7F5]  }
0x8c: {  	[sflag:s5] =	ssyncset.done $0x0  }
0x8d: {  	[sflag:s5] =	ssyncadd.s32 $0xFFFFC000  }
0x8e: {  	[tilespmem:s15], [sflag:$0x1] =	stream.indirect.gather [hbm4b:s3+s8], $0x80, s1, s8, $0xb8;
	[tilespmem:$0x1CC80] =	vst v63  }
0x8f: {  	_ =	swait.ge [sflag:s20], $0x4000  }
0x90: {  	[sflag:s20] =	ssyncset.done $0x0  }
0x91: {  	s1 =	rddreg [dreg:$0xd];
	[sflag:s20] =	ssyncadd.s32 $0xFFFFC000  }
0x92: {  	[hbm4b:s1+s2] =	stream.linear.scatter [tilespmem:s11], [sflag:$0x9], $0x4000, $0x38;
	[tilespmem:$0x1CC80] =	vst v63  }
0x93: {  	_ =	swait.ge [sflag:s10], $0x4000  }
0x94: {  	s1 =	sld [smem:$0x7F6]  }
0x95: {  	[sflag:s10] =	ssyncset.done $0x0  }
0x96: {  	[sflag:s10] =	ssyncadd.s32 $0xFFFFC000  }
0x97: {  	[tilespmem:s13], [sflag:$0x2] =	stream.indirect.gather [hbm4b:s3+s8], $0x80, s1, s8, $0xb8;
	[tilespmem:$0x1CC80] =	vst v63  }
0x98: {  	_ =	swait.ge [sflag:s21], $0x4000  }
0x99: {  	[sflag:s21] =	ssyncset.done $0x0  }
0x9a: {  	s1 =	rddreg [dreg:$0xe];
	[sflag:s21] =	ssyncadd.s32 $0xFFFFC000  }
0x9b: {  	[hbm4b:s1+s2] =	stream.linear.scatter [tilespmem:s9], [sflag:$0xA], $0x4000, $0x38;
	[tilespmem:$0x1CC80] =	vst v63  }
0x9c: {  	_ =	swait.ge [sflag:s12], $0x4000  }
0x9d: {  	s1 =	sld [smem:$0x7F7]  }
0x9e: {  	[sflag:s12] =	ssyncset.done $0x0  }
0x9f: {  	[sflag:s12] =	ssyncadd.s32 $0xFFFFC000  }
0xa0: {  	[tilespmem:s11], [sflag:$0x3] =	stream.indirect.gather [hbm4b:s3+s8], $0x80, s1, s8, $0xb8;
	[tilespmem:$0x1CC80] =	vst v63  }
0xa1: {  	_ =	swait.ge [sflag:s23], $0x4000  }
0xa2: {  	[sflag:s23] =	ssyncset.done $0x0  }
0xa3: {  	s1 =	rddreg [dreg:$0xf];
	[sflag:s23] =	ssyncadd.s32 $0xFFFFC000  }
0xa4: {  	[hbm4b:s1+s2] =	stream.linear.scatter [tilespmem:s6], [sflag:$0xB], $0x4000, $0x38;
	[tilespmem:$0x1CC80] =	vst v63  }
0xa5: {  	_ =	swait.ge [sflag:s14], $0x4000  }
0xa6: {  	s1 =	sld [smem:$0x7F8]  }
0xa7: {  	[sflag:s14] =	ssyncset.done $0x0  }
0xa8: {  	[sflag:s14] =	ssyncadd.s32 $0xFFFFC000  }
0xa9: {  	[tilespmem:s9], [sflag:$0x4] =	stream.indirect.gather [hbm4b:s3+s8], $0x80, s1, s8, $0xb8;
	[tilespmem:$0x1CC80] =	vst v63  }
0xaa: {  	_ =	swait.ge [sflag:s24], $0x4000  }
0xab: {  	[sflag:s24] =	ssyncset.done $0x0  }
0xac: {  	s1 =	rddreg [dreg:$0x10];
	[sflag:s24] =	ssyncadd.s32 $0xFFFFC000  }
0xad: {  	[hbm4b:s1+s2] =	stream.linear.scatter [tilespmem:s7], [sflag:$0xC], $0x4000, $0x38;
	[tilespmem:$0x1CC80] =	vst v63  }
0xae: {  	_ =	swait.ge [sflag:s16], $0x4000  }
0xaf: {  	s1 =	sld [smem:$0x7F9]  }
0xb0: {  	[sflag:s16] =	ssyncset.done $0x0  }
0xb1: {  	[sflag:s16] =	ssyncadd.s32 $0xFFFFC000  }
0xb2: {  	[tilespmem:s6], [sflag:$0x5] =	stream.indirect.gather [hbm4b:s3+s8], $0x80, s1, s8, $0xb8;
	[tilespmem:$0x1CC80] =	vst v63  }
0xb3: {  	_ =	swait.ge [sflag:s22], $0x4000  }
0xb4: {  	[sflag:s22] =	ssyncset.done $0x0  }
0xb5: {  	s1 =	rddreg [dreg:$0x11];
	[sflag:s22] =	ssyncadd.s32 $0xFFFFC000  }
0xb6: {  	[hbm4b:s1+s2] =	stream.linear.scatter [tilespmem:s15], [sflag:$0x7], $0x4000, $0x38;
	[tilespmem:$0x1CC80] =	vst v63  }
0xb7: {  	_ =	swait.ge [sflag:s17], $0x4000  }
0xb8: {  	s1 =	sld [smem:$0x7FA]  }
0xb9: {  	[sflag:s17] =	ssyncset.done $0x0  }
0xba: {  	[sflag:s17] =	ssyncadd.s32 $0xFFFFC000  }
0xbb: {  	[tilespmem:s7], [sflag:$0x6] =	stream.indirect.gather [hbm4b:s3+s8], $0x80, s1, s8, $0xb8;
	[tilespmem:$0x1CC80] =	vst v63  }
0xbc: {  	_ =	swait.ge [sflag:s19], $0x4000  }
0xbd: {  	[sflag:s19] =	ssyncset.done $0x0  }
0xbe: {  	s1 =	rddreg [dreg:$0x12];
	[sflag:s19] =	ssyncadd.s32 $0xFFFFC000  }
0xbf: {  	[hbm4b:s1+s2] =	stream.linear.scatter [tilespmem:s13], [sflag:$0x8], $0x4000, $0x38;
	[tilespmem:$0x1CC80] =	vst v63  }
0xc0: {  	_ =	swait.ge [sflag:s5], $0x4000  }
0xc1: {  	s1 =	sld [smem:$0x7FB]  }
0xc2: {  	[sflag:s5] =	ssyncset.done $0x0  }
0xc3: {  	[sflag:s5] =	ssyncadd.s32 $0xFFFFC000  }
0xc4: {  	[tilespmem:s15], [sflag:$0x1] =	stream.indirect.gather [hbm4b:s3+s8], $0x80, s1, s8, $0xb8;
	[tilespmem:$0x1CC80] =	vst v63  }
0xc5: {  	_ =	swait.ge [sflag:s20], $0x4000  }
0xc6: {  	[sflag:s20] =	ssyncset.done $0x0  }
0xc7: {  	s1 =	rddreg [dreg:$0x13];
	[sflag:s20] =	ssyncadd.s32 $0xFFFFC000  }
0xc8: {  	[hbm4b:s1+s2] =	stream.linear.scatter [tilespmem:s11], [sflag:$0x9], $0x4000, $0x38;
	[tilespmem:$0x1CC80] =	vst v63  }
0xc9: {  	_ =	swait.ge [sflag:s10], $0x4000  }
0xca: {  	s1 =	sld [smem:$0x7FC]  }
0xcb: {  	[sflag:s10] =	ssyncset.done $0x0  }
0xcc: {  	[sflag:s10] =	ssyncadd.s32 $0xFFFFC000  }
0xcd: {  	[tilespmem:s13], [sflag:$0x2] =	stream.indirect.gather [hbm4b:s3+s8], $0x80, s1, s8, $0xb8;
	[tilespmem:$0x1CC80] =	vst v63  }
0xce: {  	_ =	swait.ge [sflag:s21], $0x4000  }
0xcf: {  	[sflag:s21] =	ssyncset.done $0x0  }
0xd0: {  	s1 =	rddreg [dreg:$0x14];
	[sflag:s21] =	ssyncadd.s32 $0xFFFFC000  }
0xd1: {  	[hbm4b:s1+s2] =	stream.linear.scatter [tilespmem:s9], [sflag:$0xA], $0x4000, $0x38;
	[tilespmem:$0x1CC80] =	vst v63  }
0xd2: {  	_ =	swait.ge [sflag:s12], $0x4000  }
0xd3: {  	s1 =	sld [smem:$0x7FD]  }
0xd4: {  	[sflag:s12] =	ssyncset.done $0x0  }
0xd5: {  	[sflag:s12] =	ssyncadd.s32 $0xFFFFC000  }
0xd6: {  	[tilespmem:s11], [sflag:$0x3] =	stream.indirect.gather [hbm4b:s3+s8], $0x80, s1, s8, $0xb8;
	[tilespmem:$0x1CC80] =	vst v63  }
0xd7: {  	_ =	swait.ge [sflag:s23], $0x4000  }
0xd8: {  	[sflag:s23] =	ssyncset.done $0x0  }
0xd9: {  	s1 =	rddreg [dreg:$0x15];
	[sflag:s23] =	ssyncadd.s32 $0xFFFFC000  }
0xda: {  	[hbm4b:s1+s2] =	stream.linear.scatter [tilespmem:s6], [sflag:$0xB], $0x4000, $0x38;
	[tilespmem:$0x1CC80] =	vst v63  }
0xdb: {  	_ =	swait.ge [sflag:s14], $0x4000  }
0xdc: {  	[sflag:s14] =	ssyncset.done $0x0  }
0xdd: {  	s1 =	simm.s32 $0xB00;
	[sflag:s14] =	ssyncadd.s32 $0xFFFFC000  }
0xde: {  	[tilespmem:s9], [sflag:$0x4] =	stream.indirect.gather [hbm4b:s3+s8], $0x80, s1, s8, $0xb8;
	[tilespmem:$0x1CC80] =	vst v63  }
0xdf: {  	_ =	swait.ge [sflag:s24], $0x4000  }
0xe0: {  	[sflag:s24] =	ssyncset.done $0x0  }
0xe1: {  	s1 =	rddreg [dreg:$0x16];
	[sflag:s24] =	ssyncadd.s32 $0xFFFFC000  }
0xe2: {  	[hbm4b:s1+s2] =	stream.linear.scatter [tilespmem:s7], [sflag:$0xC], $0x4000, $0x38;
	[tilespmem:$0x1CC80] =	vst v63  }
0xe3: {  	_ =	swait.ge [sflag:s16], $0x4000  }
0xe4: {  	[sflag:s16] =	ssyncset.done $0x0  }
0xe5: {  	[sflag:s16] =	ssyncadd.s32 $0xFFFFC000  }
0xe6: {  	[tilespmem:s6], [sflag:$0x5] =	stream.indirect.gather [hbm4b:s3+s8], $0x80, s29, s8, $0xb8;
	[tilespmem:$0x1CC80] =	vst v63  }
0xe7: {  	_ =	swait.ge [sflag:s22], $0x4000  }
0xe8: {  	[sflag:s22] =	ssyncset.done $0x0  }
0xe9: {  	s1 =	rddreg [dreg:$0x17];
	[sflag:s22] =	ssyncadd.s32 $0xFFFFC000  }
0xea: {  	[hbm4b:s1+s2] =	stream.linear.scatter [tilespmem:s15], [sflag:$0x7], $0x4000, $0x38;
	[tilespmem:$0x1CC80] =	vst v63  }
0xeb: {  	_ =	swait.ge [sflag:s17], $0x4000  }
0xec: {  	[sflag:s17] =	ssyncset.done $0x0  }
0xed: {  	[sflag:s17] =	ssyncadd.s32 $0xFFFFC000  }
0xee: {  	[tilespmem:s7], [sflag:$0x6] =	stream.indirect.gather [hbm4b:s3+s8], $0x80, s28, s8, $0xb8;
	[tilespmem:$0x1CC80] =	vst v63  }
0xef: {  	_ =	swait.ge [sflag:s19], $0x4000  }
0xf0: {  	[sflag:s19] =	ssyncset.done $0x0  }
0xf1: {  	s1 =	rddreg [dreg:$0x18];
	[sflag:s19] =	ssyncadd.s32 $0xFFFFC000  }
0xf2: {  	[hbm4b:s1+s2] =	stream.linear.scatter [tilespmem:s13], [sflag:$0x8], $0x4000, $0x38;
	[tilespmem:$0x1CC80] =	vst v63  }
0xf3: {  	_ =	swait.ge [sflag:s20], $0x4000  }
0xf4: {  	[sflag:s20] =	ssyncset.done $0x0  }
0xf5: {  	s1 =	rddreg [dreg:$0x19];
	[sflag:s20] =	ssyncadd.s32 $0xFFFFC000  }
0xf6: {  	[hbm4b:s1+s2] =	stream.linear.scatter [tilespmem:s11], [sflag:$0x9], $0x4000, $0x38;
	[tilespmem:$0x1CC80] =	vst v63  }
0xf7: {  	_ =	swait.ge [sflag:s21], $0x4000  }
0xf8: {  	[sflag:s21] =	ssyncset.done $0x0  }
0xf9: {  	s1 =	rddreg [dreg:$0x1a];
	[sflag:s21] =	ssyncadd.s32 $0xFFFFC000  }
0xfa: {  	[hbm4b:s1+s2] =	stream.linear.scatter [tilespmem:s9], [sflag:$0xA], $0x4000, $0x38;
	[tilespmem:$0x1CC80] =	vst v63  }
0xfb: {  	_ =	swait.ge [sflag:s23], $0x4000  }
0xfc: {  	[sflag:s23] =	ssyncset.done $0x0  }
0xfd: {  	s1 =	rddreg [dreg:$0x1b];
	[sflag:s23] =	ssyncadd.s32 $0xFFFFC000  }
0xfe: {  	[hbm4b:s1+s2] =	stream.linear.scatter [tilespmem:s6], [sflag:$0xB], $0x4000, $0x38;
	[tilespmem:$0x1CC80] =	vst v63  }
0xff: {  	_ =	swait.ge [sflag:s24], $0x4000  }
0x100: {  	[sflag:s24] =	ssyncset.done $0x0  }
0x101: {  	s1 =	rddreg [dreg:$0x1c];
	[sflag:s24] =	ssyncadd.s32 $0xFFFFC000  }
0x102: {  	[hbm4b:s1+s2] =	stream.linear.scatter [tilespmem:s7], [sflag:$0xC], $0x4000, $0x38;
	[tilespmem:$0x1CC80] =	vst v63  }
0x103: {  	_ =	swait.ge [sflag:s25], $0x4000  }
0x104: {  	[sflag:s25] =	ssyncset.done $0x0  }
0x105: {  	s1 =	rddreg [dreg:$0x1d];
	[sflag:s25] =	ssyncadd.s32 $0xFFFFC000  }
0x106: {  	[hbm4b:s1+s2] =	stream.linear.scatter [tilespmem:s4], [sflag:$0xE], $0x4000, $0x38;
	[tilespmem:$0x1CC80] =	vst v63  }
0x107: {  	_ =	swait.ge [sflag:s5], $0x4000  }
0x108: {  	[sflag:s5] =	ssyncset.done $0x0  }
0x109: {  	[sflag:s5] =	ssyncadd.s32 $0xFFFFC000  }
0x10a: {  	_ =	swait.ge [sflag:s10], $0x4000  }
0x10b: {  	[sflag:s10] =	ssyncset.done $0x0  }
0x10c: {  	[sflag:s10] =	ssyncadd.s32 $0xFFFFC000  }
0x10d: {  	_ =	swait.ge [sflag:s12], $0x4000  }
0x10e: {  	[sflag:s12] =	ssyncset.done $0x0  }
0x10f: {  	[sflag:s12] =	ssyncadd.s32 $0xFFFFC000  }
0x110: {  	_ =	swait.ge [sflag:s14], $0x4000  }
0x111: {  	[sflag:s14] =	ssyncset.done $0x0  }
0x112: {  	[sflag:s14] =	ssyncadd.s32 $0xFFFFC000  }
0x113: {  	_ =	swait.ge [sflag:s16], $0x4000  }
0x114: {  	[sflag:s16] =	ssyncset.done $0x0  }
0x115: {  	p1 =	sne.s32 s26, $0x1;
	[sflag:s16] =	ssyncadd.s32 $0xFFFFC000  }
.Ltmp1:
0x116: {  	_ =	swait.ge [sflag:s17], $0x4000;
	(pc) =	sbr.rel @!p1 .LBB2_3-.Ltmp1, $4  }
0x117: {  	[sflag:s17] =	ssyncset.done $0x0  }
0x118: {  	[sflag:s17] =	ssyncadd.s32 $0xFFFFC000  }
0x119: {  	p0 =	por $0x1, $0x1;
	_ =	swait.ge [sflag:s18], $0x4000  }
0x11a: {  	s1 =	sadd.s32 $0xFFFFFFFF, s26;
	s0 =	rddreg [dreg:$0x4];
	[sflag:s18] =	ssyncset.done $0x0  }
.LBB2_4:
0x11b: {  	[sflag:s18] =	ssyncadd.s32 $0xFFFFC000  }
0x11c: {  	[tilespmem:s2], [sflag:$0xF] =	stream.linear.gather [hbm4b:s0+s2], $0x80, $0x38;
	[tilespmem:$0x1CC80] =	vst v63  }
0x11d: {  	_ =	swait.ge [sflag:s31], $0x80  }
0x11e: {  	[sflag:s31] =	ssyncset.done $0x0  }
0x11f: {  	s26 =	rddreg [dreg:$0x5];
	[sflag:s31] =	ssyncadd.s32 $0xFFFFFF80  }
0x120: {  	[tilespmem:s8], [sflag:$0xF] =	stream.linear.gather [hbm4b:s26+s2], $0xC00, $0x38;
	[tilespmem:$0x1CC80] =	vst v63  }
0x121: {  	_ =	swait.ge [sflag:s31], $0xC00  }
0x122: {  	[sflag:s31] =	ssyncset.done $0x0  }
0x123: {  	[sflag:s31] =	ssyncadd.s32 $0xFFFFF400  }
0x124: {  	[tilespmem:s4], [sflag:$0xD] =	stream.indirect.gather [hbm4b:s3+s8], $0x80, s2, s8, $0xb8;
	[tilespmem:$0x1CC80] =	vst v63  }
0x125: {  	s0 =	rddreg [dreg:$0x1e]  }
0x126: {  	[tilespmem:s15], [sflag:$0x1] =	stream.indirect.gather [hbm4b:s3+s8], $0x80, s8, s8, $0xb8;
	[tilespmem:$0x1CC80] =	vst v63  }
0x127: {  	s26 =	rddreg [dreg:$0x1f]  }
0x128: {  	[tilespmem:s13], [sflag:$0x2] =	stream.indirect.gather [hbm4b:s3+s8], $0x80, s0, s8, $0xb8;
	[tilespmem:$0x1CC80] =	vst v63  }
0x129: {  	s0 =	sld [smem:$0x7EC]  }
0x12a: {  	[tilespmem:s11], [sflag:$0x3] =	stream.indirect.gather [hbm4b:s3+s8], $0x80, s26, s8, $0xb8;
	[tilespmem:$0x1CC80] =	vst v63  }
0x12b: {  	s26 =	sld [smem:$0x7ED]  }
0x12c: {  	[tilespmem:s9], [sflag:$0x4] =	stream.indirect.gather [hbm4b:s3+s8], $0x80, s0, s8, $0xb8;
	[tilespmem:$0x1CC80] =	vst v63  }
0x12d: {  	_ = 	snop  }
0x12e: {  	[tilespmem:s6], [sflag:$0x5] =	stream.indirect.gather [hbm4b:s3+s8], $0x80, s26, s8, $0xb8;
	[tilespmem:$0x1CC80] =	vst v63  }
0x12f: {  	_ =	swait.ge [sflag:s22], $0x4000  }
0x130: {  	[sflag:s22] =	ssyncset.done $0x0  }
0x131: {  	s26 =	sld [smem:$0x7EE];
	[sflag:s22] =	ssyncadd.s32 $0xFFFFC000  }
0x132: {  	[hbm4b:s30+s2] =	stream.linear.scatter [tilespmem:s15], [sflag:$0x7], $0x4000, $0x38;
	[tilespmem:$0x1CC80] =	vst v63  }
0x133: {  	_ = 	snop  }
0x134: {  	[tilespmem:s7], [sflag:$0x6] =	stream.indirect.gather [hbm4b:s3+s8], $0x80, s26, s8, $0xb8;
	[tilespmem:$0x1CC80] =	vst v63  }
0x135: {  	_ =	swait.ge [sflag:s19], $0x4000  }
0x136: {  	[sflag:s19] =	ssyncset.done $0x0  }
0x137: {  	s26 =	rddreg [dreg:$0x6];
	[sflag:s19] =	ssyncadd.s32 $0xFFFFC000  }
0x138: {  	[hbm4b:s26+s2] =	stream.linear.scatter [tilespmem:s13], [sflag:$0x8], $0x4000, $0x38;
	[tilespmem:$0x1CC80] =	vst v63  }
0x139: {  	_ =	swait.ge [sflag:s5], $0x4000  }
0x13a: {  	s26 =	sld [smem:$0x7EF]  }
0x13b: {  	[sflag:s5] =	ssyncset.done $0x0  }
0x13c: {  	[sflag:s5] =	ssyncadd.s32 $0xFFFFC000  }
0x13d: {  	[tilespmem:s15], [sflag:$0x1] =	stream.indirect.gather [hbm4b:s3+s8], $0x80, s26, s8, $0xb8;
	[tilespmem:$0x1CC80] =	vst v63  }
0x13e: {  	_ =	swait.ge [sflag:s20], $0x4000  }
0x13f: {  	[sflag:s20] =	ssyncset.done $0x0  }
0x140: {  	s26 =	rddreg [dreg:$0x7];
	[sflag:s20] =	ssyncadd.s32 $0xFFFFC000  }
0x141: {  	[hbm4b:s26+s2] =	stream.linear.scatter [tilespmem:s11], [sflag:$0x9], $0x4000, $0x38;
	[tilespmem:$0x1CC80] =	vst v63  }
0x142: {  	_ =	swait.ge [sflag:s10], $0x4000  }
0x143: {  	s26 =	sld [smem:$0x7F0]  }
0x144: {  	[sflag:s10] =	ssyncset.done $0x0  }
0x145: {  	[sflag:s10] =	ssyncadd.s32 $0xFFFFC000  }
0x146: {  	[tilespmem:s13], [sflag:$0x2] =	stream.indirect.gather [hbm4b:s3+s8], $0x80, s26, s8, $0xb8;
	[tilespmem:$0x1CC80] =	vst v63  }
0x147: {  	_ =	swait.ge [sflag:s21], $0x4000  }
0x148: {  	[sflag:s21] =	ssyncset.done $0x0  }
0x149: {  	s26 =	rddreg [dreg:$0x8];
	[sflag:s21] =	ssyncadd.s32 $0xFFFFC000  }
0x14a: {  	[hbm4b:s26+s2] =	stream.linear.scatter [tilespmem:s9], [sflag:$0xA], $0x4000, $0x38;
	[tilespmem:$0x1CC80] =	vst v63  }
0x14b: {  	_ =	swait.ge [sflag:s12], $0x4000  }
0x14c: {  	s26 =	sld [smem:$0x7F1]  }
0x14d: {  	[sflag:s12] =	ssyncset.done $0x0  }
0x14e: {  	[sflag:s12] =	ssyncadd.s32 $0xFFFFC000  }
0x14f: {  	[tilespmem:s11], [sflag:$0x3] =	stream.indirect.gather [hbm4b:s3+s8], $0x80, s26, s8, $0xb8;
	[tilespmem:$0x1CC80] =	vst v63  }
0x150: {  	_ =	swait.ge [sflag:s23], $0x4000  }
0x151: {  	[sflag:s23] =	ssyncset.done $0x0  }
0x152: {  	s26 =	rddreg [dreg:$0x9];
	[sflag:s23] =	ssyncadd.s32 $0xFFFFC000  }
0x153: {  	[hbm4b:s26+s2] =	stream.linear.scatter [tilespmem:s6], [sflag:$0xB], $0x4000, $0x38;
	[tilespmem:$0x1CC80] =	vst v63  }
0x154: {  	_ =	swait.ge [sflag:s14], $0x4000  }
0x155: {  	s26 =	sld [smem:$0x7F2]  }
0x156: {  	[sflag:s14] =	ssyncset.done $0x0  }
0x157: {  	[sflag:s14] =	ssyncadd.s32 $0xFFFFC000  }
0x158: {  	[tilespmem:s9], [sflag:$0x4] =	stream.indirect.gather [hbm4b:s3+s8], $0x80, s26, s8, $0xb8;
	[tilespmem:$0x1CC80] =	vst v63  }
0x159: {  	_ =	swait.ge [sflag:s24], $0x4000  }
0x15a: {  	[sflag:s24] =	ssyncset.done $0x0  }
0x15b: {  	s26 =	rddreg [dreg:$0xa];
	[sflag:s24] =	ssyncadd.s32 $0xFFFFC000  }
0x15c: {  	[hbm4b:s26+s2] =	stream.linear.scatter [tilespmem:s7], [sflag:$0xC], $0x4000, $0x38;
	[tilespmem:$0x1CC80] =	vst v63  }
0x15d: {  	_ =	swait.ge [sflag:s16], $0x4000  }
0x15e: {  	s26 =	sld [smem:$0x7F3]  }
0x15f: {  	[sflag:s16] =	ssyncset.done $0x0  }
0x160: {  	[sflag:s16] =	ssyncadd.s32 $0xFFFFC000  }
0x161: {  	[tilespmem:s6], [sflag:$0x5] =	stream.indirect.gather [hbm4b:s3+s8], $0x80, s26, s8, $0xb8;
	[tilespmem:$0x1CC80] =	vst v63  }
0x162: {  	_ =	swait.ge [sflag:s22], $0x4000  }
0x163: {  	[sflag:s22] =	ssyncset.done $0x0  }
0x164: {  	s26 =	rddreg [dreg:$0xb];
	[sflag:s22] =	ssyncadd.s32 $0xFFFFC000  }
0x165: {  	[hbm4b:s26+s2] =	stream.linear.scatter [tilespmem:s15], [sflag:$0x7], $0x4000, $0x38;
	[tilespmem:$0x1CC80] =	vst v63  }
0x166: {  	_ =	swait.ge [sflag:s17], $0x4000  }
0x167: {  	s26 =	sld [smem:$0x7F4]  }
0x168: {  	[sflag:s17] =	ssyncset.done $0x0  }
0x169: {  	[sflag:s17] =	ssyncadd.s32 $0xFFFFC000  }
0x16a: {  	[tilespmem:s7], [sflag:$0x6] =	stream.indirect.gather [hbm4b:s3+s8], $0x80, s26, s8, $0xb8;
	[tilespmem:$0x1CC80] =	vst v63  }
0x16b: {  	_ =	swait.ge [sflag:s19], $0x4000  }
0x16c: {  	[sflag:s19] =	ssyncset.done $0x0  }
0x16d: {  	s26 =	rddreg [dreg:$0xc];
	[sflag:s19] =	ssyncadd.s32 $0xFFFFC000  }
0x16e: {  	[hbm4b:s26+s2] =	stream.linear.scatter [tilespmem:s13], [sflag:$0x8], $0x4000, $0x38;
	[tilespmem:$0x1CC80] =	vst v63  }
0x16f: {  	_ =	swait.ge [sflag:s5], $0x4000  }
0x170: {  	s26 =	sld [smem:$0x7F5]  }
0x171: {  	[sflag:s5] =	ssyncset.done $0x0  }
0x172: {  	[sflag:s5] =	ssyncadd.s32 $0xFFFFC000  }
0x173: {  	[tilespmem:s15], [sflag:$0x1] =	stream.indirect.gather [hbm4b:s3+s8], $0x80, s26, s8, $0xb8;
	[tilespmem:$0x1CC80] =	vst v63  }
0x174: {  	_ =	swait.ge [sflag:s20], $0x4000  }
0x175: {  	[sflag:s20] =	ssyncset.done $0x0  }
0x176: {  	s26 =	rddreg [dreg:$0xd];
	[sflag:s20] =	ssyncadd.s32 $0xFFFFC000  }
0x177: {  	[hbm4b:s26+s2] =	stream.linear.scatter [tilespmem:s11], [sflag:$0x9], $0x4000, $0x38;
	[tilespmem:$0x1CC80] =	vst v63  }
0x178: {  	_ =	swait.ge [sflag:s10], $0x4000  }
0x179: {  	s26 =	sld [smem:$0x7F6]  }
0x17a: {  	[sflag:s10] =	ssyncset.done $0x0  }
0x17b: {  	[sflag:s10] =	ssyncadd.s32 $0xFFFFC000  }
0x17c: {  	[tilespmem:s13], [sflag:$0x2] =	stream.indirect.gather [hbm4b:s3+s8], $0x80, s26, s8, $0xb8;
	[tilespmem:$0x1CC80] =	vst v63  }
0x17d: {  	_ =	swait.ge [sflag:s21], $0x4000  }
0x17e: {  	[sflag:s21] =	ssyncset.done $0x0  }
0x17f: {  	s26 =	rddreg [dreg:$0xe];
	[sflag:s21] =	ssyncadd.s32 $0xFFFFC000  }
0x180: {  	[hbm4b:s26+s2] =	stream.linear.scatter [tilespmem:s9], [sflag:$0xA], $0x4000, $0x38;
	[tilespmem:$0x1CC80] =	vst v63  }
0x181: {  	_ =	swait.ge [sflag:s12], $0x4000  }
0x182: {  	s26 =	sld [smem:$0x7F7]  }
0x183: {  	[sflag:s12] =	ssyncset.done $0x0  }
0x184: {  	[sflag:s12] =	ssyncadd.s32 $0xFFFFC000  }
0x185: {  	[tilespmem:s11], [sflag:$0x3] =	stream.indirect.gather [hbm4b:s3+s8], $0x80, s26, s8, $0xb8;
	[tilespmem:$0x1CC80] =	vst v63  }
0x186: {  	_ =	swait.ge [sflag:s23], $0x4000  }
0x187: {  	[sflag:s23] =	ssyncset.done $0x0  }
0x188: {  	s26 =	rddreg [dreg:$0xf];
	[sflag:s23] =	ssyncadd.s32 $0xFFFFC000  }
0x189: {  	[hbm4b:s26+s2] =	stream.linear.scatter [tilespmem:s6], [sflag:$0xB], $0x4000, $0x38;
	[tilespmem:$0x1CC80] =	vst v63  }
0x18a: {  	_ =	swait.ge [sflag:s14], $0x4000  }
0x18b: {  	s26 =	sld [smem:$0x7F8]  }
0x18c: {  	[sflag:s14] =	ssyncset.done $0x0  }
0x18d: {  	[sflag:s14] =	ssyncadd.s32 $0xFFFFC000  }
0x18e: {  	[tilespmem:s9], [sflag:$0x4] =	stream.indirect.gather [hbm4b:s3+s8], $0x80, s26, s8, $0xb8;
	[tilespmem:$0x1CC80] =	vst v63  }
0x18f: {  	_ =	swait.ge [sflag:s24], $0x4000  }
0x190: {  	[sflag:s24] =	ssyncset.done $0x0  }
0x191: {  	s26 =	rddreg [dreg:$0x10];
	[sflag:s24] =	ssyncadd.s32 $0xFFFFC000  }
0x192: {  	[hbm4b:s26+s2] =	stream.linear.scatter [tilespmem:s7], [sflag:$0xC], $0x4000, $0x38;
	[tilespmem:$0x1CC80] =	vst v63  }
0x193: {  	_ =	swait.ge [sflag:s16], $0x4000  }
0x194: {  	s26 =	sld [smem:$0x7F9]  }
0x195: {  	[sflag:s16] =	ssyncset.done $0x0  }
0x196: {  	[sflag:s16] =	ssyncadd.s32 $0xFFFFC000  }
0x197: {  	[tilespmem:s6], [sflag:$0x5] =	stream.indirect.gather [hbm4b:s3+s8], $0x80, s26, s8, $0xb8;
	[tilespmem:$0x1CC80] =	vst v63  }
0x198: {  	_ =	swait.ge [sflag:s22], $0x4000  }
0x199: {  	[sflag:s22] =	ssyncset.done $0x0  }
0x19a: {  	s26 =	rddreg [dreg:$0x11];
	[sflag:s22] =	ssyncadd.s32 $0xFFFFC000  }
0x19b: {  	[hbm4b:s26+s2] =	stream.linear.scatter [tilespmem:s15], [sflag:$0x7], $0x4000, $0x38;
	[tilespmem:$0x1CC80] =	vst v63  }
0x19c: {  	_ =	swait.ge [sflag:s17], $0x4000  }
0x19d: {  	s26 =	sld [smem:$0x7FA]  }
0x19e: {  	[sflag:s17] =	ssyncset.done $0x0  }
0x19f: {  	[sflag:s17] =	ssyncadd.s32 $0xFFFFC000  }
0x1a0: {  	[tilespmem:s7], [sflag:$0x6] =	stream.indirect.gather [hbm4b:s3+s8], $0x80, s26, s8, $0xb8;
	[tilespmem:$0x1CC80] =	vst v63  }
0x1a1: {  	_ =	swait.ge [sflag:s19], $0x4000  }
0x1a2: {  	[sflag:s19] =	ssyncset.done $0x0  }
0x1a3: {  	s26 =	rddreg [dreg:$0x12];
	[sflag:s19] =	ssyncadd.s32 $0xFFFFC000  }
0x1a4: {  	[hbm4b:s26+s2] =	stream.linear.scatter [tilespmem:s13], [sflag:$0x8], $0x4000, $0x38;
	[tilespmem:$0x1CC80] =	vst v63  }
0x1a5: {  	_ =	swait.ge [sflag:s5], $0x4000  }
0x1a6: {  	s26 =	sld [smem:$0x7FB]  }
0x1a7: {  	[sflag:s5] =	ssyncset.done $0x0  }
0x1a8: {  	[sflag:s5] =	ssyncadd.s32 $0xFFFFC000  }
0x1a9: {  	[tilespmem:s15], [sflag:$0x1] =	stream.indirect.gather [hbm4b:s3+s8], $0x80, s26, s8, $0xb8;
	[tilespmem:$0x1CC80] =	vst v63  }
0x1aa: {  	_ =	swait.ge [sflag:s20], $0x4000  }
0x1ab: {  	[sflag:s20] =	ssyncset.done $0x0  }
0x1ac: {  	s26 =	rddreg [dreg:$0x13];
	[sflag:s20] =	ssyncadd.s32 $0xFFFFC000  }
0x1ad: {  	[hbm4b:s26+s2] =	stream.linear.scatter [tilespmem:s11], [sflag:$0x9], $0x4000, $0x38;
	[tilespmem:$0x1CC80] =	vst v63  }
0x1ae: {  	_ =	swait.ge [sflag:s10], $0x4000  }
0x1af: {  	s26 =	sld [smem:$0x7FC]  }
0x1b0: {  	[sflag:s10] =	ssyncset.done $0x0  }
0x1b1: {  	[sflag:s10] =	ssyncadd.s32 $0xFFFFC000  }
0x1b2: {  	[tilespmem:s13], [sflag:$0x2] =	stream.indirect.gather [hbm4b:s3+s8], $0x80, s26, s8, $0xb8;
	[tilespmem:$0x1CC80] =	vst v63  }
0x1b3: {  	_ =	swait.ge [sflag:s21], $0x4000  }
0x1b4: {  	[sflag:s21] =	ssyncset.done $0x0  }
0x1b5: {  	s26 =	rddreg [dreg:$0x14];
	[sflag:s21] =	ssyncadd.s32 $0xFFFFC000  }
0x1b6: {  	[hbm4b:s26+s2] =	stream.linear.scatter [tilespmem:s9], [sflag:$0xA], $0x4000, $0x38;
	[tilespmem:$0x1CC80] =	vst v63  }
0x1b7: {  	_ =	swait.ge [sflag:s12], $0x4000  }
0x1b8: {  	s26 =	sld [smem:$0x7FD]  }
0x1b9: {  	[sflag:s12] =	ssyncset.done $0x0  }
0x1ba: {  	[sflag:s12] =	ssyncadd.s32 $0xFFFFC000  }
0x1bb: {  	[tilespmem:s11], [sflag:$0x3] =	stream.indirect.gather [hbm4b:s3+s8], $0x80, s26, s8, $0xb8;
	[tilespmem:$0x1CC80] =	vst v63  }
0x1bc: {  	_ =	swait.ge [sflag:s23], $0x4000  }
0x1bd: {  	[sflag:s23] =	ssyncset.done $0x0  }
0x1be: {  	s26 =	rddreg [dreg:$0x15];
	[sflag:s23] =	ssyncadd.s32 $0xFFFFC000  }
0x1bf: {  	[hbm4b:s26+s2] =	stream.linear.scatter [tilespmem:s6], [sflag:$0xB], $0x4000, $0x38;
	[tilespmem:$0x1CC80] =	vst v63  }
0x1c0: {  	_ =	swait.ge [sflag:s14], $0x4000  }
0x1c1: {  	[sflag:s14] =	ssyncset.done $0x0  }
0x1c2: {  	s26 =	simm.s32 $0xB00;
	[sflag:s14] =	ssyncadd.s32 $0xFFFFC000  }
0x1c3: {  	[tilespmem:s9], [sflag:$0x4] =	stream.indirect.gather [hbm4b:s3+s8], $0x80, s26, s8, $0xb8;
	[tilespmem:$0x1CC80] =	vst v63  }
0x1c4: {  	_ =	swait.ge [sflag:s24], $0x4000  }
0x1c5: {  	[sflag:s24] =	ssyncset.done $0x0  }
0x1c6: {  	s26 =	rddreg [dreg:$0x16];
	[sflag:s24] =	ssyncadd.s32 $0xFFFFC000  }
0x1c7: {  	[hbm4b:s26+s2] =	stream.linear.scatter [tilespmem:s7], [sflag:$0xC], $0x4000, $0x38;
	[tilespmem:$0x1CC80] =	vst v63  }
0x1c8: {  	_ =	swait.ge [sflag:s16], $0x4000  }
0x1c9: {  	[sflag:s16] =	ssyncset.done $0x0  }
0x1ca: {  	[sflag:s16] =	ssyncadd.s32 $0xFFFFC000  }
0x1cb: {  	[tilespmem:s6], [sflag:$0x5] =	stream.indirect.gather [hbm4b:s3+s8], $0x80, s29, s8, $0xb8;
	[tilespmem:$0x1CC80] =	vst v63  }
0x1cc: {  	_ =	swait.ge [sflag:s22], $0x4000  }
0x1cd: {  	[sflag:s22] =	ssyncset.done $0x0  }
0x1ce: {  	s26 =	rddreg [dreg:$0x17];
	[sflag:s22] =	ssyncadd.s32 $0xFFFFC000  }
0x1cf: {  	[hbm4b:s26+s2] =	stream.linear.scatter [tilespmem:s15], [sflag:$0x7], $0x4000, $0x38;
	[tilespmem:$0x1CC80] =	vst v63  }
0x1d0: {  	_ =	swait.ge [sflag:s17], $0x4000  }
0x1d1: {  	[sflag:s17] =	ssyncset.done $0x0  }
0x1d2: {  	[sflag:s17] =	ssyncadd.s32 $0xFFFFC000  }
0x1d3: {  	[tilespmem:s7], [sflag:$0x6] =	stream.indirect.gather [hbm4b:s3+s8], $0x80, s28, s8, $0xb8;
	[tilespmem:$0x1CC80] =	vst v63  }
0x1d4: {  	_ =	swait.ge [sflag:s19], $0x4000  }
0x1d5: {  	[sflag:s19] =	ssyncset.done $0x0  }
0x1d6: {  	s26 =	rddreg [dreg:$0x18];
	[sflag:s19] =	ssyncadd.s32 $0xFFFFC000  }
0x1d7: {  	[hbm4b:s26+s2] =	stream.linear.scatter [tilespmem:s13], [sflag:$0x8], $0x4000, $0x38;
	[tilespmem:$0x1CC80] =	vst v63  }
0x1d8: {  	_ =	swait.ge [sflag:s20], $0x4000  }
0x1d9: {  	[sflag:s20] =	ssyncset.done $0x0  }
0x1da: {  	s26 =	rddreg [dreg:$0x19];
	[sflag:s20] =	ssyncadd.s32 $0xFFFFC000  }
0x1db: {  	[hbm4b:s26+s2] =	stream.linear.scatter [tilespmem:s11], [sflag:$0x9], $0x4000, $0x38;
	[tilespmem:$0x1CC80] =	vst v63  }
0x1dc: {  	_ =	swait.ge [sflag:s21], $0x4000  }
0x1dd: {  	[sflag:s21] =	ssyncset.done $0x0  }
0x1de: {  	s26 =	rddreg [dreg:$0x1a];
	[sflag:s21] =	ssyncadd.s32 $0xFFFFC000  }
0x1df: {  	[hbm4b:s26+s2] =	stream.linear.scatter [tilespmem:s9], [sflag:$0xA], $0x4000, $0x38;
	[tilespmem:$0x1CC80] =	vst v63  }
0x1e0: {  	_ =	swait.ge [sflag:s23], $0x4000  }
0x1e1: {  	[sflag:s23] =	ssyncset.done $0x0  }
0x1e2: {  	s26 =	rddreg [dreg:$0x1b];
	[sflag:s23] =	ssyncadd.s32 $0xFFFFC000  }
0x1e3: {  	[hbm4b:s26+s2] =	stream.linear.scatter [tilespmem:s6], [sflag:$0xB], $0x4000, $0x38;
	[tilespmem:$0x1CC80] =	vst v63  }
0x1e4: {  	_ =	swait.ge [sflag:s24], $0x4000  }
0x1e5: {  	[sflag:s24] =	ssyncset.done $0x0  }
0x1e6: {  	s26 =	rddreg [dreg:$0x1c];
	[sflag:s24] =	ssyncadd.s32 $0xFFFFC000  }
0x1e7: {  	[hbm4b:s26+s2] =	stream.linear.scatter [tilespmem:s7], [sflag:$0xC], $0x4000, $0x38;
	[tilespmem:$0x1CC80] =	vst v63  }
0x1e8: {  	_ =	swait.ge [sflag:s25], $0x4000  }
0x1e9: {  	[sflag:s25] =	ssyncset.done $0x0  }
0x1ea: {  	s26 =	rddreg [dreg:$0x1d];
	[sflag:s25] =	ssyncadd.s32 $0xFFFFC000  }
0x1eb: {  	[hbm4b:s26+s2] =	stream.linear.scatter [tilespmem:s4], [sflag:$0xE], $0x4000, $0x38;
	[tilespmem:$0x1CC80] =	vst v63  }
0x1ec: {  	_ =	swait.ge [sflag:s5], $0x4000  }
0x1ed: {  	[sflag:s5] =	ssyncset.done $0x0  }
0x1ee: {  	[sflag:s5] =	ssyncadd.s32 $0xFFFFC000  }
0x1ef: {  	_ =	swait.ge [sflag:s10], $0x4000  }
0x1f0: {  	[sflag:s10] =	ssyncset.done $0x0  }
0x1f1: {  	[sflag:s10] =	ssyncadd.s32 $0xFFFFC000  }
0x1f2: {  	_ =	swait.ge [sflag:s12], $0x4000  }
0x1f3: {  	[sflag:s12] =	ssyncset.done $0x0  }
0x1f4: {  	[sflag:s12] =	ssyncadd.s32 $0xFFFFC000  }
0x1f5: {  	_ =	swait.ge [sflag:s14], $0x4000  }
0x1f6: {  	[sflag:s14] =	ssyncset.done $0x0  }
0x1f7: {  	[sflag:s14] =	ssyncadd.s32 $0xFFFFC000  }
0x1f8: {  	_ =	swait.ge [sflag:s16], $0x4000  }
0x1f9: {  	[sflag:s16] =	ssyncset.done $0x0  }
0x1fa: {  	p1 =	sne.s32 s1, $0x1;
	[sflag:s16] =	ssyncadd.s32 $0xFFFFC000  }
.Ltmp2:
0x1fb: {  	_ =	swait.ge [sflag:s17], $0x4000;
	(pc) =	sbr.rel @p1 .LBB2_4-.Ltmp2, $4  }
0x1fc: {  	[sflag:s17] =	ssyncset.done $0x0  }
0x1fd: {  	[sflag:s17] =	ssyncadd.s32 $0xFFFFC000  }
0x1fe: {  	_ =	swait.ge [sflag:s18], $0x4000  }
0x1ff: {  	s1 =	sadd.s32 $0xFFFFFFFF, s1;
	s0 =	rddreg [dreg:$0x4];
	[sflag:s18] =	ssyncset.done $0x0  }
0x200: {  	s28 =	simm.s32 $0xB00;
	s29 =	simm.s32 $0xB80;
	s26 =	stileid.u32  }
.LBB2_6:
0x201: {  	[sflag:s18] =	ssyncadd.s32 @p0 $0xFFFFC000  }
0x202: {  	[tilespmem:s2], [sflag:$0xF] =	stream.linear.gather [hbm4b:s0+s2], $0x80, $0x38;
	[tilespmem:$0x1CC80] =	vst v63  }
0x203: {  	_ =	swait.ge [sflag:s31], $0x80  }
0x204: {  	[sflag:s31] =	ssyncset.done $0x0  }
0x205: {  	s1 =	rddreg [dreg:$0x5];
	[sflag:s31] =	ssyncadd.s32 $0xFFFFFF80  }
0x206: {  	[tilespmem:s8], [sflag:$0xF] =	stream.linear.gather [hbm4b:s1+s2], $0xC00, $0x38;
	[tilespmem:$0x1CC80] =	vst v63  }
0x207: {  	_ =	swait.ge [sflag:s31], $0xC00  }
0x208: {  	[sflag:s31] =	ssyncset.done $0x0  }
0x209: {  	[sflag:s31] =	ssyncadd.s32 $0xFFFFF400  }
0x20a: {  	[tilespmem:s4], [sflag:$0xD] =	stream.indirect.gather [hbm4b:s3+s8], $0x80, s2, s8, $0xb8;
	[tilespmem:$0x1CC80] =	vst v63  }
0x20b: {  	s1 =	rddreg [dreg:$0x1f]  }
0x20c: {  	[tilespmem:s15], [sflag:$0x1] =	stream.indirect.gather [hbm4b:s3+s8], $0x80, s8, s8, $0xb8;
	[tilespmem:$0x1CC80] =	vst v63  }
0x20d: {  	s31 =	rddreg [dreg:$0x1e]  }
0x20e: {  	[tilespmem:s13], [sflag:$0x2] =	stream.indirect.gather [hbm4b:s3+s8], $0x80, s31, s8, $0xb8;
	[tilespmem:$0x1CC80] =	vst v63  }
0x20f: {  	s0 =	sld [smem:$0x7EC]  }
0x210: {  	[tilespmem:s11], [sflag:$0x3] =	stream.indirect.gather [hbm4b:s3+s8], $0x80, s1, s8, $0xb8;
	[tilespmem:$0x1CC80] =	vst v63  }
0x211: {  	s31 =	sld [smem:$0x7ED]  }
0x212: {  	[tilespmem:s9], [sflag:$0x4] =	stream.indirect.gather [hbm4b:s3+s8], $0x80, s0, s8, $0xb8;
	[tilespmem:$0x1CC80] =	vst v63  }
0x213: {  	_ = 	snop  }
0x214: {  	[tilespmem:s6], [sflag:$0x5] =	stream.indirect.gather [hbm4b:s3+s8], $0x80, s31, s8, $0xb8;
	[tilespmem:$0x1CC80] =	vst v63  }
0x215: {  	_ =	swait.ge [sflag:s22], $0x4000  }
0x216: {  	[sflag:s22] =	ssyncset.done $0x0  }
0x217: {  	s31 =	sld [smem:$0x7EE];
	[sflag:s22] =	ssyncadd.s32 $0xFFFFC000  }
0x218: {  	[hbm4b:s30+s2] =	stream.linear.scatter [tilespmem:s15], [sflag:$0x7], $0x4000, $0x38;
	[tilespmem:$0x1CC80] =	vst v63  }
0x219: {  	_ = 	snop  }
0x21a: {  	[tilespmem:s7], [sflag:$0x6] =	stream.indirect.gather [hbm4b:s3+s8], $0x80, s31, s8, $0xb8;
	[tilespmem:$0x1CC80] =	vst v63  }
0x21b: {  	_ =	swait.ge [sflag:s19], $0x4000  }
0x21c: {  	[sflag:s19] =	ssyncset.done $0x0  }
0x21d: {  	s1 =	rddreg [dreg:$0x6];
	[sflag:s19] =	ssyncadd.s32 $0xFFFFC000  }
0x21e: {  	[hbm4b:s1+s2] =	stream.linear.scatter [tilespmem:s13], [sflag:$0x8], $0x4000, $0x38;
	[tilespmem:$0x1CC80] =	vst v63  }
0x21f: {  	_ =	swait.ge [sflag:s5], $0x4000  }
0x220: {  	s30 =	sld [smem:$0x7EF]  }
0x221: {  	[sflag:s5] =	ssyncset.done $0x0  }
0x222: {  	[sflag:s5] =	ssyncadd.s32 $0xFFFFC000  }
0x223: {  	[tilespmem:s15], [sflag:$0x1] =	stream.indirect.gather [hbm4b:s3+s8], $0x80, s30, s8, $0xb8;
	[tilespmem:$0x1CC80] =	vst v63  }
0x224: {  	_ =	swait.ge [sflag:s20], $0x4000  }
0x225: {  	[sflag:s20] =	ssyncset.done $0x0  }
0x226: {  	s31 =	rddreg [dreg:$0x7];
	[sflag:s20] =	ssyncadd.s32 $0xFFFFC000  }
0x227: {  	[hbm4b:s31+s2] =	stream.linear.scatter [tilespmem:s11], [sflag:$0x9], $0x4000, $0x38;
	[tilespmem:$0x1CC80] =	vst v63  }
0x228: {  	_ =	swait.ge [sflag:s10], $0x4000  }
0x229: {  	s1 =	sld [smem:$0x7F0]  }
0x22a: {  	[sflag:s10] =	ssyncset.done $0x0  }
0x22b: {  	[sflag:s10] =	ssyncadd.s32 $0xFFFFC000  }
0x22c: {  	[tilespmem:s13], [sflag:$0x2] =	stream.indirect.gather [hbm4b:s3+s8], $0x80, s1, s8, $0xb8;
	[tilespmem:$0x1CC80] =	vst v63  }
0x22d: {  	_ =	swait.ge [sflag:s21], $0x4000  }
0x22e: {  	[sflag:s21] =	ssyncset.done $0x0  }
0x22f: {  	s30 =	rddreg [dreg:$0x8];
	[sflag:s21] =	ssyncadd.s32 $0xFFFFC000  }
0x230: {  	[hbm4b:s30+s2] =	stream.linear.scatter [tilespmem:s9], [sflag:$0xA], $0x4000, $0x38;
	[tilespmem:$0x1CC80] =	vst v63  }
0x231: {  	_ =	swait.ge [sflag:s12], $0x4000  }
0x232: {  	s31 =	sld [smem:$0x7F1]  }
0x233: {  	[sflag:s12] =	ssyncset.done $0x0  }
0x234: {  	[sflag:s12] =	ssyncadd.s32 $0xFFFFC000  }
0x235: {  	[tilespmem:s11], [sflag:$0x3] =	stream.indirect.gather [hbm4b:s3+s8], $0x80, s31, s8, $0xb8;
	[tilespmem:$0x1CC80] =	vst v63  }
0x236: {  	_ =	swait.ge [sflag:s23], $0x4000  }
0x237: {  	[sflag:s23] =	ssyncset.done $0x0  }
0x238: {  	s1 =	rddreg [dreg:$0x9];
	[sflag:s23] =	ssyncadd.s32 $0xFFFFC000  }
0x239: {  	[hbm4b:s1+s2] =	stream.linear.scatter [tilespmem:s6], [sflag:$0xB], $0x4000, $0x38;
	[tilespmem:$0x1CC80] =	vst v63  }
0x23a: {  	_ =	swait.ge [sflag:s14], $0x4000  }
0x23b: {  	s30 =	sld [smem:$0x7F2]  }
0x23c: {  	[sflag:s14] =	ssyncset.done $0x0  }
0x23d: {  	[sflag:s14] =	ssyncadd.s32 $0xFFFFC000  }
0x23e: {  	[tilespmem:s9], [sflag:$0x4] =	stream.indirect.gather [hbm4b:s3+s8], $0x80, s30, s8, $0xb8;
	[tilespmem:$0x1CC80] =	vst v63  }
0x23f: {  	_ =	swait.ge [sflag:s24], $0x4000  }
0x240: {  	[sflag:s24] =	ssyncset.done $0x0  }
0x241: {  	s31 =	rddreg [dreg:$0xa];
	[sflag:s24] =	ssyncadd.s32 $0xFFFFC000  }
0x242: {  	[hbm4b:s31+s2] =	stream.linear.scatter [tilespmem:s7], [sflag:$0xC], $0x4000, $0x38;
	[tilespmem:$0x1CC80] =	vst v63  }
0x243: {  	_ =	swait.ge [sflag:s16], $0x4000  }
0x244: {  	s1 =	sld [smem:$0x7F3]  }
0x245: {  	[sflag:s16] =	ssyncset.done $0x0  }
0x246: {  	[sflag:s16] =	ssyncadd.s32 $0xFFFFC000  }
0x247: {  	[tilespmem:s6], [sflag:$0x5] =	stream.indirect.gather [hbm4b:s3+s8], $0x80, s1, s8, $0xb8;
	[tilespmem:$0x1CC80] =	vst v63  }
0x248: {  	_ =	swait.ge [sflag:s22], $0x4000  }
0x249: {  	[sflag:s22] =	ssyncset.done $0x0  }
0x24a: {  	s30 =	rddreg [dreg:$0xb];
	[sflag:s22] =	ssyncadd.s32 $0xFFFFC000  }
0x24b: {  	[hbm4b:s30+s2] =	stream.linear.scatter [tilespmem:s15], [sflag:$0x7], $0x4000, $0x38;
	[tilespmem:$0x1CC80] =	vst v63  }
0x24c: {  	_ =	swait.ge [sflag:s17], $0x4000  }
0x24d: {  	s31 =	sld [smem:$0x7F4]  }
0x24e: {  	[sflag:s17] =	ssyncset.done $0x0  }
0x24f: {  	[sflag:s17] =	ssyncadd.s32 $0xFFFFC000  }
0x250: {  	[tilespmem:s7], [sflag:$0x6] =	stream.indirect.gather [hbm4b:s3+s8], $0x80, s31, s8, $0xb8;
	[tilespmem:$0x1CC80] =	vst v63  }
0x251: {  	_ =	swait.ge [sflag:s19], $0x4000  }
0x252: {  	[sflag:s19] =	ssyncset.done $0x0  }
0x253: {  	s1 =	rddreg [dreg:$0xc];
	[sflag:s19] =	ssyncadd.s32 $0xFFFFC000  }
0x254: {  	[hbm4b:s1+s2] =	stream.linear.scatter [tilespmem:s13], [sflag:$0x8], $0x4000, $0x38;
	[tilespmem:$0x1CC80] =	vst v63  }
0x255: {  	_ =	swait.ge [sflag:s5], $0x4000  }
0x256: {  	s30 =	sld [smem:$0x7F5]  }
0x257: {  	[sflag:s5] =	ssyncset.done $0x0  }
0x258: {  	[sflag:s5] =	ssyncadd.s32 $0xFFFFC000  }
0x259: {  	[tilespmem:s15], [sflag:$0x1] =	stream.indirect.gather [hbm4b:s3+s8], $0x80, s30, s8, $0xb8;
	[tilespmem:$0x1CC80] =	vst v63  }
0x25a: {  	_ =	swait.ge [sflag:s20], $0x4000  }
0x25b: {  	[sflag:s20] =	ssyncset.done $0x0  }
0x25c: {  	s31 =	rddreg [dreg:$0xd];
	[sflag:s20] =	ssyncadd.s32 $0xFFFFC000  }
0x25d: {  	[hbm4b:s31+s2] =	stream.linear.scatter [tilespmem:s11], [sflag:$0x9], $0x4000, $0x38;
	[tilespmem:$0x1CC80] =	vst v63  }
0x25e: {  	_ =	swait.ge [sflag:s10], $0x4000  }
0x25f: {  	s1 =	sld [smem:$0x7F6]  }
0x260: {  	[sflag:s10] =	ssyncset.done $0x0  }
0x261: {  	[sflag:s10] =	ssyncadd.s32 $0xFFFFC000  }
0x262: {  	[tilespmem:s13], [sflag:$0x2] =	stream.indirect.gather [hbm4b:s3+s8], $0x80, s1, s8, $0xb8;
	[tilespmem:$0x1CC80] =	vst v63  }
0x263: {  	_ =	swait.ge [sflag:s21], $0x4000  }
0x264: {  	[sflag:s21] =	ssyncset.done $0x0  }
0x265: {  	s30 =	rddreg [dreg:$0xe];
	[sflag:s21] =	ssyncadd.s32 $0xFFFFC000  }
0x266: {  	[hbm4b:s30+s2] =	stream.linear.scatter [tilespmem:s9], [sflag:$0xA], $0x4000, $0x38;
	[tilespmem:$0x1CC80] =	vst v63  }
0x267: {  	_ =	swait.ge [sflag:s12], $0x4000  }
0x268: {  	s31 =	sld [smem:$0x7F7]  }
0x269: {  	[sflag:s12] =	ssyncset.done $0x0  }
0x26a: {  	[sflag:s12] =	ssyncadd.s32 $0xFFFFC000  }
0x26b: {  	[tilespmem:s11], [sflag:$0x3] =	stream.indirect.gather [hbm4b:s3+s8], $0x80, s31, s8, $0xb8;
	[tilespmem:$0x1CC80] =	vst v63  }
0x26c: {  	_ =	swait.ge [sflag:s23], $0x4000  }
0x26d: {  	[sflag:s23] =	ssyncset.done $0x0  }
0x26e: {  	s1 =	rddreg [dreg:$0xf];
	[sflag:s23] =	ssyncadd.s32 $0xFFFFC000  }
0x26f: {  	[hbm4b:s1+s2] =	stream.linear.scatter [tilespmem:s6], [sflag:$0xB], $0x4000, $0x38;
	[tilespmem:$0x1CC80] =	vst v63  }
0x270: {  	_ =	swait.ge [sflag:s14], $0x4000  }
0x271: {  	s30 =	sld [smem:$0x7F8]  }
0x272: {  	[sflag:s14] =	ssyncset.done $0x0  }
0x273: {  	[sflag:s14] =	ssyncadd.s32 $0xFFFFC000  }
0x274: {  	[tilespmem:s9], [sflag:$0x4] =	stream.indirect.gather [hbm4b:s3+s8], $0x80, s30, s8, $0xb8;
	[tilespmem:$0x1CC80] =	vst v63  }
0x275: {  	_ =	swait.ge [sflag:s24], $0x4000  }
0x276: {  	[sflag:s24] =	ssyncset.done $0x0  }
0x277: {  	s31 =	rddreg [dreg:$0x10];
	[sflag:s24] =	ssyncadd.s32 $0xFFFFC000  }
0x278: {  	[hbm4b:s31+s2] =	stream.linear.scatter [tilespmem:s7], [sflag:$0xC], $0x4000, $0x38;
	[tilespmem:$0x1CC80] =	vst v63  }
0x279: {  	_ =	swait.ge [sflag:s16], $0x4000  }
0x27a: {  	s1 =	sld [smem:$0x7F9]  }
0x27b: {  	[sflag:s16] =	ssyncset.done $0x0  }
0x27c: {  	[sflag:s16] =	ssyncadd.s32 $0xFFFFC000  }
0x27d: {  	[tilespmem:s6], [sflag:$0x5] =	stream.indirect.gather [hbm4b:s3+s8], $0x80, s1, s8, $0xb8;
	[tilespmem:$0x1CC80] =	vst v63  }
0x27e: {  	_ =	swait.ge [sflag:s22], $0x4000  }
0x27f: {  	[sflag:s22] =	ssyncset.done $0x0  }
0x280: {  	s30 =	rddreg [dreg:$0x11];
	[sflag:s22] =	ssyncadd.s32 $0xFFFFC000  }
0x281: {  	[hbm4b:s30+s2] =	stream.linear.scatter [tilespmem:s15], [sflag:$0x7], $0x4000, $0x38;
	[tilespmem:$0x1CC80] =	vst v63  }
0x282: {  	_ =	swait.ge [sflag:s17], $0x4000  }
0x283: {  	s31 =	sld [smem:$0x7FA]  }
0x284: {  	[sflag:s17] =	ssyncset.done $0x0  }
0x285: {  	[sflag:s17] =	ssyncadd.s32 $0xFFFFC000  }
0x286: {  	[tilespmem:s7], [sflag:$0x6] =	stream.indirect.gather [hbm4b:s3+s8], $0x80, s31, s8, $0xb8;
	[tilespmem:$0x1CC80] =	vst v63  }
0x287: {  	_ =	swait.ge [sflag:s19], $0x4000  }
0x288: {  	[sflag:s19] =	ssyncset.done $0x0  }
0x289: {  	s1 =	rddreg [dreg:$0x12];
	[sflag:s19] =	ssyncadd.s32 $0xFFFFC000  }
0x28a: {  	[hbm4b:s1+s2] =	stream.linear.scatter [tilespmem:s13], [sflag:$0x8], $0x4000, $0x38;
	[tilespmem:$0x1CC80] =	vst v63  }
0x28b: {  	_ =	swait.ge [sflag:s5], $0x4000  }
0x28c: {  	s30 =	sld [smem:$0x7FB]  }
0x28d: {  	[sflag:s5] =	ssyncset.done $0x0  }
0x28e: {  	[sflag:s5] =	ssyncadd.s32 $0xFFFFC000  }
0x28f: {  	[tilespmem:s15], [sflag:$0x1] =	stream.indirect.gather [hbm4b:s3+s8], $0x80, s30, s8, $0xb8;
	[tilespmem:$0x1CC80] =	vst v63  }
0x290: {  	_ =	swait.ge [sflag:s20], $0x4000  }
0x291: {  	[sflag:s20] =	ssyncset.done $0x0  }
0x292: {  	s31 =	rddreg [dreg:$0x13];
	[sflag:s20] =	ssyncadd.s32 $0xFFFFC000  }
0x293: {  	[hbm4b:s31+s2] =	stream.linear.scatter [tilespmem:s11], [sflag:$0x9], $0x4000, $0x38;
	[tilespmem:$0x1CC80] =	vst v63  }
0x294: {  	_ =	swait.ge [sflag:s10], $0x4000  }
0x295: {  	s1 =	sld [smem:$0x7FC]  }
0x296: {  	[sflag:s10] =	ssyncset.done $0x0  }
0x297: {  	[sflag:s10] =	ssyncadd.s32 $0xFFFFC000  }
0x298: {  	[tilespmem:s13], [sflag:$0x2] =	stream.indirect.gather [hbm4b:s3+s8], $0x80, s1, s8, $0xb8;
	[tilespmem:$0x1CC80] =	vst v63  }
0x299: {  	_ =	swait.ge [sflag:s21], $0x4000  }
0x29a: {  	[sflag:s21] =	ssyncset.done $0x0  }
0x29b: {  	s30 =	rddreg [dreg:$0x14];
	[sflag:s21] =	ssyncadd.s32 $0xFFFFC000  }
0x29c: {  	[hbm4b:s30+s2] =	stream.linear.scatter [tilespmem:s9], [sflag:$0xA], $0x4000, $0x38;
	[tilespmem:$0x1CC80] =	vst v63  }
0x29d: {  	_ =	swait.ge [sflag:s12], $0x4000  }
0x29e: {  	s31 =	sld [smem:$0x7FD]  }
0x29f: {  	[sflag:s12] =	ssyncset.done $0x0  }
0x2a0: {  	[sflag:s12] =	ssyncadd.s32 $0xFFFFC000  }
0x2a1: {  	[tilespmem:s11], [sflag:$0x3] =	stream.indirect.gather [hbm4b:s3+s8], $0x80, s31, s8, $0xb8;
	[tilespmem:$0x1CC80] =	vst v63  }
0x2a2: {  	_ =	swait.ge [sflag:s23], $0x4000  }
0x2a3: {  	[sflag:s23] =	ssyncset.done $0x0  }
0x2a4: {  	s1 =	rddreg [dreg:$0x15];
	[sflag:s23] =	ssyncadd.s32 $0xFFFFC000  }
0x2a5: {  	[hbm4b:s1+s2] =	stream.linear.scatter [tilespmem:s6], [sflag:$0xB], $0x4000, $0x38;
	[tilespmem:$0x1CC80] =	vst v63  }
0x2a6: {  	_ =	swait.ge [sflag:s14], $0x4000  }
0x2a7: {  	[sflag:s14] =	ssyncset.done $0x0  }
0x2a8: {  	[sflag:s14] =	ssyncadd.s32 $0xFFFFC000  }
0x2a9: {  	[tilespmem:s9], [sflag:$0x4] =	stream.indirect.gather [hbm4b:s3+s8], $0x80, s28, s8, $0xb8;
	[tilespmem:$0x1CC80] =	vst v63  }
0x2aa: {  	_ =	swait.ge [sflag:s24], $0x4000  }
0x2ab: {  	[sflag:s24] =	ssyncset.done $0x0  }
0x2ac: {  	s30 =	rddreg [dreg:$0x16];
	[sflag:s24] =	ssyncadd.s32 $0xFFFFC000  }
0x2ad: {  	[hbm4b:s30+s2] =	stream.linear.scatter [tilespmem:s7], [sflag:$0xC], $0x4000, $0x38;
	[tilespmem:$0x1CC80] =	vst v63  }
0x2ae: {  	_ =	swait.ge [sflag:s16], $0x4000  }
0x2af: {  	[sflag:s16] =	ssyncset.done $0x0  }
0x2b0: {  	[sflag:s16] =	ssyncadd.s32 $0xFFFFC000  }
0x2b1: {  	[tilespmem:s6], [sflag:$0x5] =	stream.indirect.gather [hbm4b:s3+s8], $0x80, s29, s8, $0xb8;
	[tilespmem:$0x1CC80] =	vst v63  }
0x2b2: {  	_ =	swait.ge [sflag:s22], $0x4000  }
0x2b3: {  	[sflag:s22] =	ssyncset.done $0x0  }
0x2b4: {  	s31 =	rddreg [dreg:$0x17];
	[sflag:s22] =	ssyncadd.s32 $0xFFFFC000  }
0x2b5: {  	[hbm4b:s31+s2] =	stream.linear.scatter [tilespmem:s15], [sflag:$0x7], $0x4000, $0x38;
	[tilespmem:$0x1CC80] =	vst v63  }
0x2b6: {  	_ =	swait.ge [sflag:s17], $0x4000  }
0x2b7: {  	[sflag:s17] =	ssyncset.done $0x0  }
0x2b8: {  	s1 =	simm.s32 $0xC00;
	[sflag:s17] =	ssyncadd.s32 $0xFFFFC000  }
0x2b9: {  	[tilespmem:s7], [sflag:$0x6] =	stream.indirect.gather [hbm4b:s3+s8], $0x80, s1, s8, $0xb8;
	[tilespmem:$0x1CC80] =	vst v63  }
0x2ba: {  	_ =	swait.ge [sflag:s19], $0x4000  }
0x2bb: {  	[sflag:s19] =	ssyncset.done $0x0  }
0x2bc: {  	s15 =	rddreg [dreg:$0x18];
	[sflag:s19] =	ssyncadd.s32 $0xFFFFC000  }
0x2bd: {  	[hbm4b:s15+s2] =	stream.linear.scatter [tilespmem:s13], [sflag:$0x8], $0x4000, $0x38;
	[tilespmem:$0x1CC80] =	vst v63  }
0x2be: {  	_ =	swait.ge [sflag:s20], $0x4000  }
0x2bf: {  	[sflag:s20] =	ssyncset.done $0x0  }
0x2c0: {  	s22 =	rddreg [dreg:$0x19];
	[sflag:s20] =	ssyncadd.s32 $0xFFFFC000  }
0x2c1: {  	[hbm4b:s22+s2] =	stream.linear.scatter [tilespmem:s11], [sflag:$0x9], $0x4000, $0x38;
	[tilespmem:$0x1CC80] =	vst v63  }
0x2c2: {  	_ =	swait.ge [sflag:s21], $0x4000  }
0x2c3: {  	[sflag:s21] =	ssyncset.done $0x0  }
0x2c4: {  	s28 =	rddreg [dreg:$0x1a];
	[sflag:s21] =	ssyncadd.s32 $0xFFFFC000  }
0x2c5: {  	[hbm4b:s28+s2] =	stream.linear.scatter [tilespmem:s9], [sflag:$0xA], $0x4000, $0x38;
	[tilespmem:$0x1CC80] =	vst v63  }
0x2c6: {  	_ =	swait.ge [sflag:s23], $0x4000  }
0x2c7: {  	[sflag:s23] =	ssyncset.done $0x0  }
0x2c8: {  	s29 =	rddreg [dreg:$0x1b];
	[sflag:s23] =	ssyncadd.s32 $0xFFFFC000  }
0x2c9: {  	[hbm4b:s29+s2] =	stream.linear.scatter [tilespmem:s6], [sflag:$0xB], $0x4000, $0x38;
	[tilespmem:$0x1CC80] =	vst v63  }
0x2ca: {  	_ =	swait.ge [sflag:s24], $0x4000  }
0x2cb: {  	[sflag:s24] =	ssyncset.done $0x0  }
0x2cc: {  	s30 =	rddreg [dreg:$0x1c];
	[sflag:s24] =	ssyncadd.s32 $0xFFFFC000  }
0x2cd: {  	[hbm4b:s30+s2] =	stream.linear.scatter [tilespmem:s7], [sflag:$0xC], $0x4000, $0x38;
	[tilespmem:$0x1CC80] =	vst v63  }
0x2ce: {  	_ =	swait.ge [sflag:s25], $0x4000  }
0x2cf: {  	[sflag:s25] =	ssyncset.done $0x0  }
0x2d0: {  	s31 =	rddreg [dreg:$0x1d];
	[sflag:s25] =	ssyncadd.s32 $0xFFFFC000  }
0x2d1: {  	[hbm4b:s31+s2] =	stream.linear.scatter [tilespmem:s4], [sflag:$0xE], $0x4000, $0x38;
	[tilespmem:$0x1CC80] =	vst v63  }
0x2d2: {  	_ =	swait.ge [sflag:s5], $0x4000  }
0x2d3: {  	[sflag:s5] =	ssyncset.done $0x0  }
0x2d4: {  	[sflag:s5] =	ssyncadd.s32 $0xFFFFC000  }
0x2d5: {  	_ =	swait.ge [sflag:s10], $0x4000  }
0x2d6: {  	[sflag:s10] =	ssyncset.done $0x0  }
0x2d7: {  	[sflag:s10] =	ssyncadd.s32 $0xFFFFC000  }
0x2d8: {  	_ =	swait.ge [sflag:s12], $0x4000  }
0x2d9: {  	[sflag:s12] =	ssyncset.done $0x0  }
0x2da: {  	[sflag:s12] =	ssyncadd.s32 $0xFFFFC000  }
0x2db: {  	_ =	swait.ge [sflag:s14], $0x4000  }
0x2dc: {  	[sflag:s14] =	ssyncset.done $0x0  }
0x2dd: {  	[sflag:s14] =	ssyncadd.s32 $0xFFFFC000  }
0x2de: {  	_ =	swait.ge [sflag:s16], $0x4000  }
0x2df: {  	[sflag:s16] =	ssyncset.done $0x0  }
0x2e0: {  	[sflag:s16] =	ssyncadd.s32 $0xFFFFC000  }
0x2e1: {  	_ =	swait.ge [sflag:s17], $0x4000  }
0x2e2: {  	[sflag:s17] =	ssyncset.done $0x0  }
0x2e3: {  	[sflag:s17] =	ssyncadd.s32 $0xFFFFC000  }
0x2e4: {  	_ =	swait.ge [sflag:s18], $0x4000  }
0x2e5: {  	[sflag:s18] =	ssyncset.done $0x0  }
0x2e6: {  	[sflag:s18] =	ssyncadd.s32 $0xFFFFC000  }
0x2e7: {  	_ =	sfence.sel $0x180000  }
0x2e8: {  	[bflag:$0x0] =	sbarrier.arrive $0xFFFF  }
0x2e9: {  	_ =	strace $0x90000047  }
0x2ea: {  	[bflag:$0x2] =	sbarrier.arrive $0xFFFF  }
0x2eb: {  	p0 =	sne.s32 s26, $0x0;
	s0 =	rddreg [dreg:$0x3]  }
0x2ec: {  	s0 =	sadd.s32 @!p0 $0x100000, s0  }
0x2ed: {  	[sflag:s0] =	ssyncadd.tile.s32 @!p0 $0x1;
	_ =	shalt  }
.LBB2_1:
.Ltmp3:
0x2ee: {  	(pc) =	sbr.rel .LBB2_6-.Ltmp3, $2  }
0x2ef: {  	_ =	sdelay $0x2  }
0x2f0: {  	s28 =	simm.s32 $0xB00;
	s29 =	simm.s32 $0xB80  }
.LBB2_3:
.Ltmp4:
0x2f1: {  	(pc) =	sbr.rel .LBB2_6-.Ltmp4, $2  }
0x2f2: {  	_ =	sdelay $0x2  }
0x2f3: {  	s28 =	simm.s32 $0xB00;
	s29 =	simm.s32 $0xB80;
	s26 =	stileid.u32  }
.Lfunc_end2:
_tile_overlayer_lowered:
.L_overlay_start_2:
0x2f4: {  	(tag) =	ssettag $0x2  }
0x2f5: {  	s0 =	rddreg [dreg:$0x0];
	s2 =	stileid.u32  }
0x2f6: {  	s1 =	rddreg [dreg:$0x1];
	p0 =	sne.s32 s2, $0x0  }
0x2f7: {  	s3 =	rddreg [dreg:$0x2];
	[bflag:$0x3] =	sbarrier.arrive $0xFFFF;
	s2 =	simm.s32 @!p0 $0x1C0F  }
0x2f8: {  	[timem:s3], [sflag:s2] =	dma.local @!p0 [hbm:s0], s1  }
0x2f9: {  	s0 =	simm.s32 @!p0 $0xF  }
0x2fa: {  	_ =	swait.ge @!p0 [sflag:s0], s1  }
0x2fb: {  	s1 =	ssub.s32 @!p0 $0x0, s1;
	[sflag:s0] =	ssyncset.done @!p0 $0x0  }
0x2fc: {  	[sflag:s0] =	ssyncadd.s32 @!p0 s1  }
0x2fd: {  	[bflag:$0x3] =	sbarrier.arrive $0xFFFF  }
0x2fe: {  	_ =	shalt  }

</sc_bundles>
